<compile_context>
chip_gen: v7x
topology: tpu7x:2x2x1
jax: 0.10.2.dev20260603
libtpu: 0.0.44.dev20260713+nightly
codegen_flags: <defaults>
</compile_context>

<pallas_src>
import functools

import jax
import jax.numpy as jnp
from jax import lax
from jax.experimental import pallas as pl
from jax.experimental.pallas import tpu as pltpu
from jax.experimental.pallas import tpu_sc as plsc

_P = 800000
_C = 50000
_B = 16
_CP = 51200
_NW = 32
_TCK = 6400
_GRP = _TCK // 8
_PR = _P // 8
_IPO = 100
_SPR = 100
_SPP = _SPR * 8
_NST = _P // _SPP
_ZCH = _CP // 16
_RW = _CP // _NW

_SC_PARAMS = pltpu.CompilerParams(use_tc_tiling_on_sc=False)
_SC_MESH = dict(core_axis_name="c", subcore_axis_name="s")


def _worker_id():
    return lax.axis_index("s") * 2 + lax.axis_index("c")


def _worker_stages(wid):
    nb = jnp.where(wid < 8, 32, 31).astype(jnp.int32)
    b0 = (wid * 31 + jnp.minimum(wid, 8)).astype(jnp.int32)
    return b0, nb


def _eye():
    return jnp.eye(_B, dtype=jnp.float32)


def _pack(y):
    yt = lax.dot_general(
        y, _eye(), (((0,), (0,)), ((), ())), preferred_element_type=jnp.float32
    )
    y3 = yt.reshape(8, _GRP, _B)
    return jnp.concatenate([y3[a] for a in range(8)], axis=1)


def _unpack(p8):
    pieces = [p8[:, 16 * a : 16 * a + 16] for a in range(8)]
    pt = jnp.concatenate(pieces, axis=0)
    return lax.dot_general(
        _eye(), pt, (((1,), (1,)), ((), ())), preferred_element_type=jnp.float32
    )


def _mm_body(x_ref, wg_ref, bg_ref, ws_ref, bs_ref, inner_ref, y8_ref, acc):
    i = pl.program_id(0)

    @pl.when(i == 0)
    def _():
        inner = (
            jnp.dot(x_ref[...], wg_ref[...], preferred_element_type=jnp.float32)
            + bg_ref[...]
        )
        acc[...] = inner
        inner_ref[...] = inner

    inner = acc[...]
    y = jnp.dot(inner, ws_ref[...], preferred_element_type=jnp.float32)
    y = jnp.maximum(y + bs_ref[...], 0.0) + 1e-16
    y8_ref[...] = _pack(y)


def _tc_matmul(x, W_gen, b_gen, W_sol, b_sol):
    return pl.pallas_call(
        _mm_body,
        grid=(_P // _TCK,),
        in_specs=[
            pl.BlockSpec((_B, 1024), lambda i: (0, 0)),
            pl.BlockSpec((1024, 64), lambda i: (0, 0)),
            pl.BlockSpec((1, 64), lambda i: (0, 0)),
            pl.BlockSpec((64, _TCK), lambda i: (0, i)),
            pl.BlockSpec((1, _TCK), lambda i: (0, i)),
        ],
        out_specs=[
            pl.BlockSpec((_B, 64), lambda i: (0, 0)),
            pl.BlockSpec((_GRP, 128), lambda i: (i, 0)),
        ],
        out_shape=[
            jax.ShapeDtypeStruct((_B, 64), jnp.float32),
            jax.ShapeDtypeStruct((_PR, 128), jnp.float32),
        ],
        scratch_shapes=[pltpu.VMEM((_B, 64), jnp.float32)],
    )(x, W_gen, b_gen.reshape(1, 64), W_sol, b_sol.reshape(1, _P))


def _seg_slice(seg_hbm, s):
    return seg_hbm.at[pl.ds(8 * s, 8)]


@functools.partial(
    pl.kernel,
    out_type=jax.ShapeDtypeStruct((2, _CP, _B), jnp.float32),
    mesh=plsc.VectorSubcoreMesh(**_SC_MESH),
    scratch_types=[
        pltpu.VMEM((_SPP, _B), jnp.float32),
        pltpu.VMEM((8, _IPO), jnp.int32),
        pltpu.VMEM((_ZCH, _B), jnp.float32),
        pltpu.VMEM_SHARED((_CP, _B), jnp.float32),
        pltpu.SemaphoreType.DMA,
        pltpu.SemaphoreType.DMA,
    ],
    compiler_params=_SC_PARAMS,
)
def _sc_segsum(y8_hbm, seg_hbm, part_hbm, yv, sv, zv, totals, sem_l, sem_a):
    cid = lax.axis_index("c")
    sid = lax.axis_index("s")
    wid = _worker_id()

    def zrow(r, carry):
        zv[r] = jnp.zeros((_B,), jnp.float32)
        return carry

    lax.fori_loop(0, _ZCH, zrow, jnp.int32(0))
    pltpu.sync_copy(zv, totals.at[pl.ds(sid * _ZCH, _ZCH)])
    plsc.subcore_barrier()
    b0, nb = _worker_stages(wid)

    def stage(j, carry):
        s = b0 + j
        row0 = s * _SPR
        loads = [
            pltpu.async_copy(
                y8_hbm.at[pl.ds(row0, _SPR), pl.ds(16 * a, 16)],
                yv.at[pl.ds(_IPO * a, _IPO)],
                sem_l,
            )
            for a in range(8)
        ]
        pltpu.sync_copy(_seg_slice(seg_hbm, s), sv)
        for d in loads:
            d.wait()
        adds = [
            pltpu.async_copy(
                yv.at[pl.ds(_IPO * a, _IPO)], totals.at[sv.at[a]], sem_a, add=True
            )
            for a in range(8)
        ]
        for d in adds:
            d.wait()
        return carry

    lax.fori_loop(0, nb, stage, jnp.int32(0))
    plsc.subcore_barrier()
    pltpu.sync_copy(
        totals.at[pl.ds(sid * _ZCH, _ZCH)],
        part_hbm.at[cid].at[pl.ds(sid * _ZCH, _ZCH)],
    )


@functools.partial(
    pl.kernel,
    out_type=jax.ShapeDtypeStruct((_CP, _B), jnp.float32),
    mesh=plsc.VectorSubcoreMesh(**_SC_MESH),
    scratch_types=[
        pltpu.VMEM((_RW, _B), jnp.float32),
        pltpu.VMEM((_RW, _B), jnp.float32),
        pltpu.VMEM((_RW, _B), jnp.float32),
    ],
    compiler_params=_SC_PARAMS,
)
def _sc_inv(part_hbm, inv_hbm, p0v, p1v, ov):
    wid = _worker_id()
    base = wid * _RW
    pltpu.sync_copy(part_hbm.at[0].at[pl.ds(base, _RW)], p0v)
    pltpu.sync_copy(part_hbm.at[1].at[pl.ds(base, _RW)], p1v)

    def row(r, carry):
        t = p0v[r] + p1v[r]
        ov[r] = jnp.float32(1.0) / t
        return carry

    lax.fori_loop(0, _RW, row, jnp.int32(0))
    pltpu.sync_copy(ov, inv_hbm.at[pl.ds(base, _RW)])


@functools.partial(
    pl.kernel,
    out_type=jax.ShapeDtypeStruct((_PR, 128), jnp.float32),
    mesh=plsc.VectorSubcoreMesh(**_SC_MESH),
    scratch_types=[
        pltpu.VMEM((8, _IPO), jnp.int32),
        pltpu.VMEM((_SPP, _B), jnp.float32),
        pltpu.SemaphoreType.DMA,
        pltpu.SemaphoreType.DMA,
    ],
    compiler_params=_SC_PARAMS,
)
def _sc_gather(seg_hbm, inv_hbm, g8_hbm, sv, gv, sem_g, sem_w):
    wid = _worker_id()
    b0, nb = _worker_stages(wid)

    def stage(j, carry):
        s = b0 + j
        row0 = s * _SPR
        pltpu.sync_copy(_seg_slice(seg_hbm, s), sv)
        gets = [
            pltpu.async_copy(
                inv_hbm.at[sv.at[a]], gv.at[pl.ds(_IPO * a, _IPO)], sem_g
            )
            for a in range(8)
        ]
        for d in gets:
            d.wait()
        puts = [
            pltpu.async_copy(
                gv.at[pl.ds(_IPO * a, _IPO)],
                g8_hbm.at[pl.ds(row0, _SPR), pl.ds(16 * a, 16)],
                sem_w,
            )
            for a in range(8)
        ]
        for d in puts:
            d.wait()
        return carry

    lax.fori_loop(0, nb, stage, jnp.int32(0))


def _fin_body(y8_ref, g8_ref, out_ref):
    prod = y8_ref[...] * g8_ref[...]
    out_ref[...] = _unpack(prod)


def _tc_finalize(y8, g8):
    return pl.pallas_call(
        _fin_body,
        grid=(_P // _TCK,),
        in_specs=[
            pl.BlockSpec((_GRP, 128), lambda i: (i, 0)),
            pl.BlockSpec((_GRP, 128), lambda i: (i, 0)),
        ],
        out_specs=pl.BlockSpec((_B, _TCK), lambda i: (0, i)),
        out_shape=jax.ShapeDtypeStruct((_B, _P), jnp.float32),
    )(y8, g8)


def kernel(x, W_gen, b_gen, W_sol, b_sol, seg_ids):
    seg4 = (
        seg_ids.astype(jnp.int32)
        .reshape(_P // _TCK, 8, 8, _IPO)
        .transpose(0, 2, 1, 3)
        .reshape(_NST * 8, _IPO)
    )
    inner, y8 = _tc_matmul(x, W_gen, b_gen, W_sol, b_sol)
    part = _sc_segsum(y8, seg4)
    inv = _sc_inv(part)
    g8 = _sc_gather(seg4, inv)
    out = _tc_finalize(y8, g8)
    return out, inner

# --- scband reference (transcript-rebuilt; emitter-appended) ---
"""Pipeline reference for scband-dotesynthetis-42391327212300 (READ-ONLY COPY).

The authoritative reference and input builder live on the scoring server;
editing this copy changes nothing except your own understanding.
"""

import jax, jax.numpy as jnp
import numpy as np

C = 50000      # commodities
PPC = 16       # paths per commodity (avg)
P = C * PPC    # 800000 paths
B = 16         # batch
IN_DIM = 1024
HID = 64


def setup_inputs(seed: int = 0) -> dict:
    key = jax.random.key(seed)
    ks = jax.random.split(key, 5)
    x = jax.random.normal(ks[0], (B, IN_DIM), dtype=jnp.float32)
    # path -> commodity map; sorted, equivalent to the COO row structure of
    # commodities_to_paths (each path belongs to exactly one commodity, data=1.0)
    seg_ids = jnp.sort(jax.random.randint(ks[1], (P,), 0, C, dtype=jnp.int64))
    # generator: Linear(IN_DIM -> HID)
    W_gen = jax.random.normal(ks[2], (IN_DIM, HID), dtype=jnp.float32) * (1.0 / np.sqrt(IN_DIM))
    b_gen = jnp.zeros((HID,), dtype=jnp.float32)
    # solver_model: Linear(HID -> P) + ReLU
    W_sol = jax.random.normal(ks[3], (HID, P), dtype=jnp.float32) * (1.0 / np.sqrt(HID))
    b_sol = jax.random.uniform(ks[4], (P,), dtype=jnp.float32) * 0.1
    return {"x": x, "W_gen": W_gen, "b_gen": b_gen, "W_sol": W_sol, "b_sol": b_sol, "seg_ids": seg_ids}


def reference(x, W_gen, b_gen, W_sol, b_sol, seg_ids):
    # inner_feature = flatten(generator(x))
    inner = x @ W_gen + b_gen
    inner_feature = inner.reshape((inner.shape[0], -1))
    # x = solver_model(inner_feature)  (Linear + ReLU so path weights are >= 0)
    y = jax.nn.relu(inner_feature @ W_sol + b_sol)
    # normalize_sp_ratios
    y = y + 1e-16
    paths_weight = jnp.transpose(y)  # [P, B]
    # commodities_to_paths.matmul(paths_weight): sum path weights per commodity
    commodity_total_weight = jax.ops.segment_sum(paths_weight, seg_ids, num_segments=C)  # [C, B]
    commodity_total_weight = 1.0 / commodity_total_weight
    # commodities_to_paths.T.matmul(...): broadcast each commodity's inverse total back to its paths
    paths_over_total = jnp.take(commodity_total_weight, seg_ids, axis=0)  # [P, B]
    paths_split = paths_weight * paths_over_total
    return jnp.transpose(paths_split), inner_feature

if __name__ == "__main__":
    import jax
    _d = setup_inputs()
    print(jax.jit(kernel)(*tuple(_d.values())))

</pallas_src>

<mosaic_0001>
#map = affine_map<(d0, d1) -> (0, 0)>
#map1 = affine_map<(d0, d1) -> (0, 0, 0)>
module attributes {stable_mosaic.version = 14 : i64} {
  func.func @_sc_segsum(%arg0: i32, %arg1: i32, %arg2: memref<100000x128xf32, #tpu.memory_space<hbm>>, %arg3: memref<8000x100xi32, #tpu.memory_space<hbm>>, %arg4: memref<2x51200x16xf32, #tpu.memory_space<hbm>>, %arg5: memref<800x16xf32, #tpu.memory_space<vmem>>, %arg6: memref<8x100xi32, #tpu.memory_space<vmem>>, %arg7: memref<3200x16xf32, #tpu.memory_space<vmem>>, %arg8: memref<51200x16xf32, #tpu.memory_space<vmem_shared>>, %arg9: memref<!tpu.dma_semaphore, #tpu.memory_space<semaphore_mem>>, %arg10: memref<!tpu.dma_semaphore, #tpu.memory_space<semaphore_mem>>) attributes {dimension_semantics = [#tpu.dimension_semantics<core_parallel>, #tpu.dimension_semantics<subcore_parallel>], iteration_bounds = array<i64: 2, 16>, scalar_prefetch = 0 : i64, scratch_operands = 6 : i64, tpu.core_type = #tpu.core_type<sc_vector_subcore>, window_params = [{transform_indices = #map}, {transform_indices = #map}, {transform_indices = #map1}]} {
    %mul3A = arith.constant 2 : i32
    %mul3A_0 = arith.muli %arg1, %mul3A : i32
    %add3A = arith.addi %mul3A_0, %arg0 : i32
    %scan3A = arith.constant 0 : i32
    %scan3A_1 = arith.constant 0 : i32
    %scan3A_2 = arith.constant 3200 : i32
    %scan3A_3 = arith.addi %scan3A_1, %scan3A_2 : i32
    %scan3A_4 = arith.constant 1 : i32
    scf.for %scan3A_28 = %scan3A_1 to %scan3A_3 step %scan3A_4  : i32 {
      %broadcast_in_dim3A = arith.constant 0.000000e+00 : f32
      %broadcast_in_dim3A_29 = vector.broadcast %broadcast_in_dim3A : f32 to vector<16xf32>
      %swap3A = arith.index_cast %scan3A_28 : i32 to index
      %swap3A_30 = arith.constant 0 : index
      %swap3A_31 = tpu.vector_load %arg7[%swap3A, %swap3A_30] {strides = array<i32>} : memref<3200x16xf32, #tpu.memory_space<vmem>>, vector<1x16xf32>,
      %swap3A_32 = vector.shape_cast %swap3A_31 : vector<1x16xf32> to vector<16xf32>
      %swap3A_33 = vector.shape_cast %broadcast_in_dim3A_29 : vector<16xf32> to vector<1x16xf32>
      tpu.vector_store %arg7[%swap3A, %swap3A_30], %swap3A_33 {strides = array<i32>} : memref<3200x16xf32, #tpu.memory_space<vmem>>, vector<1x16xf32>,
    }
    %scan3A_5 = arith.constant 3200 : i32
    %mul3A_6 = arith.constant 3200 : i32
    %mul3A_7 = arith.muli %arg1, %mul3A_6 : i32
    "tpu.region"() ({
      %run_scoped3A = tpu.sem_alloc : memref<!tpu.dma_semaphore, #tpu.memory_space<semaphore_mem>>
      %dma_start3A = arith.constant 0 : i32
      %dma_start3A_28 = tpu.memref_slice %arg8[%mul3A_7, %dma_start3A] : memref<51200x16xf32, #tpu.memory_space<vmem_shared>> -> memref<3200x16xf32, #tpu.memory_space<vmem_shared>>
      %dma_start3A_29 = arith.constant 0 : i32
      %dma_start3A_30 = tpu.memref_slice %arg8[%mul3A_7, %dma_start3A_29] : memref<51200x16xf32, #tpu.memory_space<vmem_shared>> -> memref<3200x16xf32, #tpu.memory_space<vmem_shared>>
      tpu.enqueue_dma source(%arg7 : memref<3200x16xf32, #tpu.memory_space<vmem>>) target(%dma_start3A_30 : memref<3200x16xf32, #tpu.memory_space<vmem_shared>>) target_semaphore(%run_scoped3A : memref<!tpu.dma_semaphore, #tpu.memory_space<semaphore_mem>>)
      %dma_wait3A = arith.constant 0 : i32
      %dma_wait3A_31 = tpu.memref_slice %arg8[%mul3A_7, %dma_wait3A] : memref<51200x16xf32, #tpu.memory_space<vmem_shared>> -> memref<3200x16xf32, #tpu.memory_space<vmem_shared>>
      %dma_wait3A_32 = arith.constant 0 : i32
      %dma_wait3A_33 = tpu.memref_slice %arg8[%mul3A_7, %dma_wait3A_32] : memref<51200x16xf32, #tpu.memory_space<vmem_shared>> -> memref<3200x16xf32, #tpu.memory_space<vmem_shared>>
      tpu.wait_dma2 semaphore(%run_scoped3A : memref<!tpu.dma_semaphore, #tpu.memory_space<semaphore_mem>>) src(%arg7 : memref<3200x16xf32, #tpu.memory_space<vmem>>) dst(%dma_wait3A_33 : memref<3200x16xf32, #tpu.memory_space<vmem_shared>>)
      tpu.yield
    }) : () -> ()
    %barrier3A = arith.constant 0 : index
    tpu.barrier barrier_id(%barrier3A)
    %lt3A = arith.constant 8 : i32
    %lt3A_8 = arith.cmpi slt, %add3A, %lt3A : i32
    %jit3A = arith.constant 32 : i32
    %jit3A_9 = arith.constant 31 : i32
    %select_n3A = arith.select %lt3A_8, %jit3A, %jit3A_9 : i32
    %mul3A_10 = arith.constant 31 : i32
    %mul3A_11 = arith.muli %add3A, %mul3A_10 : i32
    %min3A = arith.constant 8 : i32
    %min3A_12 = arith.minsi %add3A, %min3A : i32
    %add3A_13 = arith.addi %mul3A_11, %min3A_12 : i32
    %while3A = arith.constant 0 : i32
    %while3A_14 = arith.constant 0 : i32
    %while3A_15 = arith.subi %select_n3A, %while3A_14 : i32
    %while3A_16 = arith.addi %while3A_14, %while3A_15 : i32
    %while3A_17 = arith.constant 1 : i32
    %while3A_18 = arith.divsi %while3A_15, %while3A_17 : i32
    %while3A_19 = arith.muli %while3A_18, %while3A_17 : i32
    %while3A_20 = arith.addi %while3A_14, %while3A_19 : i32
    %while3A_21 = arith.constant 1 : i32
    scf.for %while3A_28 = %while3A_14 to %while3A_20 step %while3A_21  : i32 {
      %add3A_29 = arith.addi %add3A_13, %while3A_28 : i32
      %mul3A_30 = arith.constant 100 : i32
      %mul3A_31 = arith.muli %add3A_29, %mul3A_30 : i32
      %dma_start3A = arith.constant 0 : i32
      %dma_start3A_32 = arith.constant 0 : i32
      %dma_start3A_33 = tpu.memref_slice %arg5[%dma_start3A, %dma_start3A_32] : memref<800x16xf32, #tpu.memory_space<vmem>> -> memref<100x16xf32, #tpu.memory_space<vmem>>
      %dma_start3A_34 = arith.constant 0 : i32
      %dma_start3A_35 = tpu.memref_slice %arg2[%mul3A_31, %dma_start3A_34] : memref<100000x128xf32, #tpu.memory_space<hbm>> -> memref<100x16xf32, #tpu.memory_space<hbm>>
      %dma_start3A_36 = arith.constant 0 : i32
      %dma_start3A_37 = arith.constant 0 : i32
      %dma_start3A_38 = tpu.memref_slice %arg5[%dma_start3A_36, %dma_start3A_37] : memref<800x16xf32, #tpu.memory_space<vmem>> -> memref<100x16xf32, #tpu.memory_space<vmem>>
      %dma_start3A_39 = arith.constant 0 : i32
      %dma_start3A_40 = tpu.memref_slice %arg2[%mul3A_31, %dma_start3A_39] : memref<100000x128xf32, #tpu.memory_space<hbm>> -> memref<100x16xf32, #tpu.memory_space<hbm>>
      tpu.enqueue_dma source(%dma_start3A_40 : memref<100x16xf32, #tpu.memory_space<hbm>>) target(%dma_start3A_38 : memref<100x16xf32, #tpu.memory_space<vmem>>) target_semaphore(%arg9 : memref<!tpu.dma_semaphore, #tpu.memory_space<semaphore_mem>>)
      %dma_start3A_41 = arith.constant 100 : i32
      %dma_start3A_42 = arith.constant 0 : i32
      %dma_start3A_43 = tpu.memref_slice %arg5[%dma_start3A_41, %dma_start3A_42] : memref<800x16xf32, #tpu.memory_space<vmem>> -> memref<100x16xf32, #tpu.memory_space<vmem>>
      %dma_start3A_44 = arith.constant 16 : i32
      %dma_start3A_45 = tpu.memref_slice %arg2[%mul3A_31, %dma_start3A_44] : memref<100000x128xf32, #tpu.memory_space<hbm>> -> memref<100x16xf32, #tpu.memory_space<hbm>>
      %dma_start3A_46 = arith.constant 100 : i32
      %dma_start3A_47 = arith.constant 0 : i32
      %dma_start3A_48 = tpu.memref_slice %arg5[%dma_start3A_46, %dma_start3A_47] : memref<800x16xf32, #tpu.memory_space<vmem>> -> memref<100x16xf32, #tpu.memory_space<vmem>>
      %dma_start3A_49 = arith.constant 16 : i32
      %dma_start3A_50 = tpu.memref_slice %arg2[%mul3A_31, %dma_start3A_49] : memref<100000x128xf32, #tpu.memory_space<hbm>> -> memref<100x16xf32, #tpu.memory_space<hbm>>
      tpu.enqueue_dma source(%dma_start3A_50 : memref<100x16xf32, #tpu.memory_space<hbm>>) target(%dma_start3A_48 : memref<100x16xf32, #tpu.memory_space<vmem>>) target_semaphore(%arg9 : memref<!tpu.dma_semaphore, #tpu.memory_space<semaphore_mem>>)
      %dma_start3A_51 = arith.constant 200 : i32
      %dma_start3A_52 = arith.constant 0 : i32
      %dma_start3A_53 = tpu.memref_slice %arg5[%dma_start3A_51, %dma_start3A_52] : memref<800x16xf32, #tpu.memory_space<vmem>> -> memref<100x16xf32, #tpu.memory_space<vmem>>
      %dma_start3A_54 = arith.constant 32 : i32
      %dma_start3A_55 = tpu.memref_slice %arg2[%mul3A_31, %dma_start3A_54] : memref<100000x128xf32, #tpu.memory_space<hbm>> -> memref<100x16xf32, #tpu.memory_space<hbm>>
      %dma_start3A_56 = arith.constant 200 : i32
      %dma_start3A_57 = arith.constant 0 : i32
      %dma_start3A_58 = tpu.memref_slice %arg5[%dma_start3A_56, %dma_start3A_57] : memref<800x16xf32, #tpu.memory_space<vmem>> -> memref<100x16xf32, #tpu.memory_space<vmem>>
      %dma_start3A_59 = arith.constant 32 : i32
      %dma_start3A_60 = tpu.memref_slice %arg2[%mul3A_31, %dma_start3A_59] : memref<100000x128xf32, #tpu.memory_space<hbm>> -> memref<100x16xf32, #tpu.memory_space<hbm>>
      tpu.enqueue_dma source(%dma_start3A_60 : memref<100x16xf32, #tpu.memory_space<hbm>>) target(%dma_start3A_58 : memref<100x16xf32, #tpu.memory_space<vmem>>) target_semaphore(%arg9 : memref<!tpu.dma_semaphore, #tpu.memory_space<semaphore_mem>>)
      %dma_start3A_61 = arith.constant 300 : i32
      %dma_start3A_62 = arith.constant 0 : i32
      %dma_start3A_63 = tpu.memref_slice %arg5[%dma_start3A_61, %dma_start3A_62] : memref<800x16xf32, #tpu.memory_space<vmem>> -> memref<100x16xf32, #tpu.memory_space<vmem>>
      %dma_start3A_64 = arith.constant 48 : i32
      %dma_start3A_65 = tpu.memref_slice %arg2[%mul3A_31, %dma_start3A_64] : memref<100000x128xf32, #tpu.memory_space<hbm>> -> memref<100x16xf32, #tpu.memory_space<hbm>>
      %dma_start3A_66 = arith.constant 300 : i32
      %dma_start3A_67 = arith.constant 0 : i32
      %dma_start3A_68 = tpu.memref_slice %arg5[%dma_start3A_66, %dma_start3A_67] : memref<800x16xf32, #tpu.memory_space<vmem>> -> memref<100x16xf32, #tpu.memory_space<vmem>>
      %dma_start3A_69 = arith.constant 48 : i32
      %dma_start3A_70 = tpu.memref_slice %arg2[%mul3A_31, %dma_start3A_69] : memref<100000x128xf32, #tpu.memory_space<hbm>> -> memref<100x16xf32, #tpu.memory_space<hbm>>
      tpu.enqueue_dma source(%dma_start3A_70 : memref<100x16xf32, #tpu.memory_space<hbm>>) target(%dma_start3A_68 : memref<100x16xf32, #tpu.memory_space<vmem>>) target_semaphore(%arg9 : memref<!tpu.dma_semaphore, #tpu.memory_space<semaphore_mem>>)
      %dma_start3A_71 = arith.constant 400 : i32
      %dma_start3A_72 = arith.constant 0 : i32
      %dma_start3A_73 = tpu.memref_slice %arg5[%dma_start3A_71, %dma_start3A_72] : memref<800x16xf32, #tpu.memory_space<vmem>> -> memref<100x16xf32, #tpu.memory_space<vmem>>
      %dma_start3A_74 = arith.constant 64 : i32
      %dma_start3A_75 = tpu.memref_slice %arg2[%mul3A_31, %dma_start3A_74] : memref<100000x128xf32, #tpu.memory_space<hbm>> -> memref<100x16xf32, #tpu.memory_space<hbm>>
      %dma_start3A_76 = arith.constant 400 : i32
      %dma_start3A_77 = arith.constant 0 : i32
      %dma_start3A_78 = tpu.memref_slice %arg5[%dma_start3A_76, %dma_start3A_77] : memref<800x16xf32, #tpu.memory_space<vmem>> -> memref<100x16xf32, #tpu.memory_space<vmem>>
      %dma_start3A_79 = arith.constant 64 : i32
      %dma_start3A_80 = tpu.memref_slice %arg2[%mul3A_31, %dma_start3A_79] : memref<100000x128xf32, #tpu.memory_space<hbm>> -> memref<100x16xf32, #tpu.memory_space<hbm>>
      tpu.enqueue_dma source(%dma_start3A_80 : memref<100x16xf32, #tpu.memory_space<hbm>>) target(%dma_start3A_78 : memref<100x16xf32, #tpu.memory_space<vmem>>) target_semaphore(%arg9 : memref<!tpu.dma_semaphore, #tpu.memory_space<semaphore_mem>>)
      %dma_start3A_81 = arith.constant 500 : i32
      %dma_start3A_82 = arith.constant 0 : i32
      %dma_start3A_83 = tpu.memref_slice %arg5[%dma_start3A_81, %dma_start3A_82] : memref<800x16xf32, #tpu.memory_space<vmem>> -> memref<100x16xf32, #tpu.memory_space<vmem>>
      %dma_start3A_84 = arith.constant 80 : i32
      %dma_start3A_85 = tpu.memref_slice %arg2[%mul3A_31, %dma_start3A_84] : memref<100000x128xf32, #tpu.memory_space<hbm>> -> memref<100x16xf32, #tpu.memory_space<hbm>>
      %dma_start3A_86 = arith.constant 500 : i32
      %dma_start3A_87 = arith.constant 0 : i32
      %dma_start3A_88 = tpu.memref_slice %arg5[%dma_start3A_86, %dma_start3A_87] : memref<800x16xf32, #tpu.memory_space<vmem>> -> memref<100x16xf32, #tpu.memory_space<vmem>>
      %dma_start3A_89 = arith.constant 80 : i32
      %dma_start3A_90 = tpu.memref_slice %arg2[%mul3A_31, %dma_start3A_89] : memref<100000x128xf32, #tpu.memory_space<hbm>> -> memref<100x16xf32, #tpu.memory_space<hbm>>
      tpu.enqueue_dma source(%dma_start3A_90 : memref<100x16xf32, #tpu.memory_space<hbm>>) target(%dma_start3A_88 : memref<100x16xf32, #tpu.memory_space<vmem>>) target_semaphore(%arg9 : memref<!tpu.dma_semaphore, #tpu.memory_space<semaphore_mem>>)
      %dma_start3A_91 = arith.constant 600 : i32
      %dma_start3A_92 = arith.constant 0 : i32
      %dma_start3A_93 = tpu.memref_slice %arg5[%dma_start3A_91, %dma_start3A_92] : memref<800x16xf32, #tpu.memory_space<vmem>> -> memref<100x16xf32, #tpu.memory_space<vmem>>
      %dma_start3A_94 = arith.constant 96 : i32
      %dma_start3A_95 = tpu.memref_slice %arg2[%mul3A_31, %dma_start3A_94] : memref<100000x128xf32, #tpu.memory_space<hbm>> -> memref<100x16xf32, #tpu.memory_space<hbm>>
      %dma_start3A_96 = arith.constant 600 : i32
      %dma_start3A_97 = arith.constant 0 : i32
      %dma_start3A_98 = tpu.memref_slice %arg5[%dma_start3A_96, %dma_start3A_97] : memref<800x16xf32, #tpu.memory_space<vmem>> -> memref<100x16xf32, #tpu.memory_space<vmem>>
      %dma_start3A_99 = arith.constant 96 : i32
      %dma_start3A_100 = tpu.memref_slice %arg2[%mul3A_31, %dma_start3A_99] : memref<100000x128xf32, #tpu.memory_space<hbm>> -> memref<100x16xf32, #tpu.memory_space<hbm>>
      tpu.enqueue_dma source(%dma_start3A_100 : memref<100x16xf32, #tpu.memory_space<hbm>>) target(%dma_start3A_98 : memref<100x16xf32, #tpu.memory_space<vmem>>) target_semaphore(%arg9 : memref<!tpu.dma_semaphore, #tpu.memory_space<semaphore_mem>>)
      %dma_start3A_101 = arith.constant 700 : i32
      %dma_start3A_102 = arith.constant 0 : i32
      %dma_start3A_103 = tpu.memref_slice %arg5[%dma_start3A_101, %dma_start3A_102] : memref<800x16xf32, #tpu.memory_space<vmem>> -> memref<100x16xf32, #tpu.memory_space<vmem>>
      %dma_start3A_104 = arith.constant 112 : i32
      %dma_start3A_105 = tpu.memref_slice %arg2[%mul3A_31, %dma_start3A_104] : memref<100000x128xf32, #tpu.memory_space<hbm>> -> memref<100x16xf32, #tpu.memory_space<hbm>>
      %dma_start3A_106 = arith.constant 700 : i32
      %dma_start3A_107 = arith.constant 0 : i32
      %dma_start3A_108 = tpu.memref_slice %arg5[%dma_start3A_106, %dma_start3A_107] : memref<800x16xf32, #tpu.memory_space<vmem>> -> memref<100x16xf32, #tpu.memory_space<vmem>>
      %dma_start3A_109 = arith.constant 112 : i32
      %dma_start3A_110 = tpu.memref_slice %arg2[%mul3A_31, %dma_start3A_109] : memref<100000x128xf32, #tpu.memory_space<hbm>> -> memref<100x16xf32, #tpu.memory_space<hbm>>
      tpu.enqueue_dma source(%dma_start3A_110 : memref<100x16xf32, #tpu.memory_space<hbm>>) target(%dma_start3A_108 : memref<100x16xf32, #tpu.memory_space<vmem>>) target_semaphore(%arg9 : memref<!tpu.dma_semaphore, #tpu.memory_space<semaphore_mem>>)
      %mul3A_111 = arith.constant 8 : i32
      %mul3A_112 = arith.muli %mul3A_111, %add3A_29 : i32
      "tpu.region"() ({
        %run_scoped3A = tpu.sem_alloc : memref<!tpu.dma_semaphore, #tpu.memory_space<semaphore_mem>>
        %dma_start3A_352 = arith.constant 0 : i32
        %dma_start3A_353 = tpu.memref_slice %arg3[%mul3A_112, %dma_start3A_352] : memref<8000x100xi32, #tpu.memory_space<hbm>> -> memref<8x100xi32, #tpu.memory_space<hbm>>
        %dma_start3A_354 = arith.constant 0 : i32
        %dma_start3A_355 = tpu.memref_slice %arg3[%mul3A_112, %dma_start3A_354] : memref<8000x100xi32, #tpu.memory_space<hbm>> -> memref<8x100xi32, #tpu.memory_space<hbm>>
        tpu.enqueue_dma source(%dma_start3A_355 : memref<8x100xi32, #tpu.memory_space<hbm>>) target(%arg6 : memref<8x100xi32, #tpu.memory_space<vmem>>) target_semaphore(%run_scoped3A : memref<!tpu.dma_semaphore, #tpu.memory_space<semaphore_mem>>)
        %dma_wait3A_356 = arith.constant 0 : i32
        %dma_wait3A_357 = tpu.memref_slice %arg3[%mul3A_112, %dma_wait3A_356] : memref<8000x100xi32, #tpu.memory_space<hbm>> -> memref<8x100xi32, #tpu.memory_space<hbm>>
        %dma_wait3A_358 = arith.constant 0 : i32
        %dma_wait3A_359 = tpu.memref_slice %arg3[%mul3A_112, %dma_wait3A_358] : memref<8000x100xi32, #tpu.memory_space<hbm>> -> memref<8x100xi32, #tpu.memory_space<hbm>>
        tpu.wait_dma2 semaphore(%run_scoped3A : memref<!tpu.dma_semaphore, #tpu.memory_space<semaphore_mem>>) src(%dma_wait3A_359 : memref<8x100xi32, #tpu.memory_space<hbm>>) dst(%arg6 : memref<8x100xi32, #tpu.memory_space<vmem>>)
        tpu.yield
      }) : () -> ()
      %dma_wait3A = arith.constant 0 : i32
      %dma_wait3A_113 = arith.constant 0 : i32
      %dma_wait3A_114 = tpu.memref_slice %arg5[%dma_wait3A, %dma_wait3A_113] : memref<800x16xf32, #tpu.memory_space<vmem>> -> memref<100x16xf32, #tpu.memory_space<vmem>>
      %dma_wait3A_115 = arith.constant 0 : i32
      %dma_wait3A_116 = tpu.memref_slice %arg2[%mul3A_31, %dma_wait3A_115] : memref<100000x128xf32, #tpu.memory_space<hbm>> -> memref<100x16xf32, #tpu.memory_space<hbm>>
      %dma_wait3A_117 = arith.constant 0 : i32
      %dma_wait3A_118 = arith.constant 0 : i32
      %dma_wait3A_119 = tpu.memref_slice %arg5[%dma_wait3A_117, %dma_wait3A_118] : memref<800x16xf32, #tpu.memory_space<vmem>> -> memref<100x16xf32, #tpu.memory_space<vmem>>
      %dma_wait3A_120 = arith.constant 0 : i32
      %dma_wait3A_121 = tpu.memref_slice %arg2[%mul3A_31, %dma_wait3A_120] : memref<100000x128xf32, #tpu.memory_space<hbm>> -> memref<100x16xf32, #tpu.memory_space<hbm>>
      tpu.wait_dma2 semaphore(%arg9 : memref<!tpu.dma_semaphore, #tpu.memory_space<semaphore_mem>>) src(%dma_wait3A_121 : memref<100x16xf32, #tpu.memory_space<hbm>>) dst(%dma_wait3A_119 : memref<100x16xf32, #tpu.memory_space<vmem>>)
      %dma_wait3A_122 = arith.constant 100 : i32
      %dma_wait3A_123 = arith.constant 0 : i32
      %dma_wait3A_124 = tpu.memref_slice %arg5[%dma_wait3A_122, %dma_wait3A_123] : memref<800x16xf32, #tpu.memory_space<vmem>> -> memref<100x16xf32, #tpu.memory_space<vmem>>
      %dma_wait3A_125 = arith.constant 16 : i32
      %dma_wait3A_126 = tpu.memref_slice %arg2[%mul3A_31, %dma_wait3A_125] : memref<100000x128xf32, #tpu.memory_space<hbm>> -> memref<100x16xf32, #tpu.memory_space<hbm>>
      %dma_wait3A_127 = arith.constant 100 : i32
      %dma_wait3A_128 = arith.constant 0 : i32
      %dma_wait3A_129 = tpu.memref_slice %arg5[%dma_wait3A_127, %dma_wait3A_128] : memref<800x16xf32, #tpu.memory_space<vmem>> -> memref<100x16xf32, #tpu.memory_space<vmem>>
      %dma_wait3A_130 = arith.constant 16 : i32
      %dma_wait3A_131 = tpu.memref_slice %arg2[%mul3A_31, %dma_wait3A_130] : memref<100000x128xf32, #tpu.memory_space<hbm>> -> memref<100x16xf32, #tpu.memory_space<hbm>>
      tpu.wait_dma2 semaphore(%arg9 : memref<!tpu.dma_semaphore, #tpu.memory_space<semaphore_mem>>) src(%dma_wait3A_131 : memref<100x16xf32, #tpu.memory_space<hbm>>) dst(%dma_wait3A_129 : memref<100x16xf32, #tpu.memory_space<vmem>>)
      %dma_wait3A_132 = arith.constant 200 : i32
      %dma_wait3A_133 = arith.constant 0 : i32
      %dma_wait3A_134 = tpu.memref_slice %arg5[%dma_wait3A_132, %dma_wait3A_133] : memref<800x16xf32, #tpu.memory_space<vmem>> -> memref<100x16xf32, #tpu.memory_space<vmem>>
      %dma_wait3A_135 = arith.constant 32 : i32
      %dma_wait3A_136 = tpu.memref_slice %arg2[%mul3A_31, %dma_wait3A_135] : memref<100000x128xf32, #tpu.memory_space<hbm>> -> memref<100x16xf32, #tpu.memory_space<hbm>>
      %dma_wait3A_137 = arith.constant 200 : i32
      %dma_wait3A_138 = arith.constant 0 : i32
      %dma_wait3A_139 = tpu.memref_slice %arg5[%dma_wait3A_137, %dma_wait3A_138] : memref<800x16xf32, #tpu.memory_space<vmem>> -> memref<100x16xf32, #tpu.memory_space<vmem>>
      %dma_wait3A_140 = arith.constant 32 : i32
      %dma_wait3A_141 = tpu.memref_slice %arg2[%mul3A_31, %dma_wait3A_140] : memref<100000x128xf32, #tpu.memory_space<hbm>> -> memref<100x16xf32, #tpu.memory_space<hbm>>
      tpu.wait_dma2 semaphore(%arg9 : memref<!tpu.dma_semaphore, #tpu.memory_space<semaphore_mem>>) src(%dma_wait3A_141 : memref<100x16xf32, #tpu.memory_space<hbm>>) dst(%dma_wait3A_139 : memref<100x16xf32, #tpu.memory_space<vmem>>)
      %dma_wait3A_142 = arith.constant 300 : i32
      %dma_wait3A_143 = arith.constant 0 : i32
      %dma_wait3A_144 = tpu.memref_slice %arg5[%dma_wait3A_142, %dma_wait3A_143] : memref<800x16xf32, #tpu.memory_space<vmem>> -> memref<100x16xf32, #tpu.memory_space<vmem>>
      %dma_wait3A_145 = arith.constant 48 : i32
      %dma_wait3A_146 = tpu.memref_slice %arg2[%mul3A_31, %dma_wait3A_145] : memref<100000x128xf32, #tpu.memory_space<hbm>> -> memref<100x16xf32, #tpu.memory_space<hbm>>
      %dma_wait3A_147 = arith.constant 300 : i32
      %dma_wait3A_148 = arith.constant 0 : i32
      %dma_wait3A_149 = tpu.memref_slice %arg5[%dma_wait3A_147, %dma_wait3A_148] : memref<800x16xf32, #tpu.memory_space<vmem>> -> memref<100x16xf32, #tpu.memory_space<vmem>>
      %dma_wait3A_150 = arith.constant 48 : i32
      %dma_wait3A_151 = tpu.memref_slice %arg2[%mul3A_31, %dma_wait3A_150] : memref<100000x128xf32, #tpu.memory_space<hbm>> -> memref<100x16xf32, #tpu.memory_space<hbm>>
      tpu.wait_dma2 semaphore(%arg9 : memref<!tpu.dma_semaphore, #tpu.memory_space<semaphore_mem>>) src(%dma_wait3A_151 : memref<100x16xf32, #tpu.memory_space<hbm>>) dst(%dma_wait3A_149 : memref<100x16xf32, #tpu.memory_space<vmem>>)
      %dma_wait3A_152 = arith.constant 400 : i32
      %dma_wait3A_153 = arith.constant 0 : i32
      %dma_wait3A_154 = tpu.memref_slice %arg5[%dma_wait3A_152, %dma_wait3A_153] : memref<800x16xf32, #tpu.memory_space<vmem>> -> memref<100x16xf32, #tpu.memory_space<vmem>>
      %dma_wait3A_155 = arith.constant 64 : i32
      %dma_wait3A_156 = tpu.memref_slice %arg2[%mul3A_31, %dma_wait3A_155] : memref<100000x128xf32, #tpu.memory_space<hbm>> -> memref<100x16xf32, #tpu.memory_space<hbm>>
      %dma_wait3A_157 = arith.constant 400 : i32
      %dma_wait3A_158 = arith.constant 0 : i32
      %dma_wait3A_159 = tpu.memref_slice %arg5[%dma_wait3A_157, %dma_wait3A_158] : memref<800x16xf32, #tpu.memory_space<vmem>> -> memref<100x16xf32, #tpu.memory_space<vmem>>
      %dma_wait3A_160 = arith.constant 64 : i32
      %dma_wait3A_161 = tpu.memref_slice %arg2[%mul3A_31, %dma_wait3A_160] : memref<100000x128xf32, #tpu.memory_space<hbm>> -> memref<100x16xf32, #tpu.memory_space<hbm>>
      tpu.wait_dma2 semaphore(%arg9 : memref<!tpu.dma_semaphore, #tpu.memory_space<semaphore_mem>>) src(%dma_wait3A_161 : memref<100x16xf32, #tpu.memory_space<hbm>>) dst(%dma_wait3A_159 : memref<100x16xf32, #tpu.memory_space<vmem>>)
      %dma_wait3A_162 = arith.constant 500 : i32
      %dma_wait3A_163 = arith.constant 0 : i32
      %dma_wait3A_164 = tpu.memref_slice %arg5[%dma_wait3A_162, %dma_wait3A_163] : memref<800x16xf32, #tpu.memory_space<vmem>> -> memref<100x16xf32, #tpu.memory_space<vmem>>
      %dma_wait3A_165 = arith.constant 80 : i32
      %dma_wait3A_166 = tpu.memref_slice %arg2[%mul3A_31, %dma_wait3A_165] : memref<100000x128xf32, #tpu.memory_space<hbm>> -> memref<100x16xf32, #tpu.memory_space<hbm>>
      %dma_wait3A_167 = arith.constant 500 : i32
      %dma_wait3A_168 = arith.constant 0 : i32
      %dma_wait3A_169 = tpu.memref_slice %arg5[%dma_wait3A_167, %dma_wait3A_168] : memref<800x16xf32, #tpu.memory_space<vmem>> -> memref<100x16xf32, #tpu.memory_space<vmem>>
      %dma_wait3A_170 = arith.constant 80 : i32
      %dma_wait3A_171 = tpu.memref_slice %arg2[%mul3A_31, %dma_wait3A_170] : memref<100000x128xf32, #tpu.memory_space<hbm>> -> memref<100x16xf32, #tpu.memory_space<hbm>>
      tpu.wait_dma2 semaphore(%arg9 : memref<!tpu.dma_semaphore, #tpu.memory_space<semaphore_mem>>) src(%dma_wait3A_171 : memref<100x16xf32, #tpu.memory_space<hbm>>) dst(%dma_wait3A_169 : memref<100x16xf32, #tpu.memory_space<vmem>>)
      %dma_wait3A_172 = arith.constant 600 : i32
      %dma_wait3A_173 = arith.constant 0 : i32
      %dma_wait3A_174 = tpu.memref_slice %arg5[%dma_wait3A_172, %dma_wait3A_173] : memref<800x16xf32, #tpu.memory_space<vmem>> -> memref<100x16xf32, #tpu.memory_space<vmem>>
      %dma_wait3A_175 = arith.constant 96 : i32
      %dma_wait3A_176 = tpu.memref_slice %arg2[%mul3A_31, %dma_wait3A_175] : memref<100000x128xf32, #tpu.memory_space<hbm>> -> memref<100x16xf32, #tpu.memory_space<hbm>>
      %dma_wait3A_177 = arith.constant 600 : i32
      %dma_wait3A_178 = arith.constant 0 : i32
      %dma_wait3A_179 = tpu.memref_slice %arg5[%dma_wait3A_177, %dma_wait3A_178] : memref<800x16xf32, #tpu.memory_space<vmem>> -> memref<100x16xf32, #tpu.memory_space<vmem>>
      %dma_wait3A_180 = arith.constant 96 : i32
      %dma_wait3A_181 = tpu.memref_slice %arg2[%mul3A_31, %dma_wait3A_180] : memref<100000x128xf32, #tpu.memory_space<hbm>> -> memref<100x16xf32, #tpu.memory_space<hbm>>
      tpu.wait_dma2 semaphore(%arg9 : memref<!tpu.dma_semaphore, #tpu.memory_space<semaphore_mem>>) src(%dma_wait3A_181 : memref<100x16xf32, #tpu.memory_space<hbm>>) dst(%dma_wait3A_179 : memref<100x16xf32, #tpu.memory_space<vmem>>)
      %dma_wait3A_182 = arith.constant 700 : i32
      %dma_wait3A_183 = arith.constant 0 : i32
      %dma_wait3A_184 = tpu.memref_slice %arg5[%dma_wait3A_182, %dma_wait3A_183] : memref<800x16xf32, #tpu.memory_space<vmem>> -> memref<100x16xf32, #tpu.memory_space<vmem>>
      %dma_wait3A_185 = arith.constant 112 : i32
      %dma_wait3A_186 = tpu.memref_slice %arg2[%mul3A_31, %dma_wait3A_185] : memref<100000x128xf32, #tpu.memory_space<hbm>> -> memref<100x16xf32, #tpu.memory_space<hbm>>
      %dma_wait3A_187 = arith.constant 700 : i32
      %dma_wait3A_188 = arith.constant 0 : i32
      %dma_wait3A_189 = tpu.memref_slice %arg5[%dma_wait3A_187, %dma_wait3A_188] : memref<800x16xf32, #tpu.memory_space<vmem>> -> memref<100x16xf32, #tpu.memory_space<vmem>>
      %dma_wait3A_190 = arith.constant 112 : i32
      %dma_wait3A_191 = tpu.memref_slice %arg2[%mul3A_31, %dma_wait3A_190] : memref<100000x128xf32, #tpu.memory_space<hbm>> -> memref<100x16xf32, #tpu.memory_space<hbm>>
      tpu.wait_dma2 semaphore(%arg9 : memref<!tpu.dma_semaphore, #tpu.memory_space<semaphore_mem>>) src(%dma_wait3A_191 : memref<100x16xf32, #tpu.memory_space<hbm>>) dst(%dma_wait3A_189 : memref<100x16xf32, #tpu.memory_space<vmem>>)
      %dma_start3A_192 = arith.constant 0 : i32
      %dma_start3A_193 = arith.constant 0 : i32
      %dma_start3A_194 = arith.constant 0 : i32
      %dma_start3A_195 = tpu.memref_slice %arg5[%dma_start3A_193, %dma_start3A_194] : memref<800x16xf32, #tpu.memory_space<vmem>> -> memref<100x16xf32, #tpu.memory_space<vmem>>
      %dma_start3A_196 = arith.constant 0 : i32
      %dma_start3A_197 = tpu.memref_slice %arg6[%dma_start3A_192, %dma_start3A_196] : memref<8x100xi32, #tpu.memory_space<vmem>> -> memref<1x100xi32, #tpu.memory_space<vmem>>
      %dma_start3A_198 = tpu.memref_squeeze %dma_start3A_197 : memref<1x100xi32, #tpu.memory_space<vmem>> -> memref<100xi32, #tpu.memory_space<vmem>>
      %dma_start3A_199 = arith.constant 0 : i32
      %dma_start3A_200 = arith.constant 0 : i32
      %dma_start3A_201 = tpu.memref_slice %arg8[%dma_start3A_199, %dma_start3A_200] : memref<51200x16xf32, #tpu.memory_space<vmem_shared>> -> memref<51200x16xf32, #tpu.memory_space<vmem_shared>>
      tpu.enqueue_indirect_dma source(%dma_start3A_195 : memref<100x16xf32, #tpu.memory_space<vmem>>) target(%dma_start3A_201 : memref<51200x16xf32, #tpu.memory_space<vmem_shared>>) offsets(%dma_start3A_198 : memref<100xi32, #tpu.memory_space<vmem>>) semaphore(%arg10 : memref<!tpu.dma_semaphore, #tpu.memory_space<semaphore_mem>>) {add = true}
      %dma_start3A_202 = arith.constant 1 : i32
      %dma_start3A_203 = arith.constant 100 : i32
      %dma_start3A_204 = arith.constant 0 : i32
      %dma_start3A_205 = tpu.memref_slice %arg5[%dma_start3A_203, %dma_start3A_204] : memref<800x16xf32, #tpu.memory_space<vmem>> -> memref<100x16xf32, #tpu.memory_space<vmem>>
      %dma_start3A_206 = arith.constant 0 : i32
      %dma_start3A_207 = tpu.memref_slice %arg6[%dma_start3A_202, %dma_start3A_206] : memref<8x100xi32, #tpu.memory_space<vmem>> -> memref<1x100xi32, #tpu.memory_space<vmem>>
      %dma_start3A_208 = tpu.memref_squeeze %dma_start3A_207 : memref<1x100xi32, #tpu.memory_space<vmem>> -> memref<100xi32, #tpu.memory_space<vmem>>
      %dma_start3A_209 = arith.constant 0 : i32
      %dma_start3A_210 = arith.constant 0 : i32
      %dma_start3A_211 = tpu.memref_slice %arg8[%dma_start3A_209, %dma_start3A_210] : memref<51200x16xf32, #tpu.memory_space<vmem_shared>> -> memref<51200x16xf32, #tpu.memory_space<vmem_shared>>
      tpu.enqueue_indirect_dma source(%dma_start3A_205 : memref<100x16xf32, #tpu.memory_space<vmem>>) target(%dma_start3A_211 : memref<51200x16xf32, #tpu.memory_space<vmem_shared>>) offsets(%dma_start3A_208 : memref<100xi32, #tpu.memory_space<vmem>>) semaphore(%arg10 : memref<!tpu.dma_semaphore, #tpu.memory_space<semaphore_mem>>) {add = true}
      %dma_start3A_212 = arith.constant 2 : i32
      %dma_start3A_213 = arith.constant 200 : i32
      %dma_start3A_214 = arith.constant 0 : i32
      %dma_start3A_215 = tpu.memref_slice %arg5[%dma_start3A_213, %dma_start3A_214] : memref<800x16xf32, #tpu.memory_space<vmem>> -> memref<100x16xf32, #tpu.memory_space<vmem>>
      %dma_start3A_216 = arith.constant 0 : i32
      %dma_start3A_217 = tpu.memref_slice %arg6[%dma_start3A_212, %dma_start3A_216] : memref<8x100xi32, #tpu.memory_space<vmem>> -> memref<1x100xi32, #tpu.memory_space<vmem>>
      %dma_start3A_218 = tpu.memref_squeeze %dma_start3A_217 : memref<1x100xi32, #tpu.memory_space<vmem>> -> memref<100xi32, #tpu.memory_space<vmem>>
      %dma_start3A_219 = arith.constant 0 : i32
      %dma_start3A_220 = arith.constant 0 : i32
      %dma_start3A_221 = tpu.memref_slice %arg8[%dma_start3A_219, %dma_start3A_220] : memref<51200x16xf32, #tpu.memory_space<vmem_shared>> -> memref<51200x16xf32, #tpu.memory_space<vmem_shared>>
      tpu.enqueue_indirect_dma source(%dma_start3A_215 : memref<100x16xf32, #tpu.memory_space<vmem>>) target(%dma_start3A_221 : memref<51200x16xf32, #tpu.memory_space<vmem_shared>>) offsets(%dma_start3A_218 : memref<100xi32, #tpu.memory_space<vmem>>) semaphore(%arg10 : memref<!tpu.dma_semaphore, #tpu.memory_space<semaphore_mem>>) {add = true}
      %dma_start3A_222 = arith.constant 3 : i32
      %dma_start3A_223 = arith.constant 300 : i32
      %dma_start3A_224 = arith.constant 0 : i32
      %dma_start3A_225 = tpu.memref_slice %arg5[%dma_start3A_223, %dma_start3A_224] : memref<800x16xf32, #tpu.memory_space<vmem>> -> memref<100x16xf32, #tpu.memory_space<vmem>>
      %dma_start3A_226 = arith.constant 0 : i32
      %dma_start3A_227 = tpu.memref_slice %arg6[%dma_start3A_222, %dma_start3A_226] : memref<8x100xi32, #tpu.memory_space<vmem>> -> memref<1x100xi32, #tpu.memory_space<vmem>>
      %dma_start3A_228 = tpu.memref_squeeze %dma_start3A_227 : memref<1x100xi32, #tpu.memory_space<vmem>> -> memref<100xi32, #tpu.memory_space<vmem>>
      %dma_start3A_229 = arith.constant 0 : i32
      %dma_start3A_230 = arith.constant 0 : i32
      %dma_start3A_231 = tpu.memref_slice %arg8[%dma_start3A_229, %dma_start3A_230] : memref<51200x16xf32, #tpu.memory_space<vmem_shared>> -> memref<51200x16xf32, #tpu.memory_space<vmem_shared>>
      tpu.enqueue_indirect_dma source(%dma_start3A_225 : memref<100x16xf32, #tpu.memory_space<vmem>>) target(%dma_start3A_231 : memref<51200x16xf32, #tpu.memory_space<vmem_shared>>) offsets(%dma_start3A_228 : memref<100xi32, #tpu.memory_space<vmem>>) semaphore(%arg10 : memref<!tpu.dma_semaphore, #tpu.memory_space<semaphore_mem>>) {add = true}
      %dma_start3A_232 = arith.constant 4 : i32
      %dma_start3A_233 = arith.constant 400 : i32
      %dma_start3A_234 = arith.constant 0 : i32
      %dma_start3A_235 = tpu.memref_slice %arg5[%dma_start3A_233, %dma_start3A_234] : memref<800x16xf32, #tpu.memory_space<vmem>> -> memref<100x16xf32, #tpu.memory_space<vmem>>
      %dma_start3A_236 = arith.constant 0 : i32
      %dma_start3A_237 = tpu.memref_slice %arg6[%dma_start3A_232, %dma_start3A_236] : memref<8x100xi32, #tpu.memory_space<vmem>> -> memref<1x100xi32, #tpu.memory_space<vmem>>
      %dma_start3A_238 = tpu.memref_squeeze %dma_start3A_237 : memref<1x100xi32, #tpu.memory_space<vmem>> -> memref<100xi32, #tpu.memory_space<vmem>>
      %dma_start3A_239 = arith.constant 0 : i32
      %dma_start3A_240 = arith.constant 0 : i32
      %dma_start3A_241 = tpu.memref_slice %arg8[%dma_start3A_239, %dma_start3A_240] : memref<51200x16xf32, #tpu.memory_space<vmem_shared>> -> memref<51200x16xf32, #tpu.memory_space<vmem_shared>>
      tpu.enqueue_indirect_dma source(%dma_start3A_235 : memref<100x16xf32, #tpu.memory_space<vmem>>) target(%dma_start3A_241 : memref<51200x16xf32, #tpu.memory_space<vmem_shared>>) offsets(%dma_start3A_238 : memref<100xi32, #tpu.memory_space<vmem>>) semaphore(%arg10 : memref<!tpu.dma_semaphore, #tpu.memory_space<semaphore_mem>>) {add = true}
      %dma_start3A_242 = arith.constant 5 : i32
      %dma_start3A_243 = arith.constant 500 : i32
      %dma_start3A_244 = arith.constant 0 : i32
      %dma_start3A_245 = tpu.memref_slice %arg5[%dma_start3A_243, %dma_start3A_244] : memref<800x16xf32, #tpu.memory_space<vmem>> -> memref<100x16xf32, #tpu.memory_space<vmem>>
      %dma_start3A_246 = arith.constant 0 : i32
      %dma_start3A_247 = tpu.memref_slice %arg6[%dma_start3A_242, %dma_start3A_246] : memref<8x100xi32, #tpu.memory_space<vmem>> -> memref<1x100xi32, #tpu.memory_space<vmem>>
      %dma_start3A_248 = tpu.memref_squeeze %dma_start3A_247 : memref<1x100xi32, #tpu.memory_space<vmem>> -> memref<100xi32, #tpu.memory_space<vmem>>
      %dma_start3A_249 = arith.constant 0 : i32
      %dma_start3A_250 = arith.constant 0 : i32
      %dma_start3A_251 = tpu.memref_slice %arg8[%dma_start3A_249, %dma_start3A_250] : memref<51200x16xf32, #tpu.memory_space<vmem_shared>> -> memref<51200x16xf32, #tpu.memory_space<vmem_shared>>
      tpu.enqueue_indirect_dma source(%dma_start3A_245 : memref<100x16xf32, #tpu.memory_space<vmem>>) target(%dma_start3A_251 : memref<51200x16xf32, #tpu.memory_space<vmem_shared>>) offsets(%dma_start3A_248 : memref<100xi32, #tpu.memory_space<vmem>>) semaphore(%arg10 : memref<!tpu.dma_semaphore, #tpu.memory_space<semaphore_mem>>) {add = true}
      %dma_start3A_252 = arith.constant 6 : i32
      %dma_start3A_253 = arith.constant 600 : i32
      %dma_start3A_254 = arith.constant 0 : i32
      %dma_start3A_255 = tpu.memref_slice %arg5[%dma_start3A_253, %dma_start3A_254] : memref<800x16xf32, #tpu.memory_space<vmem>> -> memref<100x16xf32, #tpu.memory_space<vmem>>
      %dma_start3A_256 = arith.constant 0 : i32
      %dma_start3A_257 = tpu.memref_slice %arg6[%dma_start3A_252, %dma_start3A_256] : memref<8x100xi32, #tpu.memory_space<vmem>> -> memref<1x100xi32, #tpu.memory_space<vmem>>
      %dma_start3A_258 = tpu.memref_squeeze %dma_start3A_257 : memref<1x100xi32, #tpu.memory_space<vmem>> -> memref<100xi32, #tpu.memory_space<vmem>>
      %dma_start3A_259 = arith.constant 0 : i32
      %dma_start3A_260 = arith.constant 0 : i32
      %dma_start3A_261 = tpu.memref_slice %arg8[%dma_start3A_259, %dma_start3A_260] : memref<51200x16xf32, #tpu.memory_space<vmem_shared>> -> memref<51200x16xf32, #tpu.memory_space<vmem_shared>>
      tpu.enqueue_indirect_dma source(%dma_start3A_255 : memref<100x16xf32, #tpu.memory_space<vmem>>) target(%dma_start3A_261 : memref<51200x16xf32, #tpu.memory_space<vmem_shared>>) offsets(%dma_start3A_258 : memref<100xi32, #tpu.memory_space<vmem>>) semaphore(%arg10 : memref<!tpu.dma_semaphore, #tpu.memory_space<semaphore_mem>>) {add = true}
      %dma_start3A_262 = arith.constant 7 : i32
      %dma_start3A_263 = arith.constant 700 : i32
      %dma_start3A_264 = arith.constant 0 : i32
      %dma_start3A_265 = tpu.memref_slice %arg5[%dma_start3A_263, %dma_start3A_264] : memref<800x16xf32, #tpu.memory_space<vmem>> -> memref<100x16xf32, #tpu.memory_space<vmem>>
      %dma_start3A_266 = arith.constant 0 : i32
      %dma_start3A_267 = tpu.memref_slice %arg6[%dma_start3A_262, %dma_start3A_266] : memref<8x100xi32, #tpu.memory_space<vmem>> -> memref<1x100xi32, #tpu.memory_space<vmem>>
      %dma_start3A_268 = tpu.memref_squeeze %dma_start3A_267 : memref<1x100xi32, #tpu.memory_space<vmem>> -> memref<100xi32, #tpu.memory_space<vmem>>
      %dma_start3A_269 = arith.constant 0 : i32
      %dma_start3A_270 = arith.constant 0 : i32
      %dma_start3A_271 = tpu.memref_slice %arg8[%dma_start3A_269, %dma_start3A_270] : memref<51200x16xf32, #tpu.memory_space<vmem_shared>> -> memref<51200x16xf32, #tpu.memory_space<vmem_shared>>
      tpu.enqueue_indirect_dma source(%dma_start3A_265 : memref<100x16xf32, #tpu.memory_space<vmem>>) target(%dma_start3A_271 : memref<51200x16xf32, #tpu.memory_space<vmem_shared>>) offsets(%dma_start3A_268 : memref<100xi32, #tpu.memory_space<vmem>>) semaphore(%arg10 : memref<!tpu.dma_semaphore, #tpu.memory_space<semaphore_mem>>) {add = true}
      %dma_wait3A_272 = arith.constant 0 : i32
      %dma_wait3A_273 = arith.constant 0 : i32
      %dma_wait3A_274 = arith.constant 0 : i32
      %dma_wait3A_275 = tpu.memref_slice %arg5[%dma_wait3A_273, %dma_wait3A_274] : memref<800x16xf32, #tpu.memory_space<vmem>> -> memref<100x16xf32, #tpu.memory_space<vmem>>
      %dma_wait3A_276 = arith.constant 0 : i32
      %dma_wait3A_277 = tpu.memref_slice %arg6[%dma_wait3A_272, %dma_wait3A_276] : memref<8x100xi32, #tpu.memory_space<vmem>> -> memref<1x100xi32, #tpu.memory_space<vmem>>
      %dma_wait3A_278 = tpu.memref_squeeze %dma_wait3A_277 : memref<1x100xi32, #tpu.memory_space<vmem>> -> memref<100xi32, #tpu.memory_space<vmem>>
      %dma_wait3A_279 = arith.constant 0 : i32
      %dma_wait3A_280 = arith.constant 0 : i32
      %dma_wait3A_281 = tpu.memref_slice %arg8[%dma_wait3A_279, %dma_wait3A_280] : memref<51200x16xf32, #tpu.memory_space<vmem_shared>> -> memref<51200x16xf32, #tpu.memory_space<vmem_shared>>
      tpu.wait_indirect_dma semaphore(%arg10 : memref<!tpu.dma_semaphore, #tpu.memory_space<semaphore_mem>>) src(%dma_wait3A_275 : memref<100x16xf32, #tpu.memory_space<vmem>>) dst(%dma_wait3A_281 : memref<51200x16xf32, #tpu.memory_space<vmem_shared>>)
      %dma_wait3A_282 = arith.constant 1 : i32
      %dma_wait3A_283 = arith.constant 100 : i32
      %dma_wait3A_284 = arith.constant 0 : i32
      %dma_wait3A_285 = tpu.memref_slice %arg5[%dma_wait3A_283, %dma_wait3A_284] : memref<800x16xf32, #tpu.memory_space<vmem>> -> memref<100x16xf32, #tpu.memory_space<vmem>>
      %dma_wait3A_286 = arith.constant 0 : i32
      %dma_wait3A_287 = tpu.memref_slice %arg6[%dma_wait3A_282, %dma_wait3A_286] : memref<8x100xi32, #tpu.memory_space<vmem>> -> memref<1x100xi32, #tpu.memory_space<vmem>>
      %dma_wait3A_288 = tpu.memref_squeeze %dma_wait3A_287 : memref<1x100xi32, #tpu.memory_space<vmem>> -> memref<100xi32, #tpu.memory_space<vmem>>
      %dma_wait3A_289 = arith.constant 0 : i32
      %dma_wait3A_290 = arith.constant 0 : i32
      %dma_wait3A_291 = tpu.memref_slice %arg8[%dma_wait3A_289, %dma_wait3A_290] : memref<51200x16xf32, #tpu.memory_space<vmem_shared>> -> memref<51200x16xf32, #tpu.memory_space<vmem_shared>>
      tpu.wait_indirect_dma semaphore(%arg10 : memref<!tpu.dma_semaphore, #tpu.memory_space<semaphore_mem>>) src(%dma_wait3A_285 : memref<100x16xf32, #tpu.memory_space<vmem>>) dst(%dma_wait3A_291 : memref<51200x16xf32, #tpu.memory_space<vmem_shared>>)
      %dma_wait3A_292 = arith.constant 2 : i32
      %dma_wait3A_293 = arith.constant 200 : i32
      %dma_wait3A_294 = arith.constant 0 : i32
      %dma_wait3A_295 = tpu.memref_slice %arg5[%dma_wait3A_293, %dma_wait3A_294] : memref<800x16xf32, #tpu.memory_space<vmem>> -> memref<100x16xf32, #tpu.memory_space<vmem>>
      %dma_wait3A_296 = arith.constant 0 : i32
      %dma_wait3A_297 = tpu.memref_slice %arg6[%dma_wait3A_292, %dma_wait3A_296] : memref<8x100xi32, #tpu.memory_space<vmem>> -> memref<1x100xi32, #tpu.memory_space<vmem>>
      %dma_wait3A_298 = tpu.memref_squeeze %dma_wait3A_297 : memref<1x100xi32, #tpu.memory_space<vmem>> -> memref<100xi32, #tpu.memory_space<vmem>>
      %dma_wait3A_299 = arith.constant 0 : i32
      %dma_wait3A_300 = arith.constant 0 : i32
      %dma_wait3A_301 = tpu.memref_slice %arg8[%dma_wait3A_299, %dma_wait3A_300] : memref<51200x16xf32, #tpu.memory_space<vmem_shared>> -> memref<51200x16xf32, #tpu.memory_space<vmem_shared>>
      tpu.wait_indirect_dma semaphore(%arg10 : memref<!tpu.dma_semaphore, #tpu.memory_space<semaphore_mem>>) src(%dma_wait3A_295 : memref<100x16xf32, #tpu.memory_space<vmem>>) dst(%dma_wait3A_301 : memref<51200x16xf32, #tpu.memory_space<vmem_shared>>)
      %dma_wait3A_302 = arith.constant 3 : i32
      %dma_wait3A_303 = arith.constant 300 : i32
      %dma_wait3A_304 = arith.constant 0 : i32
      %dma_wait3A_305 = tpu.memref_slice %arg5[%dma_wait3A_303, %dma_wait3A_304] : memref<800x16xf32, #tpu.memory_space<vmem>> -> memref<100x16xf32, #tpu.memory_space<vmem>>
      %dma_wait3A_306 = arith.constant 0 : i32
      %dma_wait3A_307 = tpu.memref_slice %arg6[%dma_wait3A_302, %dma_wait3A_306] : memref<8x100xi32, #tpu.memory_space<vmem>> -> memref<1x100xi32, #tpu.memory_space<vmem>>
      %dma_wait3A_308 = tpu.memref_squeeze %dma_wait3A_307 : memref<1x100xi32, #tpu.memory_space<vmem>> -> memref<100xi32, #tpu.memory_space<vmem>>
      %dma_wait3A_309 = arith.constant 0 : i32
      %dma_wait3A_310 = arith.constant 0 : i32
      %dma_wait3A_311 = tpu.memref_slice %arg8[%dma_wait3A_309, %dma_wait3A_310] : memref<51200x16xf32, #tpu.memory_space<vmem_shared>> -> memref<51200x16xf32, #tpu.memory_space<vmem_shared>>
      tpu.wait_indirect_dma semaphore(%arg10 : memref<!tpu.dma_semaphore, #tpu.memory_space<semaphore_mem>>) src(%dma_wait3A_305 : memref<100x16xf32, #tpu.memory_space<vmem>>) dst(%dma_wait3A_311 : memref<51200x16xf32, #tpu.memory_space<vmem_shared>>)
      %dma_wait3A_312 = arith.constant 4 : i32
      %dma_wait3A_313 = arith.constant 400 : i32
      %dma_wait3A_314 = arith.constant 0 : i32
      %dma_wait3A_315 = tpu.memref_slice %arg5[%dma_wait3A_313, %dma_wait3A_314] : memref<800x16xf32, #tpu.memory_space<vmem>> -> memref<100x16xf32, #tpu.memory_space<vmem>>
      %dma_wait3A_316 = arith.constant 0 : i32
      %dma_wait3A_317 = tpu.memref_slice %arg6[%dma_wait3A_312, %dma_wait3A_316] : memref<8x100xi32, #tpu.memory_space<vmem>> -> memref<1x100xi32, #tpu.memory_space<vmem>>
      %dma_wait3A_318 = tpu.memref_squeeze %dma_wait3A_317 : memref<1x100xi32, #tpu.memory_space<vmem>> -> memref<100xi32, #tpu.memory_space<vmem>>
      %dma_wait3A_319 = arith.constant 0 : i32
      %dma_wait3A_320 = arith.constant 0 : i32
      %dma_wait3A_321 = tpu.memref_slice %arg8[%dma_wait3A_319, %dma_wait3A_320] : memref<51200x16xf32, #tpu.memory_space<vmem_shared>> -> memref<51200x16xf32, #tpu.memory_space<vmem_shared>>
      tpu.wait_indirect_dma semaphore(%arg10 : memref<!tpu.dma_semaphore, #tpu.memory_space<semaphore_mem>>) src(%dma_wait3A_315 : memref<100x16xf32, #tpu.memory_space<vmem>>) dst(%dma_wait3A_321 : memref<51200x16xf32, #tpu.memory_space<vmem_shared>>)
      %dma_wait3A_322 = arith.constant 5 : i32
      %dma_wait3A_323 = arith.constant 500 : i32
      %dma_wait3A_324 = arith.constant 0 : i32
      %dma_wait3A_325 = tpu.memref_slice %arg5[%dma_wait3A_323, %dma_wait3A_324] : memref<800x16xf32, #tpu.memory_space<vmem>> -> memref<100x16xf32, #tpu.memory_space<vmem>>
      %dma_wait3A_326 = arith.constant 0 : i32
      %dma_wait3A_327 = tpu.memref_slice %arg6[%dma_wait3A_322, %dma_wait3A_326] : memref<8x100xi32, #tpu.memory_space<vmem>> -> memref<1x100xi32, #tpu.memory_space<vmem>>
      %dma_wait3A_328 = tpu.memref_squeeze %dma_wait3A_327 : memref<1x100xi32, #tpu.memory_space<vmem>> -> memref<100xi32, #tpu.memory_space<vmem>>
      %dma_wait3A_329 = arith.constant 0 : i32
      %dma_wait3A_330 = arith.constant 0 : i32
      %dma_wait3A_331 = tpu.memref_slice %arg8[%dma_wait3A_329, %dma_wait3A_330] : memref<51200x16xf32, #tpu.memory_space<vmem_shared>> -> memref<51200x16xf32, #tpu.memory_space<vmem_shared>>
      tpu.wait_indirect_dma semaphore(%arg10 : memref<!tpu.dma_semaphore, #tpu.memory_space<semaphore_mem>>) src(%dma_wait3A_325 : memref<100x16xf32, #tpu.memory_space<vmem>>) dst(%dma_wait3A_331 : memref<51200x16xf32, #tpu.memory_space<vmem_shared>>)
      %dma_wait3A_332 = arith.constant 6 : i32
      %dma_wait3A_333 = arith.constant 600 : i32
      %dma_wait3A_334 = arith.constant 0 : i32
      %dma_wait3A_335 = tpu.memref_slice %arg5[%dma_wait3A_333, %dma_wait3A_334] : memref<800x16xf32, #tpu.memory_space<vmem>> -> memref<100x16xf32, #tpu.memory_space<vmem>>
      %dma_wait3A_336 = arith.constant 0 : i32
      %dma_wait3A_337 = tpu.memref_slice %arg6[%dma_wait3A_332, %dma_wait3A_336] : memref<8x100xi32, #tpu.memory_space<vmem>> -> memref<1x100xi32, #tpu.memory_space<vmem>>
      %dma_wait3A_338 = tpu.memref_squeeze %dma_wait3A_337 : memref<1x100xi32, #tpu.memory_space<vmem>> -> memref<100xi32, #tpu.memory_space<vmem>>
      %dma_wait3A_339 = arith.constant 0 : i32
      %dma_wait3A_340 = arith.constant 0 : i32
      %dma_wait3A_341 = tpu.memref_slice %arg8[%dma_wait3A_339, %dma_wait3A_340] : memref<51200x16xf32, #tpu.memory_space<vmem_shared>> -> memref<51200x16xf32, #tpu.memory_space<vmem_shared>>
      tpu.wait_indirect_dma semaphore(%arg10 : memref<!tpu.dma_semaphore, #tpu.memory_space<semaphore_mem>>) src(%dma_wait3A_335 : memref<100x16xf32, #tpu.memory_space<vmem>>) dst(%dma_wait3A_341 : memref<51200x16xf32, #tpu.memory_space<vmem_shared>>)
      %dma_wait3A_342 = arith.constant 7 : i32
      %dma_wait3A_343 = arith.constant 700 : i32
      %dma_wait3A_344 = arith.constant 0 : i32
      %dma_wait3A_345 = tpu.memref_slice %arg5[%dma_wait3A_343, %dma_wait3A_344] : memref<800x16xf32, #tpu.memory_space<vmem>> -> memref<100x16xf32, #tpu.memory_space<vmem>>
      %dma_wait3A_346 = arith.constant 0 : i32
      %dma_wait3A_347 = tpu.memref_slice %arg6[%dma_wait3A_342, %dma_wait3A_346] : memref<8x100xi32, #tpu.memory_space<vmem>> -> memref<1x100xi32, #tpu.memory_space<vmem>>
      %dma_wait3A_348 = tpu.memref_squeeze %dma_wait3A_347 : memref<1x100xi32, #tpu.memory_space<vmem>> -> memref<100xi32, #tpu.memory_space<vmem>>
      %dma_wait3A_349 = arith.constant 0 : i32
      %dma_wait3A_350 = arith.constant 0 : i32
      %dma_wait3A_351 = tpu.memref_slice %arg8[%dma_wait3A_349, %dma_wait3A_350] : memref<51200x16xf32, #tpu.memory_space<vmem_shared>> -> memref<51200x16xf32, #tpu.memory_space<vmem_shared>>
      tpu.wait_indirect_dma semaphore(%arg10 : memref<!tpu.dma_semaphore, #tpu.memory_space<semaphore_mem>>) src(%dma_wait3A_345 : memref<100x16xf32, #tpu.memory_space<vmem>>) dst(%dma_wait3A_351 : memref<51200x16xf32, #tpu.memory_space<vmem_shared>>)
    }
    %while3A_22 = arith.constant 1 : i32
    scf.for %while3A_28 = %while3A_20 to %while3A_16 step %while3A_22  : i32 {
      %add3A_29 = arith.addi %add3A_13, %while3A_28 : i32
      %mul3A_30 = arith.constant 100 : i32
      %mul3A_31 = arith.muli %add3A_29, %mul3A_30 : i32
      %dma_start3A = arith.constant 0 : i32
      %dma_start3A_32 = arith.constant 0 : i32
      %dma_start3A_33 = tpu.memref_slice %arg5[%dma_start3A, %dma_start3A_32] : memref<800x16xf32, #tpu.memory_space<vmem>> -> memref<100x16xf32, #tpu.memory_space<vmem>>
      %dma_start3A_34 = arith.constant 0 : i32
      %dma_start3A_35 = tpu.memref_slice %arg2[%mul3A_31, %dma_start3A_34] : memref<100000x128xf32, #tpu.memory_space<hbm>> -> memref<100x16xf32, #tpu.memory_space<hbm>>
      %dma_start3A_36 = arith.constant 0 : i32
      %dma_start3A_37 = arith.constant 0 : i32
      %dma_start3A_38 = tpu.memref_slice %arg5[%dma_start3A_36, %dma_start3A_37] : memref<800x16xf32, #tpu.memory_space<vmem>> -> memref<100x16xf32, #tpu.memory_space<vmem>>
      %dma_start3A_39 = arith.constant 0 : i32
      %dma_start3A_40 = tpu.memref_slice %arg2[%mul3A_31, %dma_start3A_39] : memref<100000x128xf32, #tpu.memory_space<hbm>> -> memref<100x16xf32, #tpu.memory_space<hbm>>
      tpu.enqueue_dma source(%dma_start3A_40 : memref<100x16xf32, #tpu.memory_space<hbm>>) target(%dma_start3A_38 : memref<100x16xf32, #tpu.memory_space<vmem>>) target_semaphore(%arg9 : memref<!tpu.dma_semaphore, #tpu.memory_space<semaphore_mem>>)
      %dma_start3A_41 = arith.constant 100 : i32
      %dma_start3A_42 = arith.constant 0 : i32
      %dma_start3A_43 = tpu.memref_slice %arg5[%dma_start3A_41, %dma_start3A_42] : memref<800x16xf32, #tpu.memory_space<vmem>> -> memref<100x16xf32, #tpu.memory_space<vmem>>
      %dma_start3A_44 = arith.constant 16 : i32
      %dma_start3A_45 = tpu.memref_slice %arg2[%mul3A_31, %dma_start3A_44] : memref<100000x128xf32, #tpu.memory_space<hbm>> -> memref<100x16xf32, #tpu.memory_space<hbm>>
      %dma_start3A_46 = arith.constant 100 : i32
      %dma_start3A_47 = arith.constant 0 : i32
      %dma_start3A_48 = tpu.memref_slice %arg5[%dma_start3A_46, %dma_start3A_47] : memref<800x16xf32, #tpu.memory_space<vmem>> -> memref<100x16xf32, #tpu.memory_space<vmem>>
      %dma_start3A_49 = arith.constant 16 : i32
      %dma_start3A_50 = tpu.memref_slice %arg2[%mul3A_31, %dma_start3A_49] : memref<100000x128xf32, #tpu.memory_space<hbm>> -> memref<100x16xf32, #tpu.memory_space<hbm>>
      tpu.enqueue_dma source(%dma_start3A_50 : memref<100x16xf32, #tpu.memory_space<hbm>>) target(%dma_start3A_48 : memref<100x16xf32, #tpu.memory_space<vmem>>) target_semaphore(%arg9 : memref<!tpu.dma_semaphore, #tpu.memory_space<semaphore_mem>>)
      %dma_start3A_51 = arith.constant 200 : i32
      %dma_start3A_52 = arith.constant 0 : i32
      %dma_start3A_53 = tpu.memref_slice %arg5[%dma_start3A_51, %dma_start3A_52] : memref<800x16xf32, #tpu.memory_space<vmem>> -> memref<100x16xf32, #tpu.memory_space<vmem>>
      %dma_start3A_54 = arith.constant 32 : i32
      %dma_start3A_55 = tpu.memref_slice %arg2[%mul3A_31, %dma_start3A_54] : memref<100000x128xf32, #tpu.memory_space<hbm>> -> memref<100x16xf32, #tpu.memory_space<hbm>>
      %dma_start3A_56 = arith.constant 200 : i32
      %dma_start3A_57 = arith.constant 0 : i32
      %dma_start3A_58 = tpu.memref_slice %arg5[%dma_start3A_56, %dma_start3A_57] : memref<800x16xf32, #tpu.memory_space<vmem>> -> memref<100x16xf32, #tpu.memory_space<vmem>>
      %dma_start3A_59 = arith.constant 32 : i32
      %dma_start3A_60 = tpu.memref_slice %arg2[%mul3A_31, %dma_start3A_59] : memref<100000x128xf32, #tpu.memory_space<hbm>> -> memref<100x16xf32, #tpu.memory_space<hbm>>
      tpu.enqueue_dma source(%dma_start3A_60 : memref<100x16xf32, #tpu.memory_space<hbm>>) target(%dma_start3A_58 : memref<100x16xf32, #tpu.memory_space<vmem>>) target_semaphore(%arg9 : memref<!tpu.dma_semaphore, #tpu.memory_space<semaphore_mem>>)
      %dma_start3A_61 = arith.constant 300 : i32
      %dma_start3A_62 = arith.constant 0 : i32
      %dma_start3A_63 = tpu.memref_slice %arg5[%dma_start3A_61, %dma_start3A_62] : memref<800x16xf32, #tpu.memory_space<vmem>> -> memref<100x16xf32, #tpu.memory_space<vmem>>
      %dma_start3A_64 = arith.constant 48 : i32
      %dma_start3A_65 = tpu.memref_slice %arg2[%mul3A_31, %dma_start3A_64] : memref<100000x128xf32, #tpu.memory_space<hbm>> -> memref<100x16xf32, #tpu.memory_space<hbm>>
      %dma_start3A_66 = arith.constant 300 : i32
      %dma_start3A_67 = arith.constant 0 : i32
      %dma_start3A_68 = tpu.memref_slice %arg5[%dma_start3A_66, %dma_start3A_67] : memref<800x16xf32, #tpu.memory_space<vmem>> -> memref<100x16xf32, #tpu.memory_space<vmem>>
      %dma_start3A_69 = arith.constant 48 : i32
      %dma_start3A_70 = tpu.memref_slice %arg2[%mul3A_31, %dma_start3A_69] : memref<100000x128xf32, #tpu.memory_space<hbm>> -> memref<100x16xf32, #tpu.memory_space<hbm>>
      tpu.enqueue_dma source(%dma_start3A_70 : memref<100x16xf32, #tpu.memory_space<hbm>>) target(%dma_start3A_68 : memref<100x16xf32, #tpu.memory_space<vmem>>) target_semaphore(%arg9 : memref<!tpu.dma_semaphore, #tpu.memory_space<semaphore_mem>>)
      %dma_start3A_71 = arith.constant 400 : i32
      %dma_start3A_72 = arith.constant 0 : i32
      %dma_start3A_73 = tpu.memref_slice %arg5[%dma_start3A_71, %dma_start3A_72] : memref<800x16xf32, #tpu.memory_space<vmem>> -> memref<100x16xf32, #tpu.memory_space<vmem>>
      %dma_start3A_74 = arith.constant 64 : i32
      %dma_start3A_75 = tpu.memref_slice %arg2[%mul3A_31, %dma_start3A_74] : memref<100000x128xf32, #tpu.memory_space<hbm>> -> memref<100x16xf32, #tpu.memory_space<hbm>>
      %dma_start3A_76 = arith.constant 400 : i32
      %dma_start3A_77 = arith.constant 0 : i32
      %dma_start3A_78 = tpu.memref_slice %arg5[%dma_start3A_76, %dma_start3A_77] : memref<800x16xf32, #tpu.memory_space<vmem>> -> memref<100x16xf32, #tpu.memory_space<vmem>>
      %dma_start3A_79 = arith.constant 64 : i32
      %dma_start3A_80 = tpu.memref_slice %arg2[%mul3A_31, %dma_start3A_79] : memref<100000x128xf32, #tpu.memory_space<hbm>> -> memref<100x16xf32, #tpu.memory_space<hbm>>
      tpu.enqueue_dma source(%dma_start3A_80 : memref<100x16xf32, #tpu.memory_space<hbm>>) target(%dma_start3A_78 : memref<100x16xf32, #tpu.memory_space<vmem>>) target_semaphore(%arg9 : memref<!tpu.dma_semaphore, #tpu.memory_space<semaphore_mem>>)
      %dma_start3A_81 = arith.constant 500 : i32
      %dma_start3A_82 = arith.constant 0 : i32
      %dma_start3A_83 = tpu.memref_slice %arg5[%dma_start3A_81, %dma_start3A_82] : memref<800x16xf32, #tpu.memory_space<vmem>> -> memref<100x16xf32, #tpu.memory_space<vmem>>
      %dma_start3A_84 = arith.constant 80 : i32
      %dma_start3A_85 = tpu.memref_slice %arg2[%mul3A_31, %dma_start3A_84] : memref<100000x128xf32, #tpu.memory_space<hbm>> -> memref<100x16xf32, #tpu.memory_space<hbm>>
      %dma_start3A_86 = arith.constant 500 : i32
      %dma_start3A_87 = arith.constant 0 : i32
      %dma_start3A_88 = tpu.memref_slice %arg5[%dma_start3A_86, %dma_start3A_87] : memref<800x16xf32, #tpu.memory_space<vmem>> -> memref<100x16xf32, #tpu.memory_space<vmem>>
      %dma_start3A_89 = arith.constant 80 : i32
      %dma_start3A_90 = tpu.memref_slice %arg2[%mul3A_31, %dma_start3A_89] : memref<100000x128xf32, #tpu.memory_space<hbm>> -> memref<100x16xf32, #tpu.memory_space<hbm>>
      tpu.enqueue_dma source(%dma_start3A_90 : memref<100x16xf32, #tpu.memory_space<hbm>>) target(%dma_start3A_88 : memref<100x16xf32, #tpu.memory_space<vmem>>) target_semaphore(%arg9 : memref<!tpu.dma_semaphore, #tpu.memory_space<semaphore_mem>>)
      %dma_start3A_91 = arith.constant 600 : i32
      %dma_start3A_92 = arith.constant 0 : i32
      %dma_start3A_93 = tpu.memref_slice %arg5[%dma_start3A_91, %dma_start3A_92] : memref<800x16xf32, #tpu.memory_space<vmem>> -> memref<100x16xf32, #tpu.memory_space<vmem>>
      %dma_start3A_94 = arith.constant 96 : i32
      %dma_start3A_95 = tpu.memref_slice %arg2[%mul3A_31, %dma_start3A_94] : memref<100000x128xf32, #tpu.memory_space<hbm>> -> memref<100x16xf32, #tpu.memory_space<hbm>>
      %dma_start3A_96 = arith.constant 600 : i32
      %dma_start3A_97 = arith.constant 0 : i32
      %dma_start3A_98 = tpu.memref_slice %arg5[%dma_start3A_96, %dma_start3A_97] : memref<800x16xf32, #tpu.memory_space<vmem>> -> memref<100x16xf32, #tpu.memory_space<vmem>>
      %dma_start3A_99 = arith.constant 96 : i32
      %dma_start3A_100 = tpu.memref_slice %arg2[%mul3A_31, %dma_start3A_99] : memref<100000x128xf32, #tpu.memory_space<hbm>> -> memref<100x16xf32, #tpu.memory_space<hbm>>
      tpu.enqueue_dma source(%dma_start3A_100 : memref<100x16xf32, #tpu.memory_space<hbm>>) target(%dma_start3A_98 : memref<100x16xf32, #tpu.memory_space<vmem>>) target_semaphore(%arg9 : memref<!tpu.dma_semaphore, #tpu.memory_space<semaphore_mem>>)
      %dma_start3A_101 = arith.constant 700 : i32
      %dma_start3A_102 = arith.constant 0 : i32
      %dma_start3A_103 = tpu.memref_slice %arg5[%dma_start3A_101, %dma_start3A_102] : memref<800x16xf32, #tpu.memory_space<vmem>> -> memref<100x16xf32, #tpu.memory_space<vmem>>
      %dma_start3A_104 = arith.constant 112 : i32
      %dma_start3A_105 = tpu.memref_slice %arg2[%mul3A_31, %dma_start3A_104] : memref<100000x128xf32, #tpu.memory_space<hbm>> -> memref<100x16xf32, #tpu.memory_space<hbm>>
      %dma_start3A_106 = arith.constant 700 : i32
      %dma_start3A_107 = arith.constant 0 : i32
      %dma_start3A_108 = tpu.memref_slice %arg5[%dma_start3A_106, %dma_start3A_107] : memref<800x16xf32, #tpu.memory_space<vmem>> -> memref<100x16xf32, #tpu.memory_space<vmem>>
      %dma_start3A_109 = arith.constant 112 : i32
      %dma_start3A_110 = tpu.memref_slice %arg2[%mul3A_31, %dma_start3A_109] : memref<100000x128xf32, #tpu.memory_space<hbm>> -> memref<100x16xf32, #tpu.memory_space<hbm>>
      tpu.enqueue_dma source(%dma_start3A_110 : memref<100x16xf32, #tpu.memory_space<hbm>>) target(%dma_start3A_108 : memref<100x16xf32, #tpu.memory_space<vmem>>) target_semaphore(%arg9 : memref<!tpu.dma_semaphore, #tpu.memory_space<semaphore_mem>>)
      %mul3A_111 = arith.constant 8 : i32
      %mul3A_112 = arith.muli %mul3A_111, %add3A_29 : i32
      "tpu.region"() ({
        %run_scoped3A = tpu.sem_alloc : memref<!tpu.dma_semaphore, #tpu.memory_space<semaphore_mem>>
        %dma_start3A_352 = arith.constant 0 : i32
        %dma_start3A_353 = tpu.memref_slice %arg3[%mul3A_112, %dma_start3A_352] : memref<8000x100xi32, #tpu.memory_space<hbm>> -> memref<8x100xi32, #tpu.memory_space<hbm>>
        %dma_start3A_354 = arith.constant 0 : i32
        %dma_start3A_355 = tpu.memref_slice %arg3[%mul3A_112, %dma_start3A_354] : memref<8000x100xi32, #tpu.memory_space<hbm>> -> memref<8x100xi32, #tpu.memory_space<hbm>>
        tpu.enqueue_dma source(%dma_start3A_355 : memref<8x100xi32, #tpu.memory_space<hbm>>) target(%arg6 : memref<8x100xi32, #tpu.memory_space<vmem>>) target_semaphore(%run_scoped3A : memref<!tpu.dma_semaphore, #tpu.memory_space<semaphore_mem>>)
        %dma_wait3A_356 = arith.constant 0 : i32
        %dma_wait3A_357 = tpu.memref_slice %arg3[%mul3A_112, %dma_wait3A_356] : memref<8000x100xi32, #tpu.memory_space<hbm>> -> memref<8x100xi32, #tpu.memory_space<hbm>>
        %dma_wait3A_358 = arith.constant 0 : i32
        %dma_wait3A_359 = tpu.memref_slice %arg3[%mul3A_112, %dma_wait3A_358] : memref<8000x100xi32, #tpu.memory_space<hbm>> -> memref<8x100xi32, #tpu.memory_space<hbm>>
        tpu.wait_dma2 semaphore(%run_scoped3A : memref<!tpu.dma_semaphore, #tpu.memory_space<semaphore_mem>>) src(%dma_wait3A_359 : memref<8x100xi32, #tpu.memory_space<hbm>>) dst(%arg6 : memref<8x100xi32, #tpu.memory_space<vmem>>)
        tpu.yield
      }) : () -> ()
      %dma_wait3A = arith.constant 0 : i32
      %dma_wait3A_113 = arith.constant 0 : i32
      %dma_wait3A_114 = tpu.memref_slice %arg5[%dma_wait3A, %dma_wait3A_113] : memref<800x16xf32, #tpu.memory_space<vmem>> -> memref<100x16xf32, #tpu.memory_space<vmem>>
      %dma_wait3A_115 = arith.constant 0 : i32
      %dma_wait3A_116 = tpu.memref_slice %arg2[%mul3A_31, %dma_wait3A_115] : memref<100000x128xf32, #tpu.memory_space<hbm>> -> memref<100x16xf32, #tpu.memory_space<hbm>>
      %dma_wait3A_117 = arith.constant 0 : i32
      %dma_wait3A_118 = arith.constant 0 : i32
      %dma_wait3A_119 = tpu.memref_slice %arg5[%dma_wait3A_117, %dma_wait3A_118] : memref<800x16xf32, #tpu.memory_space<vmem>> -> memref<100x16xf32, #tpu.memory_space<vmem>>
      %dma_wait3A_120 = arith.constant 0 : i32
      %dma_wait3A_121 = tpu.memref_slice %arg2[%mul3A_31, %dma_wait3A_120] : memref<100000x128xf32, #tpu.memory_space<hbm>> -> memref<100x16xf32, #tpu.memory_space<hbm>>
      tpu.wait_dma2 semaphore(%arg9 : memref<!tpu.dma_semaphore, #tpu.memory_space<semaphore_mem>>) src(%dma_wait3A_121 : memref<100x16xf32, #tpu.memory_space<hbm>>) dst(%dma_wait3A_119 : memref<100x16xf32, #tpu.memory_space<vmem>>)
      %dma_wait3A_122 = arith.constant 100 : i32
      %dma_wait3A_123 = arith.constant 0 : i32
      %dma_wait3A_124 = tpu.memref_slice %arg5[%dma_wait3A_122, %dma_wait3A_123] : memref<800x16xf32, #tpu.memory_space<vmem>> -> memref<100x16xf32, #tpu.memory_space<vmem>>
      %dma_wait3A_125 = arith.constant 16 : i32
      %dma_wait3A_126 = tpu.memref_slice %arg2[%mul3A_31, %dma_wait3A_125] : memref<100000x128xf32, #tpu.memory_space<hbm>> -> memref<100x16xf32, #tpu.memory_space<hbm>>
      %dma_wait3A_127 = arith.constant 100 : i32
      %dma_wait3A_128 = arith.constant 0 : i32
      %dma_wait3A_129 = tpu.memref_slice %arg5[%dma_wait3A_127, %dma_wait3A_128] : memref<800x16xf32, #tpu.memory_space<vmem>> -> memref<100x16xf32, #tpu.memory_space<vmem>>
      %dma_wait3A_130 = arith.constant 16 : i32
      %dma_wait3A_131 = tpu.memref_slice %arg2[%mul3A_31, %dma_wait3A_130] : memref<100000x128xf32, #tpu.memory_space<hbm>> -> memref<100x16xf32, #tpu.memory_space<hbm>>
      tpu.wait_dma2 semaphore(%arg9 : memref<!tpu.dma_semaphore, #tpu.memory_space<semaphore_mem>>) src(%dma_wait3A_131 : memref<100x16xf32, #tpu.memory_space<hbm>>) dst(%dma_wait3A_129 : memref<100x16xf32, #tpu.memory_space<vmem>>)
      %dma_wait3A_132 = arith.constant 200 : i32
      %dma_wait3A_133 = arith.constant 0 : i32
      %dma_wait3A_134 = tpu.memref_slice %arg5[%dma_wait3A_132, %dma_wait3A_133] : memref<800x16xf32, #tpu.memory_space<vmem>> -> memref<100x16xf32, #tpu.memory_space<vmem>>
      %dma_wait3A_135 = arith.constant 32 : i32
      %dma_wait3A_136 = tpu.memref_slice %arg2[%mul3A_31, %dma_wait3A_135] : memref<100000x128xf32, #tpu.memory_space<hbm>> -> memref<100x16xf32, #tpu.memory_space<hbm>>
      %dma_wait3A_137 = arith.constant 200 : i32
      %dma_wait3A_138 = arith.constant 0 : i32
      %dma_wait3A_139 = tpu.memref_slice %arg5[%dma_wait3A_137, %dma_wait3A_138] : memref<800x16xf32, #tpu.memory_space<vmem>> -> memref<100x16xf32, #tpu.memory_space<vmem>>
      %dma_wait3A_140 = arith.constant 32 : i32
      %dma_wait3A_141 = tpu.memref_slice %arg2[%mul3A_31, %dma_wait3A_140] : memref<100000x128xf32, #tpu.memory_space<hbm>> -> memref<100x16xf32, #tpu.memory_space<hbm>>
      tpu.wait_dma2 semaphore(%arg9 : memref<!tpu.dma_semaphore, #tpu.memory_space<semaphore_mem>>) src(%dma_wait3A_141 : memref<100x16xf32, #tpu.memory_space<hbm>>) dst(%dma_wait3A_139 : memref<100x16xf32, #tpu.memory_space<vmem>>)
      %dma_wait3A_142 = arith.constant 300 : i32
      %dma_wait3A_143 = arith.constant 0 : i32
      %dma_wait3A_144 = tpu.memref_slice %arg5[%dma_wait3A_142, %dma_wait3A_143] : memref<800x16xf32, #tpu.memory_space<vmem>> -> memref<100x16xf32, #tpu.memory_space<vmem>>
      %dma_wait3A_145 = arith.constant 48 : i32
      %dma_wait3A_146 = tpu.memref_slice %arg2[%mul3A_31, %dma_wait3A_145] : memref<100000x128xf32, #tpu.memory_space<hbm>> -> memref<100x16xf32, #tpu.memory_space<hbm>>
      %dma_wait3A_147 = arith.constant 300 : i32
      %dma_wait3A_148 = arith.constant 0 : i32
      %dma_wait3A_149 = tpu.memref_slice %arg5[%dma_wait3A_147, %dma_wait3A_148] : memref<800x16xf32, #tpu.memory_space<vmem>> -> memref<100x16xf32, #tpu.memory_space<vmem>>
      %dma_wait3A_150 = arith.constant 48 : i32
      %dma_wait3A_151 = tpu.memref_slice %arg2[%mul3A_31, %dma_wait3A_150] : memref<100000x128xf32, #tpu.memory_space<hbm>> -> memref<100x16xf32, #tpu.memory_space<hbm>>
      tpu.wait_dma2 semaphore(%arg9 : memref<!tpu.dma_semaphore, #tpu.memory_space<semaphore_mem>>) src(%dma_wait3A_151 : memref<100x16xf32, #tpu.memory_space<hbm>>) dst(%dma_wait3A_149 : memref<100x16xf32, #tpu.memory_space<vmem>>)
      %dma_wait3A_152 = arith.constant 400 : i32
      %dma_wait3A_153 = arith.constant 0 : i32
      %dma_wait3A_154 = tpu.memref_slice %arg5[%dma_wait3A_152, %dma_wait3A_153] : memref<800x16xf32, #tpu.memory_space<vmem>> -> memref<100x16xf32, #tpu.memory_space<vmem>>
      %dma_wait3A_155 = arith.constant 64 : i32
      %dma_wait3A_156 = tpu.memref_slice %arg2[%mul3A_31, %dma_wait3A_155] : memref<100000x128xf32, #tpu.memory_space<hbm>> -> memref<100x16xf32, #tpu.memory_space<hbm>>
      %dma_wait3A_157 = arith.constant 400 : i32
      %dma_wait3A_158 = arith.constant 0 : i32
      %dma_wait3A_159 = tpu.memref_slice %arg5[%dma_wait3A_157, %dma_wait3A_158] : memref<800x16xf32, #tpu.memory_space<vmem>> -> memref<100x16xf32, #tpu.memory_space<vmem>>
      %dma_wait3A_160 = arith.constant 64 : i32
      %dma_wait3A_161 = tpu.memref_slice %arg2[%mul3A_31, %dma_wait3A_160] : memref<100000x128xf32, #tpu.memory_space<hbm>> -> memref<100x16xf32, #tpu.memory_space<hbm>>
      tpu.wait_dma2 semaphore(%arg9 : memref<!tpu.dma_semaphore, #tpu.memory_space<semaphore_mem>>) src(%dma_wait3A_161 : memref<100x16xf32, #tpu.memory_space<hbm>>) dst(%dma_wait3A_159 : memref<100x16xf32, #tpu.memory_space<vmem>>)
      %dma_wait3A_162 = arith.constant 500 : i32
      %dma_wait3A_163 = arith.constant 0 : i32
      %dma_wait3A_164 = tpu.memref_slice %arg5[%dma_wait3A_162, %dma_wait3A_163] : memref<800x16xf32, #tpu.memory_space<vmem>> -> memref<100x16xf32, #tpu.memory_space<vmem>>
      %dma_wait3A_165 = arith.constant 80 : i32
      %dma_wait3A_166 = tpu.memref_slice %arg2[%mul3A_31, %dma_wait3A_165] : memref<100000x128xf32, #tpu.memory_space<hbm>> -> memref<100x16xf32, #tpu.memory_space<hbm>>
      %dma_wait3A_167 = arith.constant 500 : i32
      %dma_wait3A_168 = arith.constant 0 : i32
      %dma_wait3A_169 = tpu.memref_slice %arg5[%dma_wait3A_167, %dma_wait3A_168] : memref<800x16xf32, #tpu.memory_space<vmem>> -> memref<100x16xf32, #tpu.memory_space<vmem>>
      %dma_wait3A_170 = arith.constant 80 : i32
      %dma_wait3A_171 = tpu.memref_slice %arg2[%mul3A_31, %dma_wait3A_170] : memref<100000x128xf32, #tpu.memory_space<hbm>> -> memref<100x16xf32, #tpu.memory_space<hbm>>
      tpu.wait_dma2 semaphore(%arg9 : memref<!tpu.dma_semaphore, #tpu.memory_space<semaphore_mem>>) src(%dma_wait3A_171 : memref<100x16xf32, #tpu.memory_space<hbm>>) dst(%dma_wait3A_169 : memref<100x16xf32, #tpu.memory_space<vmem>>)
      %dma_wait3A_172 = arith.constant 600 : i32
      %dma_wait3A_173 = arith.constant 0 : i32
      %dma_wait3A_174 = tpu.memref_slice %arg5[%dma_wait3A_172, %dma_wait3A_173] : memref<800x16xf32, #tpu.memory_space<vmem>> -> memref<100x16xf32, #tpu.memory_space<vmem>>
      %dma_wait3A_175 = arith.constant 96 : i32
      %dma_wait3A_176 = tpu.memref_slice %arg2[%mul3A_31, %dma_wait3A_175] : memref<100000x128xf32, #tpu.memory_space<hbm>> -> memref<100x16xf32, #tpu.memory_space<hbm>>
      %dma_wait3A_177 = arith.constant 600 : i32
      %dma_wait3A_178 = arith.constant 0 : i32
      %dma_wait3A_179 = tpu.memref_slice %arg5[%dma_wait3A_177, %dma_wait3A_178] : memref<800x16xf32, #tpu.memory_space<vmem>> -> memref<100x16xf32, #tpu.memory_space<vmem>>
      %dma_wait3A_180 = arith.constant 96 : i32
      %dma_wait3A_181 = tpu.memref_slice %arg2[%mul3A_31, %dma_wait3A_180] : memref<100000x128xf32, #tpu.memory_space<hbm>> -> memref<100x16xf32, #tpu.memory_space<hbm>>
      tpu.wait_dma2 semaphore(%arg9 : memref<!tpu.dma_semaphore, #tpu.memory_space<semaphore_mem>>) src(%dma_wait3A_181 : memref<100x16xf32, #tpu.memory_space<hbm>>) dst(%dma_wait3A_179 : memref<100x16xf32, #tpu.memory_space<vmem>>)
      %dma_wait3A_182 = arith.constant 700 : i32
      %dma_wait3A_183 = arith.constant 0 : i32
      %dma_wait3A_184 = tpu.memref_slice %arg5[%dma_wait3A_182, %dma_wait3A_183] : memref<800x16xf32, #tpu.memory_space<vmem>> -> memref<100x16xf32, #tpu.memory_space<vmem>>
      %dma_wait3A_185 = arith.constant 112 : i32
      %dma_wait3A_186 = tpu.memref_slice %arg2[%mul3A_31, %dma_wait3A_185] : memref<100000x128xf32, #tpu.memory_space<hbm>> -> memref<100x16xf32, #tpu.memory_space<hbm>>
      %dma_wait3A_187 = arith.constant 700 : i32
      %dma_wait3A_188 = arith.constant 0 : i32
      %dma_wait3A_189 = tpu.memref_slice %arg5[%dma_wait3A_187, %dma_wait3A_188] : memref<800x16xf32, #tpu.memory_space<vmem>> -> memref<100x16xf32, #tpu.memory_space<vmem>>
      %dma_wait3A_190 = arith.constant 112 : i32
      %dma_wait3A_191 = tpu.memref_slice %arg2[%mul3A_31, %dma_wait3A_190] : memref<100000x128xf32, #tpu.memory_space<hbm>> -> memref<100x16xf32, #tpu.memory_space<hbm>>
      tpu.wait_dma2 semaphore(%arg9 : memref<!tpu.dma_semaphore, #tpu.memory_space<semaphore_mem>>) src(%dma_wait3A_191 : memref<100x16xf32, #tpu.memory_space<hbm>>) dst(%dma_wait3A_189 : memref<100x16xf32, #tpu.memory_space<vmem>>)
      %dma_start3A_192 = arith.constant 0 : i32
      %dma_start3A_193 = arith.constant 0 : i32
      %dma_start3A_194 = arith.constant 0 : i32
      %dma_start3A_195 = tpu.memref_slice %arg5[%dma_start3A_193, %dma_start3A_194] : memref<800x16xf32, #tpu.memory_space<vmem>> -> memref<100x16xf32, #tpu.memory_space<vmem>>
      %dma_start3A_196 = arith.constant 0 : i32
      %dma_start3A_197 = tpu.memref_slice %arg6[%dma_start3A_192, %dma_start3A_196] : memref<8x100xi32, #tpu.memory_space<vmem>> -> memref<1x100xi32, #tpu.memory_space<vmem>>
      %dma_start3A_198 = tpu.memref_squeeze %dma_start3A_197 : memref<1x100xi32, #tpu.memory_space<vmem>> -> memref<100xi32, #tpu.memory_space<vmem>>
      %dma_start3A_199 = arith.constant 0 : i32
      %dma_start3A_200 = arith.constant 0 : i32
      %dma_start3A_201 = tpu.memref_slice %arg8[%dma_start3A_199, %dma_start3A_200] : memref<51200x16xf32, #tpu.memory_space<vmem_shared>> -> memref<51200x16xf32, #tpu.memory_space<vmem_shared>>
      tpu.enqueue_indirect_dma source(%dma_start3A_195 : memref<100x16xf32, #tpu.memory_space<vmem>>) target(%dma_start3A_201 : memref<51200x16xf32, #tpu.memory_space<vmem_shared>>) offsets(%dma_start3A_198 : memref<100xi32, #tpu.memory_space<vmem>>) semaphore(%arg10 : memref<!tpu.dma_semaphore, #tpu.memory_space<semaphore_mem>>) {add = true}
      %dma_start3A_202 = arith.constant 1 : i32
      %dma_start3A_203 = arith.constant 100 : i32
      %dma_start3A_204 = arith.constant 0 : i32
      %dma_start3A_205 = tpu.memref_slice %arg5[%dma_start3A_203, %dma_start3A_204] : memref<800x16xf32, #tpu.memory_space<vmem>> -> memref<100x16xf32, #tpu.memory_space<vmem>>
      %dma_start3A_206 = arith.constant 0 : i32
      %dma_start3A_207 = tpu.memref_slice %arg6[%dma_start3A_202, %dma_start3A_206] : memref<8x100xi32, #tpu.memory_space<vmem>> -> memref<1x100xi32, #tpu.memory_space<vmem>>
      %dma_start3A_208 = tpu.memref_squeeze %dma_start3A_207 : memref<1x100xi32, #tpu.memory_space<vmem>> -> memref<100xi32, #tpu.memory_space<vmem>>
      %dma_start3A_209 = arith.constant 0 : i32
      %dma_start3A_210 = arith.constant 0 : i32
      %dma_start3A_211 = tpu.memref_slice %arg8[%dma_start3A_209, %dma_start3A_210] : memref<51200x16xf32, #tpu.memory_space<vmem_shared>> -> memref<51200x16xf32, #tpu.memory_space<vmem_shared>>
      tpu.enqueue_indirect_dma source(%dma_start3A_205 : memref<100x16xf32, #tpu.memory_space<vmem>>) target(%dma_start3A_211 : memref<51200x16xf32, #tpu.memory_space<vmem_shared>>) offsets(%dma_start3A_208 : memref<100xi32, #tpu.memory_space<vmem>>) semaphore(%arg10 : memref<!tpu.dma_semaphore, #tpu.memory_space<semaphore_mem>>) {add = true}
      %dma_start3A_212 = arith.constant 2 : i32
      %dma_start3A_213 = arith.constant 200 : i32
      %dma_start3A_214 = arith.constant 0 : i32
      %dma_start3A_215 = tpu.memref_slice %arg5[%dma_start3A_213, %dma_start3A_214] : memref<800x16xf32, #tpu.memory_space<vmem>> -> memref<100x16xf32, #tpu.memory_space<vmem>>
      %dma_start3A_216 = arith.constant 0 : i32
      %dma_start3A_217 = tpu.memref_slice %arg6[%dma_start3A_212, %dma_start3A_216] : memref<8x100xi32, #tpu.memory_space<vmem>> -> memref<1x100xi32, #tpu.memory_space<vmem>>
      %dma_start3A_218 = tpu.memref_squeeze %dma_start3A_217 : memref<1x100xi32, #tpu.memory_space<vmem>> -> memref<100xi32, #tpu.memory_space<vmem>>
      %dma_start3A_219 = arith.constant 0 : i32
      %dma_start3A_220 = arith.constant 0 : i32
      %dma_start3A_221 = tpu.memref_slice %arg8[%dma_start3A_219, %dma_start3A_220] : memref<51200x16xf32, #tpu.memory_space<vmem_shared>> -> memref<51200x16xf32, #tpu.memory_space<vmem_shared>>
      tpu.enqueue_indirect_dma source(%dma_start3A_215 : memref<100x16xf32, #tpu.memory_space<vmem>>) target(%dma_start3A_221 : memref<51200x16xf32, #tpu.memory_space<vmem_shared>>) offsets(%dma_start3A_218 : memref<100xi32, #tpu.memory_space<vmem>>) semaphore(%arg10 : memref<!tpu.dma_semaphore, #tpu.memory_space<semaphore_mem>>) {add = true}
      %dma_start3A_222 = arith.constant 3 : i32
      %dma_start3A_223 = arith.constant 300 : i32
      %dma_start3A_224 = arith.constant 0 : i32
      %dma_start3A_225 = tpu.memref_slice %arg5[%dma_start3A_223, %dma_start3A_224] : memref<800x16xf32, #tpu.memory_space<vmem>> -> memref<100x16xf32, #tpu.memory_space<vmem>>
      %dma_start3A_226 = arith.constant 0 : i32
      %dma_start3A_227 = tpu.memref_slice %arg6[%dma_start3A_222, %dma_start3A_226] : memref<8x100xi32, #tpu.memory_space<vmem>> -> memref<1x100xi32, #tpu.memory_space<vmem>>
      %dma_start3A_228 = tpu.memref_squeeze %dma_start3A_227 : memref<1x100xi32, #tpu.memory_space<vmem>> -> memref<100xi32, #tpu.memory_space<vmem>>
      %dma_start3A_229 = arith.constant 0 : i32
      %dma_start3A_230 = arith.constant 0 : i32
      %dma_start3A_231 = tpu.memref_slice %arg8[%dma_start3A_229, %dma_start3A_230] : memref<51200x16xf32, #tpu.memory_space<vmem_shared>> -> memref<51200x16xf32, #tpu.memory_space<vmem_shared>>
      tpu.enqueue_indirect_dma source(%dma_start3A_225 : memref<100x16xf32, #tpu.memory_space<vmem>>) target(%dma_start3A_231 : memref<51200x16xf32, #tpu.memory_space<vmem_shared>>) offsets(%dma_start3A_228 : memref<100xi32, #tpu.memory_space<vmem>>) semaphore(%arg10 : memref<!tpu.dma_semaphore, #tpu.memory_space<semaphore_mem>>) {add = true}
      %dma_start3A_232 = arith.constant 4 : i32
      %dma_start3A_233 = arith.constant 400 : i32
      %dma_start3A_234 = arith.constant 0 : i32
      %dma_start3A_235 = tpu.memref_slice %arg5[%dma_start3A_233, %dma_start3A_234] : memref<800x16xf32, #tpu.memory_space<vmem>> -> memref<100x16xf32, #tpu.memory_space<vmem>>
      %dma_start3A_236 = arith.constant 0 : i32
      %dma_start3A_237 = tpu.memref_slice %arg6[%dma_start3A_232, %dma_start3A_236] : memref<8x100xi32, #tpu.memory_space<vmem>> -> memref<1x100xi32, #tpu.memory_space<vmem>>
      %dma_start3A_238 = tpu.memref_squeeze %dma_start3A_237 : memref<1x100xi32, #tpu.memory_space<vmem>> -> memref<100xi32, #tpu.memory_space<vmem>>
      %dma_start3A_239 = arith.constant 0 : i32
      %dma_start3A_240 = arith.constant 0 : i32
      %dma_start3A_241 = tpu.memref_slice %arg8[%dma_start3A_239, %dma_start3A_240] : memref<51200x16xf32, #tpu.memory_space<vmem_shared>> -> memref<51200x16xf32, #tpu.memory_space<vmem_shared>>
      tpu.enqueue_indirect_dma source(%dma_start3A_235 : memref<100x16xf32, #tpu.memory_space<vmem>>) target(%dma_start3A_241 : memref<51200x16xf32, #tpu.memory_space<vmem_shared>>) offsets(%dma_start3A_238 : memref<100xi32, #tpu.memory_space<vmem>>) semaphore(%arg10 : memref<!tpu.dma_semaphore, #tpu.memory_space<semaphore_mem>>) {add = true}
      %dma_start3A_242 = arith.constant 5 : i32
      %dma_start3A_243 = arith.constant 500 : i32
      %dma_start3A_244 = arith.constant 0 : i32
      %dma_start3A_245 = tpu.memref_slice %arg5[%dma_start3A_243, %dma_start3A_244] : memref<800x16xf32, #tpu.memory_space<vmem>> -> memref<100x16xf32, #tpu.memory_space<vmem>>
      %dma_start3A_246 = arith.constant 0 : i32
      %dma_start3A_247 = tpu.memref_slice %arg6[%dma_start3A_242, %dma_start3A_246] : memref<8x100xi32, #tpu.memory_space<vmem>> -> memref<1x100xi32, #tpu.memory_space<vmem>>
      %dma_start3A_248 = tpu.memref_squeeze %dma_start3A_247 : memref<1x100xi32, #tpu.memory_space<vmem>> -> memref<100xi32, #tpu.memory_space<vmem>>
      %dma_start3A_249 = arith.constant 0 : i32
      %dma_start3A_250 = arith.constant 0 : i32
      %dma_start3A_251 = tpu.memref_slice %arg8[%dma_start3A_249, %dma_start3A_250] : memref<51200x16xf32, #tpu.memory_space<vmem_shared>> -> memref<51200x16xf32, #tpu.memory_space<vmem_shared>>
      tpu.enqueue_indirect_dma source(%dma_start3A_245 : memref<100x16xf32, #tpu.memory_space<vmem>>) target(%dma_start3A_251 : memref<51200x16xf32, #tpu.memory_space<vmem_shared>>) offsets(%dma_start3A_248 : memref<100xi32, #tpu.memory_space<vmem>>) semaphore(%arg10 : memref<!tpu.dma_semaphore, #tpu.memory_space<semaphore_mem>>) {add = true}
      %dma_start3A_252 = arith.constant 6 : i32
      %dma_start3A_253 = arith.constant 600 : i32
      %dma_start3A_254 = arith.constant 0 : i32
      %dma_start3A_255 = tpu.memref_slice %arg5[%dma_start3A_253, %dma_start3A_254] : memref<800x16xf32, #tpu.memory_space<vmem>> -> memref<100x16xf32, #tpu.memory_space<vmem>>
      %dma_start3A_256 = arith.constant 0 : i32
      %dma_start3A_257 = tpu.memref_slice %arg6[%dma_start3A_252, %dma_start3A_256] : memref<8x100xi32, #tpu.memory_space<vmem>> -> memref<1x100xi32, #tpu.memory_space<vmem>>
      %dma_start3A_258 = tpu.memref_squeeze %dma_start3A_257 : memref<1x100xi32, #tpu.memory_space<vmem>> -> memref<100xi32, #tpu.memory_space<vmem>>
      %dma_start3A_259 = arith.constant 0 : i32
      %dma_start3A_260 = arith.constant 0 : i32
      %dma_start3A_261 = tpu.memref_slice %arg8[%dma_start3A_259, %dma_start3A_260] : memref<51200x16xf32, #tpu.memory_space<vmem_shared>> -> memref<51200x16xf32, #tpu.memory_space<vmem_shared>>
      tpu.enqueue_indirect_dma source(%dma_start3A_255 : memref<100x16xf32, #tpu.memory_space<vmem>>) target(%dma_start3A_261 : memref<51200x16xf32, #tpu.memory_space<vmem_shared>>) offsets(%dma_start3A_258 : memref<100xi32, #tpu.memory_space<vmem>>) semaphore(%arg10 : memref<!tpu.dma_semaphore, #tpu.memory_space<semaphore_mem>>) {add = true}
      %dma_start3A_262 = arith.constant 7 : i32
      %dma_start3A_263 = arith.constant 700 : i32
      %dma_start3A_264 = arith.constant 0 : i32
      %dma_start3A_265 = tpu.memref_slice %arg5[%dma_start3A_263, %dma_start3A_264] : memref<800x16xf32, #tpu.memory_space<vmem>> -> memref<100x16xf32, #tpu.memory_space<vmem>>
      %dma_start3A_266 = arith.constant 0 : i32
      %dma_start3A_267 = tpu.memref_slice %arg6[%dma_start3A_262, %dma_start3A_266] : memref<8x100xi32, #tpu.memory_space<vmem>> -> memref<1x100xi32, #tpu.memory_space<vmem>>
      %dma_start3A_268 = tpu.memref_squeeze %dma_start3A_267 : memref<1x100xi32, #tpu.memory_space<vmem>> -> memref<100xi32, #tpu.memory_space<vmem>>
      %dma_start3A_269 = arith.constant 0 : i32
      %dma_start3A_270 = arith.constant 0 : i32
      %dma_start3A_271 = tpu.memref_slice %arg8[%dma_start3A_269, %dma_start3A_270] : memref<51200x16xf32, #tpu.memory_space<vmem_shared>> -> memref<51200x16xf32, #tpu.memory_space<vmem_shared>>
      tpu.enqueue_indirect_dma source(%dma_start3A_265 : memref<100x16xf32, #tpu.memory_space<vmem>>) target(%dma_start3A_271 : memref<51200x16xf32, #tpu.memory_space<vmem_shared>>) offsets(%dma_start3A_268 : memref<100xi32, #tpu.memory_space<vmem>>) semaphore(%arg10 : memref<!tpu.dma_semaphore, #tpu.memory_space<semaphore_mem>>) {add = true}
      %dma_wait3A_272 = arith.constant 0 : i32
      %dma_wait3A_273 = arith.constant 0 : i32
      %dma_wait3A_274 = arith.constant 0 : i32
      %dma_wait3A_275 = tpu.memref_slice %arg5[%dma_wait3A_273, %dma_wait3A_274] : memref<800x16xf32, #tpu.memory_space<vmem>> -> memref<100x16xf32, #tpu.memory_space<vmem>>
      %dma_wait3A_276 = arith.constant 0 : i32
      %dma_wait3A_277 = tpu.memref_slice %arg6[%dma_wait3A_272, %dma_wait3A_276] : memref<8x100xi32, #tpu.memory_space<vmem>> -> memref<1x100xi32, #tpu.memory_space<vmem>>
      %dma_wait3A_278 = tpu.memref_squeeze %dma_wait3A_277 : memref<1x100xi32, #tpu.memory_space<vmem>> -> memref<100xi32, #tpu.memory_space<vmem>>
      %dma_wait3A_279 = arith.constant 0 : i32
      %dma_wait3A_280 = arith.constant 0 : i32
      %dma_wait3A_281 = tpu.memref_slice %arg8[%dma_wait3A_279, %dma_wait3A_280] : memref<51200x16xf32, #tpu.memory_space<vmem_shared>> -> memref<51200x16xf32, #tpu.memory_space<vmem_shared>>
      tpu.wait_indirect_dma semaphore(%arg10 : memref<!tpu.dma_semaphore, #tpu.memory_space<semaphore_mem>>) src(%dma_wait3A_275 : memref<100x16xf32, #tpu.memory_space<vmem>>) dst(%dma_wait3A_281 : memref<51200x16xf32, #tpu.memory_space<vmem_shared>>)
      %dma_wait3A_282 = arith.constant 1 : i32
      %dma_wait3A_283 = arith.constant 100 : i32
      %dma_wait3A_284 = arith.constant 0 : i32
      %dma_wait3A_285 = tpu.memref_slice %arg5[%dma_wait3A_283, %dma_wait3A_284] : memref<800x16xf32, #tpu.memory_space<vmem>> -> memref<100x16xf32, #tpu.memory_space<vmem>>
      %dma_wait3A_286 = arith.constant 0 : i32
      %dma_wait3A_287 = tpu.memref_slice %arg6[%dma_wait3A_282, %dma_wait3A_286] : memref<8x100xi32, #tpu.memory_space<vmem>> -> memref<1x100xi32, #tpu.memory_space<vmem>>
      %dma_wait3A_288 = tpu.memref_squeeze %dma_wait3A_287 : memref<1x100xi32, #tpu.memory_space<vmem>> -> memref<100xi32, #tpu.memory_space<vmem>>
      %dma_wait3A_289 = arith.constant 0 : i32
      %dma_wait3A_290 = arith.constant 0 : i32
      %dma_wait3A_291 = tpu.memref_slice %arg8[%dma_wait3A_289, %dma_wait3A_290] : memref<51200x16xf32, #tpu.memory_space<vmem_shared>> -> memref<51200x16xf32, #tpu.memory_space<vmem_shared>>
      tpu.wait_indirect_dma semaphore(%arg10 : memref<!tpu.dma_semaphore, #tpu.memory_space<semaphore_mem>>) src(%dma_wait3A_285 : memref<100x16xf32, #tpu.memory_space<vmem>>) dst(%dma_wait3A_291 : memref<51200x16xf32, #tpu.memory_space<vmem_shared>>)
      %dma_wait3A_292 = arith.constant 2 : i32
      %dma_wait3A_293 = arith.constant 200 : i32
      %dma_wait3A_294 = arith.constant 0 : i32
      %dma_wait3A_295 = tpu.memref_slice %arg5[%dma_wait3A_293, %dma_wait3A_294] : memref<800x16xf32, #tpu.memory_space<vmem>> -> memref<100x16xf32, #tpu.memory_space<vmem>>
      %dma_wait3A_296 = arith.constant 0 : i32
      %dma_wait3A_297 = tpu.memref_slice %arg6[%dma_wait3A_292, %dma_wait3A_296] : memref<8x100xi32, #tpu.memory_space<vmem>> -> memref<1x100xi32, #tpu.memory_space<vmem>>
      %dma_wait3A_298 = tpu.memref_squeeze %dma_wait3A_297 : memref<1x100xi32, #tpu.memory_space<vmem>> -> memref<100xi32, #tpu.memory_space<vmem>>
      %dma_wait3A_299 = arith.constant 0 : i32
      %dma_wait3A_300 = arith.constant 0 : i32
      %dma_wait3A_301 = tpu.memref_slice %arg8[%dma_wait3A_299, %dma_wait3A_300] : memref<51200x16xf32, #tpu.memory_space<vmem_shared>> -> memref<51200x16xf32, #tpu.memory_space<vmem_shared>>
      tpu.wait_indirect_dma semaphore(%arg10 : memref<!tpu.dma_semaphore, #tpu.memory_space<semaphore_mem>>) src(%dma_wait3A_295 : memref<100x16xf32, #tpu.memory_space<vmem>>) dst(%dma_wait3A_301 : memref<51200x16xf32, #tpu.memory_space<vmem_shared>>)
      %dma_wait3A_302 = arith.constant 3 : i32
      %dma_wait3A_303 = arith.constant 300 : i32
      %dma_wait3A_304 = arith.constant 0 : i32
      %dma_wait3A_305 = tpu.memref_slice %arg5[%dma_wait3A_303, %dma_wait3A_304] : memref<800x16xf32, #tpu.memory_space<vmem>> -> memref<100x16xf32, #tpu.memory_space<vmem>>
      %dma_wait3A_306 = arith.constant 0 : i32
      %dma_wait3A_307 = tpu.memref_slice %arg6[%dma_wait3A_302, %dma_wait3A_306] : memref<8x100xi32, #tpu.memory_space<vmem>> -> memref<1x100xi32, #tpu.memory_space<vmem>>
      %dma_wait3A_308 = tpu.memref_squeeze %dma_wait3A_307 : memref<1x100xi32, #tpu.memory_space<vmem>> -> memref<100xi32, #tpu.memory_space<vmem>>
      %dma_wait3A_309 = arith.constant 0 : i32
      %dma_wait3A_310 = arith.constant 0 : i32
      %dma_wait3A_311 = tpu.memref_slice %arg8[%dma_wait3A_309, %dma_wait3A_310] : memref<51200x16xf32, #tpu.memory_space<vmem_shared>> -> memref<51200x16xf32, #tpu.memory_space<vmem_shared>>
      tpu.wait_indirect_dma semaphore(%arg10 : memref<!tpu.dma_semaphore, #tpu.memory_space<semaphore_mem>>) src(%dma_wait3A_305 : memref<100x16xf32, #tpu.memory_space<vmem>>) dst(%dma_wait3A_311 : memref<51200x16xf32, #tpu.memory_space<vmem_shared>>)
      %dma_wait3A_312 = arith.constant 4 : i32
      %dma_wait3A_313 = arith.constant 400 : i32
      %dma_wait3A_314 = arith.constant 0 : i32
      %dma_wait3A_315 = tpu.memref_slice %arg5[%dma_wait3A_313, %dma_wait3A_314] : memref<800x16xf32, #tpu.memory_space<vmem>> -> memref<100x16xf32, #tpu.memory_space<vmem>>
      %dma_wait3A_316 = arith.constant 0 : i32
      %dma_wait3A_317 = tpu.memref_slice %arg6[%dma_wait3A_312, %dma_wait3A_316] : memref<8x100xi32, #tpu.memory_space<vmem>> -> memref<1x100xi32, #tpu.memory_space<vmem>>
      %dma_wait3A_318 = tpu.memref_squeeze %dma_wait3A_317 : memref<1x100xi32, #tpu.memory_space<vmem>> -> memref<100xi32, #tpu.memory_space<vmem>>
      %dma_wait3A_319 = arith.constant 0 : i32
      %dma_wait3A_320 = arith.constant 0 : i32
      %dma_wait3A_321 = tpu.memref_slice %arg8[%dma_wait3A_319, %dma_wait3A_320] : memref<51200x16xf32, #tpu.memory_space<vmem_shared>> -> memref<51200x16xf32, #tpu.memory_space<vmem_shared>>
      tpu.wait_indirect_dma semaphore(%arg10 : memref<!tpu.dma_semaphore, #tpu.memory_space<semaphore_mem>>) src(%dma_wait3A_315 : memref<100x16xf32, #tpu.memory_space<vmem>>) dst(%dma_wait3A_321 : memref<51200x16xf32, #tpu.memory_space<vmem_shared>>)
      %dma_wait3A_322 = arith.constant 5 : i32
      %dma_wait3A_323 = arith.constant 500 : i32
      %dma_wait3A_324 = arith.constant 0 : i32
      %dma_wait3A_325 = tpu.memref_slice %arg5[%dma_wait3A_323, %dma_wait3A_324] : memref<800x16xf32, #tpu.memory_space<vmem>> -> memref<100x16xf32, #tpu.memory_space<vmem>>
      %dma_wait3A_326 = arith.constant 0 : i32
      %dma_wait3A_327 = tpu.memref_slice %arg6[%dma_wait3A_322, %dma_wait3A_326] : memref<8x100xi32, #tpu.memory_space<vmem>> -> memref<1x100xi32, #tpu.memory_space<vmem>>
      %dma_wait3A_328 = tpu.memref_squeeze %dma_wait3A_327 : memref<1x100xi32, #tpu.memory_space<vmem>> -> memref<100xi32, #tpu.memory_space<vmem>>
      %dma_wait3A_329 = arith.constant 0 : i32
      %dma_wait3A_330 = arith.constant 0 : i32
      %dma_wait3A_331 = tpu.memref_slice %arg8[%dma_wait3A_329, %dma_wait3A_330] : memref<51200x16xf32, #tpu.memory_space<vmem_shared>> -> memref<51200x16xf32, #tpu.memory_space<vmem_shared>>
      tpu.wait_indirect_dma semaphore(%arg10 : memref<!tpu.dma_semaphore, #tpu.memory_space<semaphore_mem>>) src(%dma_wait3A_325 : memref<100x16xf32, #tpu.memory_space<vmem>>) dst(%dma_wait3A_331 : memref<51200x16xf32, #tpu.memory_space<vmem_shared>>)
      %dma_wait3A_332 = arith.constant 6 : i32
      %dma_wait3A_333 = arith.constant 600 : i32
      %dma_wait3A_334 = arith.constant 0 : i32
      %dma_wait3A_335 = tpu.memref_slice %arg5[%dma_wait3A_333, %dma_wait3A_334] : memref<800x16xf32, #tpu.memory_space<vmem>> -> memref<100x16xf32, #tpu.memory_space<vmem>>
      %dma_wait3A_336 = arith.constant 0 : i32
      %dma_wait3A_337 = tpu.memref_slice %arg6[%dma_wait3A_332, %dma_wait3A_336] : memref<8x100xi32, #tpu.memory_space<vmem>> -> memref<1x100xi32, #tpu.memory_space<vmem>>
      %dma_wait3A_338 = tpu.memref_squeeze %dma_wait3A_337 : memref<1x100xi32, #tpu.memory_space<vmem>> -> memref<100xi32, #tpu.memory_space<vmem>>
      %dma_wait3A_339 = arith.constant 0 : i32
      %dma_wait3A_340 = arith.constant 0 : i32
      %dma_wait3A_341 = tpu.memref_slice %arg8[%dma_wait3A_339, %dma_wait3A_340] : memref<51200x16xf32, #tpu.memory_space<vmem_shared>> -> memref<51200x16xf32, #tpu.memory_space<vmem_shared>>
      tpu.wait_indirect_dma semaphore(%arg10 : memref<!tpu.dma_semaphore, #tpu.memory_space<semaphore_mem>>) src(%dma_wait3A_335 : memref<100x16xf32, #tpu.memory_space<vmem>>) dst(%dma_wait3A_341 : memref<51200x16xf32, #tpu.memory_space<vmem_shared>>)
      %dma_wait3A_342 = arith.constant 7 : i32
      %dma_wait3A_343 = arith.constant 700 : i32
      %dma_wait3A_344 = arith.constant 0 : i32
      %dma_wait3A_345 = tpu.memref_slice %arg5[%dma_wait3A_343, %dma_wait3A_344] : memref<800x16xf32, #tpu.memory_space<vmem>> -> memref<100x16xf32, #tpu.memory_space<vmem>>
      %dma_wait3A_346 = arith.constant 0 : i32
      %dma_wait3A_347 = tpu.memref_slice %arg6[%dma_wait3A_342, %dma_wait3A_346] : memref<8x100xi32, #tpu.memory_space<vmem>> -> memref<1x100xi32, #tpu.memory_space<vmem>>
      %dma_wait3A_348 = tpu.memref_squeeze %dma_wait3A_347 : memref<1x100xi32, #tpu.memory_space<vmem>> -> memref<100xi32, #tpu.memory_space<vmem>>
      %dma_wait3A_349 = arith.constant 0 : i32
      %dma_wait3A_350 = arith.constant 0 : i32
      %dma_wait3A_351 = tpu.memref_slice %arg8[%dma_wait3A_349, %dma_wait3A_350] : memref<51200x16xf32, #tpu.memory_space<vmem_shared>> -> memref<51200x16xf32, #tpu.memory_space<vmem_shared>>
      tpu.wait_indirect_dma semaphore(%arg10 : memref<!tpu.dma_semaphore, #tpu.memory_space<semaphore_mem>>) src(%dma_wait3A_345 : memref<100x16xf32, #tpu.memory_space<vmem>>) dst(%dma_wait3A_351 : memref<51200x16xf32, #tpu.memory_space<vmem_shared>>)
    }
    %barrier3A_23 = arith.constant 0 : index
    tpu.barrier barrier_id(%barrier3A_23)
    %mul3A_24 = arith.constant 3200 : i32
    %mul3A_25 = arith.muli %arg1, %mul3A_24 : i32
    %mul3A_26 = arith.constant 3200 : i32
    %mul3A_27 = arith.muli %arg1, %mul3A_26 : i32
    "tpu.region"() ({
      %run_scoped3A = tpu.sem_alloc : memref<!tpu.dma_semaphore, #tpu.memory_space<semaphore_mem>>
      %dma_start3A = arith.constant 0 : i32
      %dma_start3A_28 = arith.constant 0 : i32
      %dma_start3A_29 = tpu.memref_slice %arg4[%arg0, %dma_start3A, %dma_start3A_28] : memref<2x51200x16xf32, #tpu.memory_space<hbm>> -> memref<1x51200x16xf32, #tpu.memory_space<hbm>>
      %dma_start3A_30 = tpu.memref_squeeze %dma_start3A_29 : memref<1x51200x16xf32, #tpu.memory_space<hbm>> -> memref<51200x16xf32, #tpu.memory_space<hbm>>
      %dma_start3A_31 = arith.constant 0 : i32
      %dma_start3A_32 = tpu.memref_slice %dma_start3A_30[%mul3A_27, %dma_start3A_31] : memref<51200x16xf32, #tpu.memory_space<hbm>> -> memref<3200x16xf32, #tpu.memory_space<hbm>>
      %dma_start3A_33 = arith.constant 0 : i32
      %dma_start3A_34 = tpu.memref_slice %arg8[%mul3A_25, %dma_start3A_33] : memref<51200x16xf32, #tpu.memory_space<vmem_shared>> -> memref<3200x16xf32, #tpu.memory_space<vmem_shared>>
      tpu.enqueue_dma source(%dma_start3A_34 : memref<3200x16xf32, #tpu.memory_space<vmem_shared>>) target(%dma_start3A_32 : memref<3200x16xf32, #tpu.memory_space<hbm>>) target_semaphore(%run_scoped3A : memref<!tpu.dma_semaphore, #tpu.memory_space<semaphore_mem>>)
      %dma_wait3A = arith.constant 0 : i32
      %dma_wait3A_35 = arith.constant 0 : i32
      %dma_wait3A_36 = tpu.memref_slice %arg4[%arg0, %dma_wait3A, %dma_wait3A_35] : memref<2x51200x16xf32, #tpu.memory_space<hbm>> -> memref<1x51200x16xf32, #tpu.memory_space<hbm>>
      %dma_wait3A_37 = tpu.memref_squeeze %dma_wait3A_36 : memref<1x51200x16xf32, #tpu.memory_space<hbm>> -> memref<51200x16xf32, #tpu.memory_space<hbm>>
      %dma_wait3A_38 = arith.constant 0 : i32
      %dma_wait3A_39 = tpu.memref_slice %dma_wait3A_37[%mul3A_27, %dma_wait3A_38] : memref<51200x16xf32, #tpu.memory_space<hbm>> -> memref<3200x16xf32, #tpu.memory_space<hbm>>
      %dma_wait3A_40 = arith.constant 0 : i32
      %dma_wait3A_41 = tpu.memref_slice %arg8[%mul3A_25, %dma_wait3A_40] : memref<51200x16xf32, #tpu.memory_space<vmem_shared>> -> memref<3200x16xf32, #tpu.memory_space<vmem_shared>>
      tpu.wait_dma2 semaphore(%run_scoped3A : memref<!tpu.dma_semaphore, #tpu.memory_space<semaphore_mem>>) src(%dma_wait3A_41 : memref<3200x16xf32, #tpu.memory_space<vmem_shared>>) dst(%dma_wait3A_39 : memref<3200x16xf32, #tpu.memory_space<hbm>>)
      tpu.yield
    }) : () -> ()
    return
  }
}

#map = affine_map<(d0, d1) -> (0, 0, 0)>
#map1 = affine_map<(d0, d1) -> (0, 0)>
module attributes {stable_mosaic.version = 14 : i64} {
  func.func @_sc_inv(%arg0: i32, %arg1: i32, %arg2: memref<2x51200x16xf32, #tpu.memory_space<hbm>>, %arg3: memref<51200x16xf32, #tpu.memory_space<hbm>>, %arg4: memref<1600x16xf32, #tpu.memory_space<vmem>>, %arg5: memref<1600x16xf32, #tpu.memory_space<vmem>>, %arg6: memref<1600x16xf32, #tpu.memory_space<vmem>>) attributes {dimension_semantics = [#tpu.dimension_semantics<core_parallel>, #tpu.dimension_semantics<subcore_parallel>], iteration_bounds = array<i64: 2, 16>, scalar_prefetch = 0 : i64, scratch_operands = 3 : i64, tpu.core_type = #tpu.core_type<sc_vector_subcore>, window_params = [{transform_indices = #map}, {transform_indices = #map1}]} {
    %mul3A = arith.constant 2 : i32
    %mul3A_0 = arith.muli %arg1, %mul3A : i32
    %add3A = arith.addi %mul3A_0, %arg0 : i32
    %mul3A_1 = arith.constant 1600 : i32
    %mul3A_2 = arith.muli %add3A, %mul3A_1 : i32
    %run_scoped3A = arith.constant 0 : i32
    "tpu.region"() ({
      %run_scoped3A_9 = tpu.sem_alloc : memref<!tpu.dma_semaphore, #tpu.memory_space<semaphore_mem>>
      %dma_start3A = arith.constant 0 : i32
      %dma_start3A_10 = arith.constant 0 : i32
      %dma_start3A_11 = tpu.memref_slice %arg2[%run_scoped3A, %dma_start3A, %dma_start3A_10] : memref<2x51200x16xf32, #tpu.memory_space<hbm>> -> memref<1x51200x16xf32, #tpu.memory_space<hbm>>
      %dma_start3A_12 = tpu.memref_squeeze %dma_start3A_11 : memref<1x51200x16xf32, #tpu.memory_space<hbm>> -> memref<51200x16xf32, #tpu.memory_space<hbm>>
      %dma_start3A_13 = arith.constant 0 : i32
      %dma_start3A_14 = tpu.memref_slice %dma_start3A_12[%mul3A_2, %dma_start3A_13] : memref<51200x16xf32, #tpu.memory_space<hbm>> -> memref<1600x16xf32, #tpu.memory_space<hbm>>
      %dma_start3A_15 = arith.constant 0 : i32
      %dma_start3A_16 = arith.constant 0 : i32
      %dma_start3A_17 = tpu.memref_slice %arg2[%run_scoped3A, %dma_start3A_15, %dma_start3A_16] : memref<2x51200x16xf32, #tpu.memory_space<hbm>> -> memref<1x51200x16xf32, #tpu.memory_space<hbm>>
      %dma_start3A_18 = tpu.memref_squeeze %dma_start3A_17 : memref<1x51200x16xf32, #tpu.memory_space<hbm>> -> memref<51200x16xf32, #tpu.memory_space<hbm>>
      %dma_start3A_19 = arith.constant 0 : i32
      %dma_start3A_20 = tpu.memref_slice %dma_start3A_18[%mul3A_2, %dma_start3A_19] : memref<51200x16xf32, #tpu.memory_space<hbm>> -> memref<1600x16xf32, #tpu.memory_space<hbm>>
      tpu.enqueue_dma source(%dma_start3A_20 : memref<1600x16xf32, #tpu.memory_space<hbm>>) target(%arg4 : memref<1600x16xf32, #tpu.memory_space<vmem>>) target_semaphore(%run_scoped3A_9 : memref<!tpu.dma_semaphore, #tpu.memory_space<semaphore_mem>>)
      %dma_wait3A = arith.constant 0 : i32
      %dma_wait3A_21 = arith.constant 0 : i32
      %dma_wait3A_22 = tpu.memref_slice %arg2[%run_scoped3A, %dma_wait3A, %dma_wait3A_21] : memref<2x51200x16xf32, #tpu.memory_space<hbm>> -> memref<1x51200x16xf32, #tpu.memory_space<hbm>>
      %dma_wait3A_23 = tpu.memref_squeeze %dma_wait3A_22 : memref<1x51200x16xf32, #tpu.memory_space<hbm>> -> memref<51200x16xf32, #tpu.memory_space<hbm>>
      %dma_wait3A_24 = arith.constant 0 : i32
      %dma_wait3A_25 = tpu.memref_slice %dma_wait3A_23[%mul3A_2, %dma_wait3A_24] : memref<51200x16xf32, #tpu.memory_space<hbm>> -> memref<1600x16xf32, #tpu.memory_space<hbm>>
      %dma_wait3A_26 = arith.constant 0 : i32
      %dma_wait3A_27 = arith.constant 0 : i32
      %dma_wait3A_28 = tpu.memref_slice %arg2[%run_scoped3A, %dma_wait3A_26, %dma_wait3A_27] : memref<2x51200x16xf32, #tpu.memory_space<hbm>> -> memref<1x51200x16xf32, #tpu.memory_space<hbm>>
      %dma_wait3A_29 = tpu.memref_squeeze %dma_wait3A_28 : memref<1x51200x16xf32, #tpu.memory_space<hbm>> -> memref<51200x16xf32, #tpu.memory_space<hbm>>
      %dma_wait3A_30 = arith.constant 0 : i32
      %dma_wait3A_31 = tpu.memref_slice %dma_wait3A_29[%mul3A_2, %dma_wait3A_30] : memref<51200x16xf32, #tpu.memory_space<hbm>> -> memref<1600x16xf32, #tpu.memory_space<hbm>>
      tpu.wait_dma2 semaphore(%run_scoped3A_9 : memref<!tpu.dma_semaphore, #tpu.memory_space<semaphore_mem>>) src(%dma_wait3A_31 : memref<1600x16xf32, #tpu.memory_space<hbm>>) dst(%arg4 : memref<1600x16xf32, #tpu.memory_space<vmem>>)
      tpu.yield
    }) : () -> ()
    %run_scoped3A_3 = arith.constant 1 : i32
    "tpu.region"() ({
      %run_scoped3A_9 = tpu.sem_alloc : memref<!tpu.dma_semaphore, #tpu.memory_space<semaphore_mem>>
      %dma_start3A = arith.constant 0 : i32
      %dma_start3A_10 = arith.constant 0 : i32
      %dma_start3A_11 = tpu.memref_slice %arg2[%run_scoped3A_3, %dma_start3A, %dma_start3A_10] : memref<2x51200x16xf32, #tpu.memory_space<hbm>> -> memref<1x51200x16xf32, #tpu.memory_space<hbm>>
      %dma_start3A_12 = tpu.memref_squeeze %dma_start3A_11 : memref<1x51200x16xf32, #tpu.memory_space<hbm>> -> memref<51200x16xf32, #tpu.memory_space<hbm>>
      %dma_start3A_13 = arith.constant 0 : i32
      %dma_start3A_14 = tpu.memref_slice %dma_start3A_12[%mul3A_2, %dma_start3A_13] : memref<51200x16xf32, #tpu.memory_space<hbm>> -> memref<1600x16xf32, #tpu.memory_space<hbm>>
      %dma_start3A_15 = arith.constant 0 : i32
      %dma_start3A_16 = arith.constant 0 : i32
      %dma_start3A_17 = tpu.memref_slice %arg2[%run_scoped3A_3, %dma_start3A_15, %dma_start3A_16] : memref<2x51200x16xf32, #tpu.memory_space<hbm>> -> memref<1x51200x16xf32, #tpu.memory_space<hbm>>
      %dma_start3A_18 = tpu.memref_squeeze %dma_start3A_17 : memref<1x51200x16xf32, #tpu.memory_space<hbm>> -> memref<51200x16xf32, #tpu.memory_space<hbm>>
      %dma_start3A_19 = arith.constant 0 : i32
      %dma_start3A_20 = tpu.memref_slice %dma_start3A_18[%mul3A_2, %dma_start3A_19] : memref<51200x16xf32, #tpu.memory_space<hbm>> -> memref<1600x16xf32, #tpu.memory_space<hbm>>
      tpu.enqueue_dma source(%dma_start3A_20 : memref<1600x16xf32, #tpu.memory_space<hbm>>) target(%arg5 : memref<1600x16xf32, #tpu.memory_space<vmem>>) target_semaphore(%run_scoped3A_9 : memref<!tpu.dma_semaphore, #tpu.memory_space<semaphore_mem>>)
      %dma_wait3A = arith.constant 0 : i32
      %dma_wait3A_21 = arith.constant 0 : i32
      %dma_wait3A_22 = tpu.memref_slice %arg2[%run_scoped3A_3, %dma_wait3A, %dma_wait3A_21] : memref<2x51200x16xf32, #tpu.memory_space<hbm>> -> memref<1x51200x16xf32, #tpu.memory_space<hbm>>
      %dma_wait3A_23 = tpu.memref_squeeze %dma_wait3A_22 : memref<1x51200x16xf32, #tpu.memory_space<hbm>> -> memref<51200x16xf32, #tpu.memory_space<hbm>>
      %dma_wait3A_24 = arith.constant 0 : i32
      %dma_wait3A_25 = tpu.memref_slice %dma_wait3A_23[%mul3A_2, %dma_wait3A_24] : memref<51200x16xf32, #tpu.memory_space<hbm>> -> memref<1600x16xf32, #tpu.memory_space<hbm>>
      %dma_wait3A_26 = arith.constant 0 : i32
      %dma_wait3A_27 = arith.constant 0 : i32
      %dma_wait3A_28 = tpu.memref_slice %arg2[%run_scoped3A_3, %dma_wait3A_26, %dma_wait3A_27] : memref<2x51200x16xf32, #tpu.memory_space<hbm>> -> memref<1x51200x16xf32, #tpu.memory_space<hbm>>
      %dma_wait3A_29 = tpu.memref_squeeze %dma_wait3A_28 : memref<1x51200x16xf32, #tpu.memory_space<hbm>> -> memref<51200x16xf32, #tpu.memory_space<hbm>>
      %dma_wait3A_30 = arith.constant 0 : i32
      %dma_wait3A_31 = tpu.memref_slice %dma_wait3A_29[%mul3A_2, %dma_wait3A_30] : memref<51200x16xf32, #tpu.memory_space<hbm>> -> memref<1600x16xf32, #tpu.memory_space<hbm>>
      tpu.wait_dma2 semaphore(%run_scoped3A_9 : memref<!tpu.dma_semaphore, #tpu.memory_space<semaphore_mem>>) src(%dma_wait3A_31 : memref<1600x16xf32, #tpu.memory_space<hbm>>) dst(%arg5 : memref<1600x16xf32, #tpu.memory_space<vmem>>)
      tpu.yield
    }) : () -> ()
    %scan3A = arith.constant 0 : i32
    %scan3A_4 = arith.constant 0 : i32
    %scan3A_5 = arith.constant 1600 : i32
    %scan3A_6 = arith.addi %scan3A_4, %scan3A_5 : i32
    %scan3A_7 = arith.constant 1 : i32
    scf.for %scan3A_9 = %scan3A_4 to %scan3A_6 step %scan3A_7  : i32 {
      %get3A = arith.index_cast %scan3A_9 : i32 to index
      %get3A_10 = arith.constant 0 : index
      %get3A_11 = tpu.vector_load %arg4[%get3A, %get3A_10] {strides = array<i32>} : memref<1600x16xf32, #tpu.memory_space<vmem>>, vector<1x16xf32>,
      %get3A_12 = vector.shape_cast %get3A_11 : vector<1x16xf32> to vector<16xf32>
      %get3A_13 = arith.index_cast %scan3A_9 : i32 to index
      %get3A_14 = arith.constant 0 : index
      %get3A_15 = tpu.vector_load %arg5[%get3A_13, %get3A_14] {strides = array<i32>} : memref<1600x16xf32, #tpu.memory_space<vmem>>, vector<1x16xf32>,
      %get3A_16 = vector.shape_cast %get3A_15 : vector<1x16xf32> to vector<16xf32>
      %add3A_17 = arith.addf %get3A_12, %get3A_16 : vector<16xf32>
      %div3A = arith.constant 1.000000e+00 : f32
      %div3A_18 = vector.broadcast %div3A : f32 to vector<16xf32>
      %div3A_19 = arith.divf %div3A_18, %add3A_17 : vector<16xf32>
      %swap3A = arith.index_cast %scan3A_9 : i32 to index
      %swap3A_20 = arith.constant 0 : index
      %swap3A_21 = tpu.vector_load %arg6[%swap3A, %swap3A_20] {strides = array<i32>} : memref<1600x16xf32, #tpu.memory_space<vmem>>, vector<1x16xf32>,
      %swap3A_22 = vector.shape_cast %swap3A_21 : vector<1x16xf32> to vector<16xf32>
      %swap3A_23 = vector.shape_cast %div3A_19 : vector<16xf32> to vector<1x16xf32>
      tpu.vector_store %arg6[%swap3A, %swap3A_20], %swap3A_23 {strides = array<i32>} : memref<1600x16xf32, #tpu.memory_space<vmem>>, vector<1x16xf32>,
    }
    %scan3A_8 = arith.constant 1600 : i32
    "tpu.region"() ({
      %run_scoped3A_9 = tpu.sem_alloc : memref<!tpu.dma_semaphore, #tpu.memory_space<semaphore_mem>>
      %dma_start3A = arith.constant 0 : i32
      %dma_start3A_10 = tpu.memref_slice %arg3[%mul3A_2, %dma_start3A] : memref<51200x16xf32, #tpu.memory_space<hbm>> -> memref<1600x16xf32, #tpu.memory_space<hbm>>
      %dma_start3A_11 = arith.constant 0 : i32
      %dma_start3A_12 = tpu.memref_slice %arg3[%mul3A_2, %dma_start3A_11] : memref<51200x16xf32, #tpu.memory_space<hbm>> -> memref<1600x16xf32, #tpu.memory_space<hbm>>
      tpu.enqueue_dma source(%arg6 : memref<1600x16xf32, #tpu.memory_space<vmem>>) target(%dma_start3A_12 : memref<1600x16xf32, #tpu.memory_space<hbm>>) target_semaphore(%run_scoped3A_9 : memref<!tpu.dma_semaphore, #tpu.memory_space<semaphore_mem>>)
      %dma_wait3A = arith.constant 0 : i32
      %dma_wait3A_13 = tpu.memref_slice %arg3[%mul3A_2, %dma_wait3A] : memref<51200x16xf32, #tpu.memory_space<hbm>> -> memref<1600x16xf32, #tpu.memory_space<hbm>>
      %dma_wait3A_14 = arith.constant 0 : i32
      %dma_wait3A_15 = tpu.memref_slice %arg3[%mul3A_2, %dma_wait3A_14] : memref<51200x16xf32, #tpu.memory_space<hbm>> -> memref<1600x16xf32, #tpu.memory_space<hbm>>
      tpu.wait_dma2 semaphore(%run_scoped3A_9 : memref<!tpu.dma_semaphore, #tpu.memory_space<semaphore_mem>>) src(%arg6 : memref<1600x16xf32, #tpu.memory_space<vmem>>) dst(%dma_wait3A_15 : memref<1600x16xf32, #tpu.memory_space<hbm>>)
      tpu.yield
    }) : () -> ()
    return
  }
}

#map = affine_map<(d0, d1) -> (0, 0)>
module attributes {stable_mosaic.version = 14 : i64} {
  func.func @_sc_gather(%arg0: i32, %arg1: i32, %arg2: memref<8000x100xi32, #tpu.memory_space<hbm>>, %arg3: memref<51200x16xf32, #tpu.memory_space<hbm>>, %arg4: memref<100000x128xf32, #tpu.memory_space<hbm>>, %arg5: memref<8x100xi32, #tpu.memory_space<vmem>>, %arg6: memref<800x16xf32, #tpu.memory_space<vmem>>, %arg7: memref<!tpu.dma_semaphore, #tpu.memory_space<semaphore_mem>>, %arg8: memref<!tpu.dma_semaphore, #tpu.memory_space<semaphore_mem>>) attributes {dimension_semantics = [#tpu.dimension_semantics<core_parallel>, #tpu.dimension_semantics<subcore_parallel>], iteration_bounds = array<i64: 2, 16>, scalar_prefetch = 0 : i64, scratch_operands = 4 : i64, tpu.core_type = #tpu.core_type<sc_vector_subcore>, window_params = [{transform_indices = #map}, {transform_indices = #map}, {transform_indices = #map}]} {
    %mul3A = arith.constant 2 : i32
    %mul3A_0 = arith.muli %arg1, %mul3A : i32
    %add3A = arith.addi %mul3A_0, %arg0 : i32
    %lt3A = arith.constant 8 : i32
    %lt3A_1 = arith.cmpi slt, %add3A, %lt3A : i32
    %jit3A = arith.constant 32 : i32
    %jit3A_2 = arith.constant 31 : i32
    %select_n3A = arith.select %lt3A_1, %jit3A, %jit3A_2 : i32
    %mul3A_3 = arith.constant 31 : i32
    %mul3A_4 = arith.muli %add3A, %mul3A_3 : i32
    %min3A = arith.constant 8 : i32
    %min3A_5 = arith.minsi %add3A, %min3A : i32
    %add3A_6 = arith.addi %mul3A_4, %min3A_5 : i32
    %while3A = arith.constant 0 : i32
    %while3A_7 = arith.constant 0 : i32
    %while3A_8 = arith.subi %select_n3A, %while3A_7 : i32
    %while3A_9 = arith.addi %while3A_7, %while3A_8 : i32
    %while3A_10 = arith.constant 1 : i32
    %while3A_11 = arith.divsi %while3A_8, %while3A_10 : i32
    %while3A_12 = arith.muli %while3A_11, %while3A_10 : i32
    %while3A_13 = arith.addi %while3A_7, %while3A_12 : i32
    %while3A_14 = arith.constant 1 : i32
    scf.for %while3A_16 = %while3A_7 to %while3A_13 step %while3A_14  : i32 {
      %add3A_17 = arith.addi %add3A_6, %while3A_16 : i32
      %mul3A_18 = arith.constant 100 : i32
      %mul3A_19 = arith.muli %add3A_17, %mul3A_18 : i32
      %mul3A_20 = arith.constant 8 : i32
      %mul3A_21 = arith.muli %mul3A_20, %add3A_17 : i32
      "tpu.region"() ({
        %run_scoped3A = tpu.sem_alloc : memref<!tpu.dma_semaphore, #tpu.memory_space<semaphore_mem>>
        %dma_start3A_340 = arith.constant 0 : i32
        %dma_start3A_341 = tpu.memref_slice %arg2[%mul3A_21, %dma_start3A_340] : memref<8000x100xi32, #tpu.memory_space<hbm>> -> memref<8x100xi32, #tpu.memory_space<hbm>>
        %dma_start3A_342 = arith.constant 0 : i32
        %dma_start3A_343 = tpu.memref_slice %arg2[%mul3A_21, %dma_start3A_342] : memref<8000x100xi32, #tpu.memory_space<hbm>> -> memref<8x100xi32, #tpu.memory_space<hbm>>
        tpu.enqueue_dma source(%dma_start3A_343 : memref<8x100xi32, #tpu.memory_space<hbm>>) target(%arg5 : memref<8x100xi32, #tpu.memory_space<vmem>>) target_semaphore(%run_scoped3A : memref<!tpu.dma_semaphore, #tpu.memory_space<semaphore_mem>>)
        %dma_wait3A_344 = arith.constant 0 : i32
        %dma_wait3A_345 = tpu.memref_slice %arg2[%mul3A_21, %dma_wait3A_344] : memref<8000x100xi32, #tpu.memory_space<hbm>> -> memref<8x100xi32, #tpu.memory_space<hbm>>
        %dma_wait3A_346 = arith.constant 0 : i32
        %dma_wait3A_347 = tpu.memref_slice %arg2[%mul3A_21, %dma_wait3A_346] : memref<8000x100xi32, #tpu.memory_space<hbm>> -> memref<8x100xi32, #tpu.memory_space<hbm>>
        tpu.wait_dma2 semaphore(%run_scoped3A : memref<!tpu.dma_semaphore, #tpu.memory_space<semaphore_mem>>) src(%dma_wait3A_347 : memref<8x100xi32, #tpu.memory_space<hbm>>) dst(%arg5 : memref<8x100xi32, #tpu.memory_space<vmem>>)
        tpu.yield
      }) : () -> ()
      %dma_start3A = arith.constant 0 : i32
      %dma_start3A_22 = arith.constant 0 : i32
      %dma_start3A_23 = arith.constant 0 : i32
      %dma_start3A_24 = tpu.memref_slice %arg6[%dma_start3A_22, %dma_start3A_23] : memref<800x16xf32, #tpu.memory_space<vmem>> -> memref<100x16xf32, #tpu.memory_space<vmem>>
      %dma_start3A_25 = arith.constant 0 : i32
      %dma_start3A_26 = tpu.memref_slice %arg5[%dma_start3A, %dma_start3A_25] : memref<8x100xi32, #tpu.memory_space<vmem>> -> memref<1x100xi32, #tpu.memory_space<vmem>>
      %dma_start3A_27 = tpu.memref_squeeze %dma_start3A_26 : memref<1x100xi32, #tpu.memory_space<vmem>> -> memref<100xi32, #tpu.memory_space<vmem>>
      %dma_start3A_28 = arith.constant 0 : i32
      %dma_start3A_29 = arith.constant 0 : i32
      %dma_start3A_30 = tpu.memref_slice %arg3[%dma_start3A_28, %dma_start3A_29] : memref<51200x16xf32, #tpu.memory_space<hbm>> -> memref<51200x16xf32, #tpu.memory_space<hbm>>
      tpu.enqueue_indirect_dma source(%dma_start3A_30 : memref<51200x16xf32, #tpu.memory_space<hbm>>) target(%dma_start3A_24 : memref<100x16xf32, #tpu.memory_space<vmem>>) offsets(%dma_start3A_27 : memref<100xi32, #tpu.memory_space<vmem>>) semaphore(%arg7 : memref<!tpu.dma_semaphore, #tpu.memory_space<semaphore_mem>>)
      %dma_start3A_31 = arith.constant 1 : i32
      %dma_start3A_32 = arith.constant 100 : i32
      %dma_start3A_33 = arith.constant 0 : i32
      %dma_start3A_34 = tpu.memref_slice %arg6[%dma_start3A_32, %dma_start3A_33] : memref<800x16xf32, #tpu.memory_space<vmem>> -> memref<100x16xf32, #tpu.memory_space<vmem>>
      %dma_start3A_35 = arith.constant 0 : i32
      %dma_start3A_36 = tpu.memref_slice %arg5[%dma_start3A_31, %dma_start3A_35] : memref<8x100xi32, #tpu.memory_space<vmem>> -> memref<1x100xi32, #tpu.memory_space<vmem>>
      %dma_start3A_37 = tpu.memref_squeeze %dma_start3A_36 : memref<1x100xi32, #tpu.memory_space<vmem>> -> memref<100xi32, #tpu.memory_space<vmem>>
      %dma_start3A_38 = arith.constant 0 : i32
      %dma_start3A_39 = arith.constant 0 : i32
      %dma_start3A_40 = tpu.memref_slice %arg3[%dma_start3A_38, %dma_start3A_39] : memref<51200x16xf32, #tpu.memory_space<hbm>> -> memref<51200x16xf32, #tpu.memory_space<hbm>>
      tpu.enqueue_indirect_dma source(%dma_start3A_40 : memref<51200x16xf32, #tpu.memory_space<hbm>>) target(%dma_start3A_34 : memref<100x16xf32, #tpu.memory_space<vmem>>) offsets(%dma_start3A_37 : memref<100xi32, #tpu.memory_space<vmem>>) semaphore(%arg7 : memref<!tpu.dma_semaphore, #tpu.memory_space<semaphore_mem>>)
      %dma_start3A_41 = arith.constant 2 : i32
      %dma_start3A_42 = arith.constant 200 : i32
      %dma_start3A_43 = arith.constant 0 : i32
      %dma_start3A_44 = tpu.memref_slice %arg6[%dma_start3A_42, %dma_start3A_43] : memref<800x16xf32, #tpu.memory_space<vmem>> -> memref<100x16xf32, #tpu.memory_space<vmem>>
      %dma_start3A_45 = arith.constant 0 : i32
      %dma_start3A_46 = tpu.memref_slice %arg5[%dma_start3A_41, %dma_start3A_45] : memref<8x100xi32, #tpu.memory_space<vmem>> -> memref<1x100xi32, #tpu.memory_space<vmem>>
      %dma_start3A_47 = tpu.memref_squeeze %dma_start3A_46 : memref<1x100xi32, #tpu.memory_space<vmem>> -> memref<100xi32, #tpu.memory_space<vmem>>
      %dma_start3A_48 = arith.constant 0 : i32
      %dma_start3A_49 = arith.constant 0 : i32
      %dma_start3A_50 = tpu.memref_slice %arg3[%dma_start3A_48, %dma_start3A_49] : memref<51200x16xf32, #tpu.memory_space<hbm>> -> memref<51200x16xf32, #tpu.memory_space<hbm>>
      tpu.enqueue_indirect_dma source(%dma_start3A_50 : memref<51200x16xf32, #tpu.memory_space<hbm>>) target(%dma_start3A_44 : memref<100x16xf32, #tpu.memory_space<vmem>>) offsets(%dma_start3A_47 : memref<100xi32, #tpu.memory_space<vmem>>) semaphore(%arg7 : memref<!tpu.dma_semaphore, #tpu.memory_space<semaphore_mem>>)
      %dma_start3A_51 = arith.constant 3 : i32
      %dma_start3A_52 = arith.constant 300 : i32
      %dma_start3A_53 = arith.constant 0 : i32
      %dma_start3A_54 = tpu.memref_slice %arg6[%dma_start3A_52, %dma_start3A_53] : memref<800x16xf32, #tpu.memory_space<vmem>> -> memref<100x16xf32, #tpu.memory_space<vmem>>
      %dma_start3A_55 = arith.constant 0 : i32
      %dma_start3A_56 = tpu.memref_slice %arg5[%dma_start3A_51, %dma_start3A_55] : memref<8x100xi32, #tpu.memory_space<vmem>> -> memref<1x100xi32, #tpu.memory_space<vmem>>
      %dma_start3A_57 = tpu.memref_squeeze %dma_start3A_56 : memref<1x100xi32, #tpu.memory_space<vmem>> -> memref<100xi32, #tpu.memory_space<vmem>>
      %dma_start3A_58 = arith.constant 0 : i32
      %dma_start3A_59 = arith.constant 0 : i32
      %dma_start3A_60 = tpu.memref_slice %arg3[%dma_start3A_58, %dma_start3A_59] : memref<51200x16xf32, #tpu.memory_space<hbm>> -> memref<51200x16xf32, #tpu.memory_space<hbm>>
      tpu.enqueue_indirect_dma source(%dma_start3A_60 : memref<51200x16xf32, #tpu.memory_space<hbm>>) target(%dma_start3A_54 : memref<100x16xf32, #tpu.memory_space<vmem>>) offsets(%dma_start3A_57 : memref<100xi32, #tpu.memory_space<vmem>>) semaphore(%arg7 : memref<!tpu.dma_semaphore, #tpu.memory_space<semaphore_mem>>)
      %dma_start3A_61 = arith.constant 4 : i32
      %dma_start3A_62 = arith.constant 400 : i32
      %dma_start3A_63 = arith.constant 0 : i32
      %dma_start3A_64 = tpu.memref_slice %arg6[%dma_start3A_62, %dma_start3A_63] : memref<800x16xf32, #tpu.memory_space<vmem>> -> memref<100x16xf32, #tpu.memory_space<vmem>>
      %dma_start3A_65 = arith.constant 0 : i32
      %dma_start3A_66 = tpu.memref_slice %arg5[%dma_start3A_61, %dma_start3A_65] : memref<8x100xi32, #tpu.memory_space<vmem>> -> memref<1x100xi32, #tpu.memory_space<vmem>>
      %dma_start3A_67 = tpu.memref_squeeze %dma_start3A_66 : memref<1x100xi32, #tpu.memory_space<vmem>> -> memref<100xi32, #tpu.memory_space<vmem>>
      %dma_start3A_68 = arith.constant 0 : i32
      %dma_start3A_69 = arith.constant 0 : i32
      %dma_start3A_70 = tpu.memref_slice %arg3[%dma_start3A_68, %dma_start3A_69] : memref<51200x16xf32, #tpu.memory_space<hbm>> -> memref<51200x16xf32, #tpu.memory_space<hbm>>
      tpu.enqueue_indirect_dma source(%dma_start3A_70 : memref<51200x16xf32, #tpu.memory_space<hbm>>) target(%dma_start3A_64 : memref<100x16xf32, #tpu.memory_space<vmem>>) offsets(%dma_start3A_67 : memref<100xi32, #tpu.memory_space<vmem>>) semaphore(%arg7 : memref<!tpu.dma_semaphore, #tpu.memory_space<semaphore_mem>>)
      %dma_start3A_71 = arith.constant 5 : i32
      %dma_start3A_72 = arith.constant 500 : i32
      %dma_start3A_73 = arith.constant 0 : i32
      %dma_start3A_74 = tpu.memref_slice %arg6[%dma_start3A_72, %dma_start3A_73] : memref<800x16xf32, #tpu.memory_space<vmem>> -> memref<100x16xf32, #tpu.memory_space<vmem>>
      %dma_start3A_75 = arith.constant 0 : i32
      %dma_start3A_76 = tpu.memref_slice %arg5[%dma_start3A_71, %dma_start3A_75] : memref<8x100xi32, #tpu.memory_space<vmem>> -> memref<1x100xi32, #tpu.memory_space<vmem>>
      %dma_start3A_77 = tpu.memref_squeeze %dma_start3A_76 : memref<1x100xi32, #tpu.memory_space<vmem>> -> memref<100xi32, #tpu.memory_space<vmem>>
      %dma_start3A_78 = arith.constant 0 : i32
      %dma_start3A_79 = arith.constant 0 : i32
      %dma_start3A_80 = tpu.memref_slice %arg3[%dma_start3A_78, %dma_start3A_79] : memref<51200x16xf32, #tpu.memory_space<hbm>> -> memref<51200x16xf32, #tpu.memory_space<hbm>>
      tpu.enqueue_indirect_dma source(%dma_start3A_80 : memref<51200x16xf32, #tpu.memory_space<hbm>>) target(%dma_start3A_74 : memref<100x16xf32, #tpu.memory_space<vmem>>) offsets(%dma_start3A_77 : memref<100xi32, #tpu.memory_space<vmem>>) semaphore(%arg7 : memref<!tpu.dma_semaphore, #tpu.memory_space<semaphore_mem>>)
      %dma_start3A_81 = arith.constant 6 : i32
      %dma_start3A_82 = arith.constant 600 : i32
      %dma_start3A_83 = arith.constant 0 : i32
      %dma_start3A_84 = tpu.memref_slice %arg6[%dma_start3A_82, %dma_start3A_83] : memref<800x16xf32, #tpu.memory_space<vmem>> -> memref<100x16xf32, #tpu.memory_space<vmem>>
      %dma_start3A_85 = arith.constant 0 : i32
      %dma_start3A_86 = tpu.memref_slice %arg5[%dma_start3A_81, %dma_start3A_85] : memref<8x100xi32, #tpu.memory_space<vmem>> -> memref<1x100xi32, #tpu.memory_space<vmem>>
      %dma_start3A_87 = tpu.memref_squeeze %dma_start3A_86 : memref<1x100xi32, #tpu.memory_space<vmem>> -> memref<100xi32, #tpu.memory_space<vmem>>
      %dma_start3A_88 = arith.constant 0 : i32
      %dma_start3A_89 = arith.constant 0 : i32
      %dma_start3A_90 = tpu.memref_slice %arg3[%dma_start3A_88, %dma_start3A_89] : memref<51200x16xf32, #tpu.memory_space<hbm>> -> memref<51200x16xf32, #tpu.memory_space<hbm>>
      tpu.enqueue_indirect_dma source(%dma_start3A_90 : memref<51200x16xf32, #tpu.memory_space<hbm>>) target(%dma_start3A_84 : memref<100x16xf32, #tpu.memory_space<vmem>>) offsets(%dma_start3A_87 : memref<100xi32, #tpu.memory_space<vmem>>) semaphore(%arg7 : memref<!tpu.dma_semaphore, #tpu.memory_space<semaphore_mem>>)
      %dma_start3A_91 = arith.constant 7 : i32
      %dma_start3A_92 = arith.constant 700 : i32
      %dma_start3A_93 = arith.constant 0 : i32
      %dma_start3A_94 = tpu.memref_slice %arg6[%dma_start3A_92, %dma_start3A_93] : memref<800x16xf32, #tpu.memory_space<vmem>> -> memref<100x16xf32, #tpu.memory_space<vmem>>
      %dma_start3A_95 = arith.constant 0 : i32
      %dma_start3A_96 = tpu.memref_slice %arg5[%dma_start3A_91, %dma_start3A_95] : memref<8x100xi32, #tpu.memory_space<vmem>> -> memref<1x100xi32, #tpu.memory_space<vmem>>
      %dma_start3A_97 = tpu.memref_squeeze %dma_start3A_96 : memref<1x100xi32, #tpu.memory_space<vmem>> -> memref<100xi32, #tpu.memory_space<vmem>>
      %dma_start3A_98 = arith.constant 0 : i32
      %dma_start3A_99 = arith.constant 0 : i32
      %dma_start3A_100 = tpu.memref_slice %arg3[%dma_start3A_98, %dma_start3A_99] : memref<51200x16xf32, #tpu.memory_space<hbm>> -> memref<51200x16xf32, #tpu.memory_space<hbm>>
      tpu.enqueue_indirect_dma source(%dma_start3A_100 : memref<51200x16xf32, #tpu.memory_space<hbm>>) target(%dma_start3A_94 : memref<100x16xf32, #tpu.memory_space<vmem>>) offsets(%dma_start3A_97 : memref<100xi32, #tpu.memory_space<vmem>>) semaphore(%arg7 : memref<!tpu.dma_semaphore, #tpu.memory_space<semaphore_mem>>)
      %dma_wait3A = arith.constant 0 : i32
      %dma_wait3A_101 = arith.constant 0 : i32
      %dma_wait3A_102 = arith.constant 0 : i32
      %dma_wait3A_103 = tpu.memref_slice %arg6[%dma_wait3A_101, %dma_wait3A_102] : memref<800x16xf32, #tpu.memory_space<vmem>> -> memref<100x16xf32, #tpu.memory_space<vmem>>
      %dma_wait3A_104 = arith.constant 0 : i32
      %dma_wait3A_105 = tpu.memref_slice %arg5[%dma_wait3A, %dma_wait3A_104] : memref<8x100xi32, #tpu.memory_space<vmem>> -> memref<1x100xi32, #tpu.memory_space<vmem>>
      %dma_wait3A_106 = tpu.memref_squeeze %dma_wait3A_105 : memref<1x100xi32, #tpu.memory_space<vmem>> -> memref<100xi32, #tpu.memory_space<vmem>>
      %dma_wait3A_107 = arith.constant 0 : i32
      %dma_wait3A_108 = arith.constant 0 : i32
      %dma_wait3A_109 = tpu.memref_slice %arg3[%dma_wait3A_107, %dma_wait3A_108] : memref<51200x16xf32, #tpu.memory_space<hbm>> -> memref<51200x16xf32, #tpu.memory_space<hbm>>
      tpu.wait_indirect_dma semaphore(%arg7 : memref<!tpu.dma_semaphore, #tpu.memory_space<semaphore_mem>>) src(%dma_wait3A_109 : memref<51200x16xf32, #tpu.memory_space<hbm>>) dst(%dma_wait3A_103 : memref<100x16xf32, #tpu.memory_space<vmem>>)
      %dma_wait3A_110 = arith.constant 1 : i32
      %dma_wait3A_111 = arith.constant 100 : i32
      %dma_wait3A_112 = arith.constant 0 : i32
      %dma_wait3A_113 = tpu.memref_slice %arg6[%dma_wait3A_111, %dma_wait3A_112] : memref<800x16xf32, #tpu.memory_space<vmem>> -> memref<100x16xf32, #tpu.memory_space<vmem>>
      %dma_wait3A_114 = arith.constant 0 : i32
      %dma_wait3A_115 = tpu.memref_slice %arg5[%dma_wait3A_110, %dma_wait3A_114] : memref<8x100xi32, #tpu.memory_space<vmem>> -> memref<1x100xi32, #tpu.memory_space<vmem>>
      %dma_wait3A_116 = tpu.memref_squeeze %dma_wait3A_115 : memref<1x100xi32, #tpu.memory_space<vmem>> -> memref<100xi32, #tpu.memory_space<vmem>>
      %dma_wait3A_117 = arith.constant 0 : i32
      %dma_wait3A_118 = arith.constant 0 : i32
      %dma_wait3A_119 = tpu.memref_slice %arg3[%dma_wait3A_117, %dma_wait3A_118] : memref<51200x16xf32, #tpu.memory_space<hbm>> -> memref<51200x16xf32, #tpu.memory_space<hbm>>
      tpu.wait_indirect_dma semaphore(%arg7 : memref<!tpu.dma_semaphore, #tpu.memory_space<semaphore_mem>>) src(%dma_wait3A_119 : memref<51200x16xf32, #tpu.memory_space<hbm>>) dst(%dma_wait3A_113 : memref<100x16xf32, #tpu.memory_space<vmem>>)
      %dma_wait3A_120 = arith.constant 2 : i32
      %dma_wait3A_121 = arith.constant 200 : i32
      %dma_wait3A_122 = arith.constant 0 : i32
      %dma_wait3A_123 = tpu.memref_slice %arg6[%dma_wait3A_121, %dma_wait3A_122] : memref<800x16xf32, #tpu.memory_space<vmem>> -> memref<100x16xf32, #tpu.memory_space<vmem>>
      %dma_wait3A_124 = arith.constant 0 : i32
      %dma_wait3A_125 = tpu.memref_slice %arg5[%dma_wait3A_120, %dma_wait3A_124] : memref<8x100xi32, #tpu.memory_space<vmem>> -> memref<1x100xi32, #tpu.memory_space<vmem>>
      %dma_wait3A_126 = tpu.memref_squeeze %dma_wait3A_125 : memref<1x100xi32, #tpu.memory_space<vmem>> -> memref<100xi32, #tpu.memory_space<vmem>>
      %dma_wait3A_127 = arith.constant 0 : i32
      %dma_wait3A_128 = arith.constant 0 : i32
      %dma_wait3A_129 = tpu.memref_slice %arg3[%dma_wait3A_127, %dma_wait3A_128] : memref<51200x16xf32, #tpu.memory_space<hbm>> -> memref<51200x16xf32, #tpu.memory_space<hbm>>
      tpu.wait_indirect_dma semaphore(%arg7 : memref<!tpu.dma_semaphore, #tpu.memory_space<semaphore_mem>>) src(%dma_wait3A_129 : memref<51200x16xf32, #tpu.memory_space<hbm>>) dst(%dma_wait3A_123 : memref<100x16xf32, #tpu.memory_space<vmem>>)
      %dma_wait3A_130 = arith.constant 3 : i32
      %dma_wait3A_131 = arith.constant 300 : i32
      %dma_wait3A_132 = arith.constant 0 : i32
      %dma_wait3A_133 = tpu.memref_slice %arg6[%dma_wait3A_131, %dma_wait3A_132] : memref<800x16xf32, #tpu.memory_space<vmem>> -> memref<100x16xf32, #tpu.memory_space<vmem>>
      %dma_wait3A_134 = arith.constant 0 : i32
      %dma_wait3A_135 = tpu.memref_slice %arg5[%dma_wait3A_130, %dma_wait3A_134] : memref<8x100xi32, #tpu.memory_space<vmem>> -> memref<1x100xi32, #tpu.memory_space<vmem>>
      %dma_wait3A_136 = tpu.memref_squeeze %dma_wait3A_135 : memref<1x100xi32, #tpu.memory_space<vmem>> -> memref<100xi32, #tpu.memory_space<vmem>>
      %dma_wait3A_137 = arith.constant 0 : i32
      %dma_wait3A_138 = arith.constant 0 : i32
      %dma_wait3A_139 = tpu.memref_slice %arg3[%dma_wait3A_137, %dma_wait3A_138] : memref<51200x16xf32, #tpu.memory_space<hbm>> -> memref<51200x16xf32, #tpu.memory_space<hbm>>
      tpu.wait_indirect_dma semaphore(%arg7 : memref<!tpu.dma_semaphore, #tpu.memory_space<semaphore_mem>>) src(%dma_wait3A_139 : memref<51200x16xf32, #tpu.memory_space<hbm>>) dst(%dma_wait3A_133 : memref<100x16xf32, #tpu.memory_space<vmem>>)
      %dma_wait3A_140 = arith.constant 4 : i32
      %dma_wait3A_141 = arith.constant 400 : i32
      %dma_wait3A_142 = arith.constant 0 : i32
      %dma_wait3A_143 = tpu.memref_slice %arg6[%dma_wait3A_141, %dma_wait3A_142] : memref<800x16xf32, #tpu.memory_space<vmem>> -> memref<100x16xf32, #tpu.memory_space<vmem>>
      %dma_wait3A_144 = arith.constant 0 : i32
      %dma_wait3A_145 = tpu.memref_slice %arg5[%dma_wait3A_140, %dma_wait3A_144] : memref<8x100xi32, #tpu.memory_space<vmem>> -> memref<1x100xi32, #tpu.memory_space<vmem>>
      %dma_wait3A_146 = tpu.memref_squeeze %dma_wait3A_145 : memref<1x100xi32, #tpu.memory_space<vmem>> -> memref<100xi32, #tpu.memory_space<vmem>>
      %dma_wait3A_147 = arith.constant 0 : i32
      %dma_wait3A_148 = arith.constant 0 : i32
      %dma_wait3A_149 = tpu.memref_slice %arg3[%dma_wait3A_147, %dma_wait3A_148] : memref<51200x16xf32, #tpu.memory_space<hbm>> -> memref<51200x16xf32, #tpu.memory_space<hbm>>
      tpu.wait_indirect_dma semaphore(%arg7 : memref<!tpu.dma_semaphore, #tpu.memory_space<semaphore_mem>>) src(%dma_wait3A_149 : memref<51200x16xf32, #tpu.memory_space<hbm>>) dst(%dma_wait3A_143 : memref<100x16xf32, #tpu.memory_space<vmem>>)
      %dma_wait3A_150 = arith.constant 5 : i32
      %dma_wait3A_151 = arith.constant 500 : i32
      %dma_wait3A_152 = arith.constant 0 : i32
      %dma_wait3A_153 = tpu.memref_slice %arg6[%dma_wait3A_151, %dma_wait3A_152] : memref<800x16xf32, #tpu.memory_space<vmem>> -> memref<100x16xf32, #tpu.memory_space<vmem>>
      %dma_wait3A_154 = arith.constant 0 : i32
      %dma_wait3A_155 = tpu.memref_slice %arg5[%dma_wait3A_150, %dma_wait3A_154] : memref<8x100xi32, #tpu.memory_space<vmem>> -> memref<1x100xi32, #tpu.memory_space<vmem>>
      %dma_wait3A_156 = tpu.memref_squeeze %dma_wait3A_155 : memref<1x100xi32, #tpu.memory_space<vmem>> -> memref<100xi32, #tpu.memory_space<vmem>>
      %dma_wait3A_157 = arith.constant 0 : i32
      %dma_wait3A_158 = arith.constant 0 : i32
      %dma_wait3A_159 = tpu.memref_slice %arg3[%dma_wait3A_157, %dma_wait3A_158] : memref<51200x16xf32, #tpu.memory_space<hbm>> -> memref<51200x16xf32, #tpu.memory_space<hbm>>
      tpu.wait_indirect_dma semaphore(%arg7 : memref<!tpu.dma_semaphore, #tpu.memory_space<semaphore_mem>>) src(%dma_wait3A_159 : memref<51200x16xf32, #tpu.memory_space<hbm>>) dst(%dma_wait3A_153 : memref<100x16xf32, #tpu.memory_space<vmem>>)
      %dma_wait3A_160 = arith.constant 6 : i32
      %dma_wait3A_161 = arith.constant 600 : i32
      %dma_wait3A_162 = arith.constant 0 : i32
      %dma_wait3A_163 = tpu.memref_slice %arg6[%dma_wait3A_161, %dma_wait3A_162] : memref<800x16xf32, #tpu.memory_space<vmem>> -> memref<100x16xf32, #tpu.memory_space<vmem>>
      %dma_wait3A_164 = arith.constant 0 : i32
      %dma_wait3A_165 = tpu.memref_slice %arg5[%dma_wait3A_160, %dma_wait3A_164] : memref<8x100xi32, #tpu.memory_space<vmem>> -> memref<1x100xi32, #tpu.memory_space<vmem>>
      %dma_wait3A_166 = tpu.memref_squeeze %dma_wait3A_165 : memref<1x100xi32, #tpu.memory_space<vmem>> -> memref<100xi32, #tpu.memory_space<vmem>>
      %dma_wait3A_167 = arith.constant 0 : i32
      %dma_wait3A_168 = arith.constant 0 : i32
      %dma_wait3A_169 = tpu.memref_slice %arg3[%dma_wait3A_167, %dma_wait3A_168] : memref<51200x16xf32, #tpu.memory_space<hbm>> -> memref<51200x16xf32, #tpu.memory_space<hbm>>
      tpu.wait_indirect_dma semaphore(%arg7 : memref<!tpu.dma_semaphore, #tpu.memory_space<semaphore_mem>>) src(%dma_wait3A_169 : memref<51200x16xf32, #tpu.memory_space<hbm>>) dst(%dma_wait3A_163 : memref<100x16xf32, #tpu.memory_space<vmem>>)
      %dma_wait3A_170 = arith.constant 7 : i32
      %dma_wait3A_171 = arith.constant 700 : i32
      %dma_wait3A_172 = arith.constant 0 : i32
      %dma_wait3A_173 = tpu.memref_slice %arg6[%dma_wait3A_171, %dma_wait3A_172] : memref<800x16xf32, #tpu.memory_space<vmem>> -> memref<100x16xf32, #tpu.memory_space<vmem>>
      %dma_wait3A_174 = arith.constant 0 : i32
      %dma_wait3A_175 = tpu.memref_slice %arg5[%dma_wait3A_170, %dma_wait3A_174] : memref<8x100xi32, #tpu.memory_space<vmem>> -> memref<1x100xi32, #tpu.memory_space<vmem>>
      %dma_wait3A_176 = tpu.memref_squeeze %dma_wait3A_175 : memref<1x100xi32, #tpu.memory_space<vmem>> -> memref<100xi32, #tpu.memory_space<vmem>>
      %dma_wait3A_177 = arith.constant 0 : i32
      %dma_wait3A_178 = arith.constant 0 : i32
      %dma_wait3A_179 = tpu.memref_slice %arg3[%dma_wait3A_177, %dma_wait3A_178] : memref<51200x16xf32, #tpu.memory_space<hbm>> -> memref<51200x16xf32, #tpu.memory_space<hbm>>
      tpu.wait_indirect_dma semaphore(%arg7 : memref<!tpu.dma_semaphore, #tpu.memory_space<semaphore_mem>>) src(%dma_wait3A_179 : memref<51200x16xf32, #tpu.memory_space<hbm>>) dst(%dma_wait3A_173 : memref<100x16xf32, #tpu.memory_space<vmem>>)
      %dma_start3A_180 = arith.constant 0 : i32
      %dma_start3A_181 = arith.constant 0 : i32
      %dma_start3A_182 = tpu.memref_slice %arg6[%dma_start3A_180, %dma_start3A_181] : memref<800x16xf32, #tpu.memory_space<vmem>> -> memref<100x16xf32, #tpu.memory_space<vmem>>
      %dma_start3A_183 = arith.constant 0 : i32
      %dma_start3A_184 = tpu.memref_slice %arg4[%mul3A_19, %dma_start3A_183] : memref<100000x128xf32, #tpu.memory_space<hbm>> -> memref<100x16xf32, #tpu.memory_space<hbm>>
      %dma_start3A_185 = arith.constant 0 : i32
      %dma_start3A_186 = tpu.memref_slice %arg4[%mul3A_19, %dma_start3A_185] : memref<100000x128xf32, #tpu.memory_space<hbm>> -> memref<100x16xf32, #tpu.memory_space<hbm>>
      %dma_start3A_187 = arith.constant 0 : i32
      %dma_start3A_188 = arith.constant 0 : i32
      %dma_start3A_189 = tpu.memref_slice %arg6[%dma_start3A_187, %dma_start3A_188] : memref<800x16xf32, #tpu.memory_space<vmem>> -> memref<100x16xf32, #tpu.memory_space<vmem>>
      tpu.enqueue_dma source(%dma_start3A_189 : memref<100x16xf32, #tpu.memory_space<vmem>>) target(%dma_start3A_186 : memref<100x16xf32, #tpu.memory_space<hbm>>) target_semaphore(%arg8 : memref<!tpu.dma_semaphore, #tpu.memory_space<semaphore_mem>>)
      %dma_start3A_190 = arith.constant 100 : i32
      %dma_start3A_191 = arith.constant 0 : i32
      %dma_start3A_192 = tpu.memref_slice %arg6[%dma_start3A_190, %dma_start3A_191] : memref<800x16xf32, #tpu.memory_space<vmem>> -> memref<100x16xf32, #tpu.memory_space<vmem>>
      %dma_start3A_193 = arith.constant 16 : i32
      %dma_start3A_194 = tpu.memref_slice %arg4[%mul3A_19, %dma_start3A_193] : memref<100000x128xf32, #tpu.memory_space<hbm>> -> memref<100x16xf32, #tpu.memory_space<hbm>>
      %dma_start3A_195 = arith.constant 16 : i32
      %dma_start3A_196 = tpu.memref_slice %arg4[%mul3A_19, %dma_start3A_195] : memref<100000x128xf32, #tpu.memory_space<hbm>> -> memref<100x16xf32, #tpu.memory_space<hbm>>
      %dma_start3A_197 = arith.constant 100 : i32
      %dma_start3A_198 = arith.constant 0 : i32
      %dma_start3A_199 = tpu.memref_slice %arg6[%dma_start3A_197, %dma_start3A_198] : memref<800x16xf32, #tpu.memory_space<vmem>> -> memref<100x16xf32, #tpu.memory_space<vmem>>
      tpu.enqueue_dma source(%dma_start3A_199 : memref<100x16xf32, #tpu.memory_space<vmem>>) target(%dma_start3A_196 : memref<100x16xf32, #tpu.memory_space<hbm>>) target_semaphore(%arg8 : memref<!tpu.dma_semaphore, #tpu.memory_space<semaphore_mem>>)
      %dma_start3A_200 = arith.constant 200 : i32
      %dma_start3A_201 = arith.constant 0 : i32
      %dma_start3A_202 = tpu.memref_slice %arg6[%dma_start3A_200, %dma_start3A_201] : memref<800x16xf32, #tpu.memory_space<vmem>> -> memref<100x16xf32, #tpu.memory_space<vmem>>
      %dma_start3A_203 = arith.constant 32 : i32
      %dma_start3A_204 = tpu.memref_slice %arg4[%mul3A_19, %dma_start3A_203] : memref<100000x128xf32, #tpu.memory_space<hbm>> -> memref<100x16xf32, #tpu.memory_space<hbm>>
      %dma_start3A_205 = arith.constant 32 : i32
      %dma_start3A_206 = tpu.memref_slice %arg4[%mul3A_19, %dma_start3A_205] : memref<100000x128xf32, #tpu.memory_space<hbm>> -> memref<100x16xf32, #tpu.memory_space<hbm>>
      %dma_start3A_207 = arith.constant 200 : i32
      %dma_start3A_208 = arith.constant 0 : i32
      %dma_start3A_209 = tpu.memref_slice %arg6[%dma_start3A_207, %dma_start3A_208] : memref<800x16xf32, #tpu.memory_space<vmem>> -> memref<100x16xf32, #tpu.memory_space<vmem>>
      tpu.enqueue_dma source(%dma_start3A_209 : memref<100x16xf32, #tpu.memory_space<vmem>>) target(%dma_start3A_206 : memref<100x16xf32, #tpu.memory_space<hbm>>) target_semaphore(%arg8 : memref<!tpu.dma_semaphore, #tpu.memory_space<semaphore_mem>>)
      %dma_start3A_210 = arith.constant 300 : i32
      %dma_start3A_211 = arith.constant 0 : i32
      %dma_start3A_212 = tpu.memref_slice %arg6[%dma_start3A_210, %dma_start3A_211] : memref<800x16xf32, #tpu.memory_space<vmem>> -> memref<100x16xf32, #tpu.memory_space<vmem>>
      %dma_start3A_213 = arith.constant 48 : i32
      %dma_start3A_214 = tpu.memref_slice %arg4[%mul3A_19, %dma_start3A_213] : memref<100000x128xf32, #tpu.memory_space<hbm>> -> memref<100x16xf32, #tpu.memory_space<hbm>>
      %dma_start3A_215 = arith.constant 48 : i32
      %dma_start3A_216 = tpu.memref_slice %arg4[%mul3A_19, %dma_start3A_215] : memref<100000x128xf32, #tpu.memory_space<hbm>> -> memref<100x16xf32, #tpu.memory_space<hbm>>
      %dma_start3A_217 = arith.constant 300 : i32
      %dma_start3A_218 = arith.constant 0 : i32
      %dma_start3A_219 = tpu.memref_slice %arg6[%dma_start3A_217, %dma_start3A_218] : memref<800x16xf32, #tpu.memory_space<vmem>> -> memref<100x16xf32, #tpu.memory_space<vmem>>
      tpu.enqueue_dma source(%dma_start3A_219 : memref<100x16xf32, #tpu.memory_space<vmem>>) target(%dma_start3A_216 : memref<100x16xf32, #tpu.memory_space<hbm>>) target_semaphore(%arg8 : memref<!tpu.dma_semaphore, #tpu.memory_space<semaphore_mem>>)
      %dma_start3A_220 = arith.constant 400 : i32
      %dma_start3A_221 = arith.constant 0 : i32
      %dma_start3A_222 = tpu.memref_slice %arg6[%dma_start3A_220, %dma_start3A_221] : memref<800x16xf32, #tpu.memory_space<vmem>> -> memref<100x16xf32, #tpu.memory_space<vmem>>
      %dma_start3A_223 = arith.constant 64 : i32
      %dma_start3A_224 = tpu.memref_slice %arg4[%mul3A_19, %dma_start3A_223] : memref<100000x128xf32, #tpu.memory_space<hbm>> -> memref<100x16xf32, #tpu.memory_space<hbm>>
      %dma_start3A_225 = arith.constant 64 : i32
      %dma_start3A_226 = tpu.memref_slice %arg4[%mul3A_19, %dma_start3A_225] : memref<100000x128xf32, #tpu.memory_space<hbm>> -> memref<100x16xf32, #tpu.memory_space<hbm>>
      %dma_start3A_227 = arith.constant 400 : i32
      %dma_start3A_228 = arith.constant 0 : i32
      %dma_start3A_229 = tpu.memref_slice %arg6[%dma_start3A_227, %dma_start3A_228] : memref<800x16xf32, #tpu.memory_space<vmem>> -> memref<100x16xf32, #tpu.memory_space<vmem>>
      tpu.enqueue_dma source(%dma_start3A_229 : memref<100x16xf32, #tpu.memory_space<vmem>>) target(%dma_start3A_226 : memref<100x16xf32, #tpu.memory_space<hbm>>) target_semaphore(%arg8 : memref<!tpu.dma_semaphore, #tpu.memory_space<semaphore_mem>>)
      %dma_start3A_230 = arith.constant 500 : i32
      %dma_start3A_231 = arith.constant 0 : i32
      %dma_start3A_232 = tpu.memref_slice %arg6[%dma_start3A_230, %dma_start3A_231] : memref<800x16xf32, #tpu.memory_space<vmem>> -> memref<100x16xf32, #tpu.memory_space<vmem>>
      %dma_start3A_233 = arith.constant 80 : i32
      %dma_start3A_234 = tpu.memref_slice %arg4[%mul3A_19, %dma_start3A_233] : memref<100000x128xf32, #tpu.memory_space<hbm>> -> memref<100x16xf32, #tpu.memory_space<hbm>>
      %dma_start3A_235 = arith.constant 80 : i32
      %dma_start3A_236 = tpu.memref_slice %arg4[%mul3A_19, %dma_start3A_235] : memref<100000x128xf32, #tpu.memory_space<hbm>> -> memref<100x16xf32, #tpu.memory_space<hbm>>
      %dma_start3A_237 = arith.constant 500 : i32
      %dma_start3A_238 = arith.constant 0 : i32
      %dma_start3A_239 = tpu.memref_slice %arg6[%dma_start3A_237, %dma_start3A_238] : memref<800x16xf32, #tpu.memory_space<vmem>> -> memref<100x16xf32, #tpu.memory_space<vmem>>
      tpu.enqueue_dma source(%dma_start3A_239 : memref<100x16xf32, #tpu.memory_space<vmem>>) target(%dma_start3A_236 : memref<100x16xf32, #tpu.memory_space<hbm>>) target_semaphore(%arg8 : memref<!tpu.dma_semaphore, #tpu.memory_space<semaphore_mem>>)
      %dma_start3A_240 = arith.constant 600 : i32
      %dma_start3A_241 = arith.constant 0 : i32
      %dma_start3A_242 = tpu.memref_slice %arg6[%dma_start3A_240, %dma_start3A_241] : memref<800x16xf32, #tpu.memory_space<vmem>> -> memref<100x16xf32, #tpu.memory_space<vmem>>
      %dma_start3A_243 = arith.constant 96 : i32
      %dma_start3A_244 = tpu.memref_slice %arg4[%mul3A_19, %dma_start3A_243] : memref<100000x128xf32, #tpu.memory_space<hbm>> -> memref<100x16xf32, #tpu.memory_space<hbm>>
      %dma_start3A_245 = arith.constant 96 : i32
      %dma_start3A_246 = tpu.memref_slice %arg4[%mul3A_19, %dma_start3A_245] : memref<100000x128xf32, #tpu.memory_space<hbm>> -> memref<100x16xf32, #tpu.memory_space<hbm>>
      %dma_start3A_247 = arith.constant 600 : i32
      %dma_start3A_248 = arith.constant 0 : i32
      %dma_start3A_249 = tpu.memref_slice %arg6[%dma_start3A_247, %dma_start3A_248] : memref<800x16xf32, #tpu.memory_space<vmem>> -> memref<100x16xf32, #tpu.memory_space<vmem>>
      tpu.enqueue_dma source(%dma_start3A_249 : memref<100x16xf32, #tpu.memory_space<vmem>>) target(%dma_start3A_246 : memref<100x16xf32, #tpu.memory_space<hbm>>) target_semaphore(%arg8 : memref<!tpu.dma_semaphore, #tpu.memory_space<semaphore_mem>>)
      %dma_start3A_250 = arith.constant 700 : i32
      %dma_start3A_251 = arith.constant 0 : i32
      %dma_start3A_252 = tpu.memref_slice %arg6[%dma_start3A_250, %dma_start3A_251] : memref<800x16xf32, #tpu.memory_space<vmem>> -> memref<100x16xf32, #tpu.memory_space<vmem>>
      %dma_start3A_253 = arith.constant 112 : i32
      %dma_start3A_254 = tpu.memref_slice %arg4[%mul3A_19, %dma_start3A_253] : memref<100000x128xf32, #tpu.memory_space<hbm>> -> memref<100x16xf32, #tpu.memory_space<hbm>>
      %dma_start3A_255 = arith.constant 112 : i32
      %dma_start3A_256 = tpu.memref_slice %arg4[%mul3A_19, %dma_start3A_255] : memref<100000x128xf32, #tpu.memory_space<hbm>> -> memref<100x16xf32, #tpu.memory_space<hbm>>
      %dma_start3A_257 = arith.constant 700 : i32
      %dma_start3A_258 = arith.constant 0 : i32
      %dma_start3A_259 = tpu.memref_slice %arg6[%dma_start3A_257, %dma_start3A_258] : memref<800x16xf32, #tpu.memory_space<vmem>> -> memref<100x16xf32, #tpu.memory_space<vmem>>
      tpu.enqueue_dma source(%dma_start3A_259 : memref<100x16xf32, #tpu.memory_space<vmem>>) target(%dma_start3A_256 : memref<100x16xf32, #tpu.memory_space<hbm>>) target_semaphore(%arg8 : memref<!tpu.dma_semaphore, #tpu.memory_space<semaphore_mem>>)
      %dma_wait3A_260 = arith.constant 0 : i32
      %dma_wait3A_261 = arith.constant 0 : i32
      %dma_wait3A_262 = tpu.memref_slice %arg6[%dma_wait3A_260, %dma_wait3A_261] : memref<800x16xf32, #tpu.memory_space<vmem>> -> memref<100x16xf32, #tpu.memory_space<vmem>>
      %dma_wait3A_263 = arith.constant 0 : i32
      %dma_wait3A_264 = tpu.memref_slice %arg4[%mul3A_19, %dma_wait3A_263] : memref<100000x128xf32, #tpu.memory_space<hbm>> -> memref<100x16xf32, #tpu.memory_space<hbm>>
      %dma_wait3A_265 = arith.constant 0 : i32
      %dma_wait3A_266 = tpu.memref_slice %arg4[%mul3A_19, %dma_wait3A_265] : memref<100000x128xf32, #tpu.memory_space<hbm>> -> memref<100x16xf32, #tpu.memory_space<hbm>>
      %dma_wait3A_267 = arith.constant 0 : i32
      %dma_wait3A_268 = arith.constant 0 : i32
      %dma_wait3A_269 = tpu.memref_slice %arg6[%dma_wait3A_267, %dma_wait3A_268] : memref<800x16xf32, #tpu.memory_space<vmem>> -> memref<100x16xf32, #tpu.memory_space<vmem>>
      tpu.wait_dma2 semaphore(%arg8 : memref<!tpu.dma_semaphore, #tpu.memory_space<semaphore_mem>>) src(%dma_wait3A_269 : memref<100x16xf32, #tpu.memory_space<vmem>>) dst(%dma_wait3A_266 : memref<100x16xf32, #tpu.memory_space<hbm>>)
      %dma_wait3A_270 = arith.constant 100 : i32
      %dma_wait3A_271 = arith.constant 0 : i32
      %dma_wait3A_272 = tpu.memref_slice %arg6[%dma_wait3A_270, %dma_wait3A_271] : memref<800x16xf32, #tpu.memory_space<vmem>> -> memref<100x16xf32, #tpu.memory_space<vmem>>
      %dma_wait3A_273 = arith.constant 16 : i32
      %dma_wait3A_274 = tpu.memref_slice %arg4[%mul3A_19, %dma_wait3A_273] : memref<100000x128xf32, #tpu.memory_space<hbm>> -> memref<100x16xf32, #tpu.memory_space<hbm>>
      %dma_wait3A_275 = arith.constant 16 : i32
      %dma_wait3A_276 = tpu.memref_slice %arg4[%mul3A_19, %dma_wait3A_275] : memref<100000x128xf32, #tpu.memory_space<hbm>> -> memref<100x16xf32, #tpu.memory_space<hbm>>
      %dma_wait3A_277 = arith.constant 100 : i32
      %dma_wait3A_278 = arith.constant 0 : i32
      %dma_wait3A_279 = tpu.memref_slice %arg6[%dma_wait3A_277, %dma_wait3A_278] : memref<800x16xf32, #tpu.memory_space<vmem>> -> memref<100x16xf32, #tpu.memory_space<vmem>>
      tpu.wait_dma2 semaphore(%arg8 : memref<!tpu.dma_semaphore, #tpu.memory_space<semaphore_mem>>) src(%dma_wait3A_279 : memref<100x16xf32, #tpu.memory_space<vmem>>) dst(%dma_wait3A_276 : memref<100x16xf32, #tpu.memory_space<hbm>>)
      %dma_wait3A_280 = arith.constant 200 : i32
      %dma_wait3A_281 = arith.constant 0 : i32
      %dma_wait3A_282 = tpu.memref_slice %arg6[%dma_wait3A_280, %dma_wait3A_281] : memref<800x16xf32, #tpu.memory_space<vmem>> -> memref<100x16xf32, #tpu.memory_space<vmem>>
      %dma_wait3A_283 = arith.constant 32 : i32
      %dma_wait3A_284 = tpu.memref_slice %arg4[%mul3A_19, %dma_wait3A_283] : memref<100000x128xf32, #tpu.memory_space<hbm>> -> memref<100x16xf32, #tpu.memory_space<hbm>>
      %dma_wait3A_285 = arith.constant 32 : i32
      %dma_wait3A_286 = tpu.memref_slice %arg4[%mul3A_19, %dma_wait3A_285] : memref<100000x128xf32, #tpu.memory_space<hbm>> -> memref<100x16xf32, #tpu.memory_space<hbm>>
      %dma_wait3A_287 = arith.constant 200 : i32
      %dma_wait3A_288 = arith.constant 0 : i32
      %dma_wait3A_289 = tpu.memref_slice %arg6[%dma_wait3A_287, %dma_wait3A_288] : memref<800x16xf32, #tpu.memory_space<vmem>> -> memref<100x16xf32, #tpu.memory_space<vmem>>
      tpu.wait_dma2 semaphore(%arg8 : memref<!tpu.dma_semaphore, #tpu.memory_space<semaphore_mem>>) src(%dma_wait3A_289 : memref<100x16xf32, #tpu.memory_space<vmem>>) dst(%dma_wait3A_286 : memref<100x16xf32, #tpu.memory_space<hbm>>)
      %dma_wait3A_290 = arith.constant 300 : i32
      %dma_wait3A_291 = arith.constant 0 : i32
      %dma_wait3A_292 = tpu.memref_slice %arg6[%dma_wait3A_290, %dma_wait3A_291] : memref<800x16xf32, #tpu.memory_space<vmem>> -> memref<100x16xf32, #tpu.memory_space<vmem>>
      %dma_wait3A_293 = arith.constant 48 : i32
      %dma_wait3A_294 = tpu.memref_slice %arg4[%mul3A_19, %dma_wait3A_293] : memref<100000x128xf32, #tpu.memory_space<hbm>> -> memref<100x16xf32, #tpu.memory_space<hbm>>
      %dma_wait3A_295 = arith.constant 48 : i32
      %dma_wait3A_296 = tpu.memref_slice %arg4[%mul3A_19, %dma_wait3A_295] : memref<100000x128xf32, #tpu.memory_space<hbm>> -> memref<100x16xf32, #tpu.memory_space<hbm>>
      %dma_wait3A_297 = arith.constant 300 : i32
      %dma_wait3A_298 = arith.constant 0 : i32
      %dma_wait3A_299 = tpu.memref_slice %arg6[%dma_wait3A_297, %dma_wait3A_298] : memref<800x16xf32, #tpu.memory_space<vmem>> -> memref<100x16xf32, #tpu.memory_space<vmem>>
      tpu.wait_dma2 semaphore(%arg8 : memref<!tpu.dma_semaphore, #tpu.memory_space<semaphore_mem>>) src(%dma_wait3A_299 : memref<100x16xf32, #tpu.memory_space<vmem>>) dst(%dma_wait3A_296 : memref<100x16xf32, #tpu.memory_space<hbm>>)
      %dma_wait3A_300 = arith.constant 400 : i32
      %dma_wait3A_301 = arith.constant 0 : i32
      %dma_wait3A_302 = tpu.memref_slice %arg6[%dma_wait3A_300, %dma_wait3A_301] : memref<800x16xf32, #tpu.memory_space<vmem>> -> memref<100x16xf32, #tpu.memory_space<vmem>>
      %dma_wait3A_303 = arith.constant 64 : i32
      %dma_wait3A_304 = tpu.memref_slice %arg4[%mul3A_19, %dma_wait3A_303] : memref<100000x128xf32, #tpu.memory_space<hbm>> -> memref<100x16xf32, #tpu.memory_space<hbm>>
      %dma_wait3A_305 = arith.constant 64 : i32
      %dma_wait3A_306 = tpu.memref_slice %arg4[%mul3A_19, %dma_wait3A_305] : memref<100000x128xf32, #tpu.memory_space<hbm>> -> memref<100x16xf32, #tpu.memory_space<hbm>>
      %dma_wait3A_307 = arith.constant 400 : i32
      %dma_wait3A_308 = arith.constant 0 : i32
      %dma_wait3A_309 = tpu.memref_slice %arg6[%dma_wait3A_307, %dma_wait3A_308] : memref<800x16xf32, #tpu.memory_space<vmem>> -> memref<100x16xf32, #tpu.memory_space<vmem>>
      tpu.wait_dma2 semaphore(%arg8 : memref<!tpu.dma_semaphore, #tpu.memory_space<semaphore_mem>>) src(%dma_wait3A_309 : memref<100x16xf32, #tpu.memory_space<vmem>>) dst(%dma_wait3A_306 : memref<100x16xf32, #tpu.memory_space<hbm>>)
      %dma_wait3A_310 = arith.constant 500 : i32
      %dma_wait3A_311 = arith.constant 0 : i32
      %dma_wait3A_312 = tpu.memref_slice %arg6[%dma_wait3A_310, %dma_wait3A_311] : memref<800x16xf32, #tpu.memory_space<vmem>> -> memref<100x16xf32, #tpu.memory_space<vmem>>
      %dma_wait3A_313 = arith.constant 80 : i32
      %dma_wait3A_314 = tpu.memref_slice %arg4[%mul3A_19, %dma_wait3A_313] : memref<100000x128xf32, #tpu.memory_space<hbm>> -> memref<100x16xf32, #tpu.memory_space<hbm>>
      %dma_wait3A_315 = arith.constant 80 : i32
      %dma_wait3A_316 = tpu.memref_slice %arg4[%mul3A_19, %dma_wait3A_315] : memref<100000x128xf32, #tpu.memory_space<hbm>> -> memref<100x16xf32, #tpu.memory_space<hbm>>
      %dma_wait3A_317 = arith.constant 500 : i32
      %dma_wait3A_318 = arith.constant 0 : i32
      %dma_wait3A_319 = tpu.memref_slice %arg6[%dma_wait3A_317, %dma_wait3A_318] : memref<800x16xf32, #tpu.memory_space<vmem>> -> memref<100x16xf32, #tpu.memory_space<vmem>>
      tpu.wait_dma2 semaphore(%arg8 : memref<!tpu.dma_semaphore, #tpu.memory_space<semaphore_mem>>) src(%dma_wait3A_319 : memref<100x16xf32, #tpu.memory_space<vmem>>) dst(%dma_wait3A_316 : memref<100x16xf32, #tpu.memory_space<hbm>>)
      %dma_wait3A_320 = arith.constant 600 : i32
      %dma_wait3A_321 = arith.constant 0 : i32
      %dma_wait3A_322 = tpu.memref_slice %arg6[%dma_wait3A_320, %dma_wait3A_321] : memref<800x16xf32, #tpu.memory_space<vmem>> -> memref<100x16xf32, #tpu.memory_space<vmem>>
      %dma_wait3A_323 = arith.constant 96 : i32
      %dma_wait3A_324 = tpu.memref_slice %arg4[%mul3A_19, %dma_wait3A_323] : memref<100000x128xf32, #tpu.memory_space<hbm>> -> memref<100x16xf32, #tpu.memory_space<hbm>>
      %dma_wait3A_325 = arith.constant 96 : i32
      %dma_wait3A_326 = tpu.memref_slice %arg4[%mul3A_19, %dma_wait3A_325] : memref<100000x128xf32, #tpu.memory_space<hbm>> -> memref<100x16xf32, #tpu.memory_space<hbm>>
      %dma_wait3A_327 = arith.constant 600 : i32
      %dma_wait3A_328 = arith.constant 0 : i32
      %dma_wait3A_329 = tpu.memref_slice %arg6[%dma_wait3A_327, %dma_wait3A_328] : memref<800x16xf32, #tpu.memory_space<vmem>> -> memref<100x16xf32, #tpu.memory_space<vmem>>
      tpu.wait_dma2 semaphore(%arg8 : memref<!tpu.dma_semaphore, #tpu.memory_space<semaphore_mem>>) src(%dma_wait3A_329 : memref<100x16xf32, #tpu.memory_space<vmem>>) dst(%dma_wait3A_326 : memref<100x16xf32, #tpu.memory_space<hbm>>)
      %dma_wait3A_330 = arith.constant 700 : i32
      %dma_wait3A_331 = arith.constant 0 : i32
      %dma_wait3A_332 = tpu.memref_slice %arg6[%dma_wait3A_330, %dma_wait3A_331] : memref<800x16xf32, #tpu.memory_space<vmem>> -> memref<100x16xf32, #tpu.memory_space<vmem>>
      %dma_wait3A_333 = arith.constant 112 : i32
      %dma_wait3A_334 = tpu.memref_slice %arg4[%mul3A_19, %dma_wait3A_333] : memref<100000x128xf32, #tpu.memory_space<hbm>> -> memref<100x16xf32, #tpu.memory_space<hbm>>
      %dma_wait3A_335 = arith.constant 112 : i32
      %dma_wait3A_336 = tpu.memref_slice %arg4[%mul3A_19, %dma_wait3A_335] : memref<100000x128xf32, #tpu.memory_space<hbm>> -> memref<100x16xf32, #tpu.memory_space<hbm>>
      %dma_wait3A_337 = arith.constant 700 : i32
      %dma_wait3A_338 = arith.constant 0 : i32
      %dma_wait3A_339 = tpu.memref_slice %arg6[%dma_wait3A_337, %dma_wait3A_338] : memref<800x16xf32, #tpu.memory_space<vmem>> -> memref<100x16xf32, #tpu.memory_space<vmem>>
      tpu.wait_dma2 semaphore(%arg8 : memref<!tpu.dma_semaphore, #tpu.memory_space<semaphore_mem>>) src(%dma_wait3A_339 : memref<100x16xf32, #tpu.memory_space<vmem>>) dst(%dma_wait3A_336 : memref<100x16xf32, #tpu.memory_space<hbm>>)
    }
    %while3A_15 = arith.constant 1 : i32
    scf.for %while3A_16 = %while3A_13 to %while3A_9 step %while3A_15  : i32 {
      %add3A_17 = arith.addi %add3A_6, %while3A_16 : i32
      %mul3A_18 = arith.constant 100 : i32
      %mul3A_19 = arith.muli %add3A_17, %mul3A_18 : i32
      %mul3A_20 = arith.constant 8 : i32
      %mul3A_21 = arith.muli %mul3A_20, %add3A_17 : i32
      "tpu.region"() ({
        %run_scoped3A = tpu.sem_alloc : memref<!tpu.dma_semaphore, #tpu.memory_space<semaphore_mem>>
        %dma_start3A_340 = arith.constant 0 : i32
        %dma_start3A_341 = tpu.memref_slice %arg2[%mul3A_21, %dma_start3A_340] : memref<8000x100xi32, #tpu.memory_space<hbm>> -> memref<8x100xi32, #tpu.memory_space<hbm>>
        %dma_start3A_342 = arith.constant 0 : i32
        %dma_start3A_343 = tpu.memref_slice %arg2[%mul3A_21, %dma_start3A_342] : memref<8000x100xi32, #tpu.memory_space<hbm>> -> memref<8x100xi32, #tpu.memory_space<hbm>>
        tpu.enqueue_dma source(%dma_start3A_343 : memref<8x100xi32, #tpu.memory_space<hbm>>) target(%arg5 : memref<8x100xi32, #tpu.memory_space<vmem>>) target_semaphore(%run_scoped3A : memref<!tpu.dma_semaphore, #tpu.memory_space<semaphore_mem>>)
        %dma_wait3A_344 = arith.constant 0 : i32
        %dma_wait3A_345 = tpu.memref_slice %arg2[%mul3A_21, %dma_wait3A_344] : memref<8000x100xi32, #tpu.memory_space<hbm>> -> memref<8x100xi32, #tpu.memory_space<hbm>>
        %dma_wait3A_346 = arith.constant 0 : i32
        %dma_wait3A_347 = tpu.memref_slice %arg2[%mul3A_21, %dma_wait3A_346] : memref<8000x100xi32, #tpu.memory_space<hbm>> -> memref<8x100xi32, #tpu.memory_space<hbm>>
        tpu.wait_dma2 semaphore(%run_scoped3A : memref<!tpu.dma_semaphore, #tpu.memory_space<semaphore_mem>>) src(%dma_wait3A_347 : memref<8x100xi32, #tpu.memory_space<hbm>>) dst(%arg5 : memref<8x100xi32, #tpu.memory_space<vmem>>)
        tpu.yield
      }) : () -> ()
      %dma_start3A = arith.constant 0 : i32
      %dma_start3A_22 = arith.constant 0 : i32
      %dma_start3A_23 = arith.constant 0 : i32
      %dma_start3A_24 = tpu.memref_slice %arg6[%dma_start3A_22, %dma_start3A_23] : memref<800x16xf32, #tpu.memory_space<vmem>> -> memref<100x16xf32, #tpu.memory_space<vmem>>
      %dma_start3A_25 = arith.constant 0 : i32
      %dma_start3A_26 = tpu.memref_slice %arg5[%dma_start3A, %dma_start3A_25] : memref<8x100xi32, #tpu.memory_space<vmem>> -> memref<1x100xi32, #tpu.memory_space<vmem>>
      %dma_start3A_27 = tpu.memref_squeeze %dma_start3A_26 : memref<1x100xi32, #tpu.memory_space<vmem>> -> memref<100xi32, #tpu.memory_space<vmem>>
      %dma_start3A_28 = arith.constant 0 : i32
      %dma_start3A_29 = arith.constant 0 : i32
      %dma_start3A_30 = tpu.memref_slice %arg3[%dma_start3A_28, %dma_start3A_29] : memref<51200x16xf32, #tpu.memory_space<hbm>> -> memref<51200x16xf32, #tpu.memory_space<hbm>>
      tpu.enqueue_indirect_dma source(%dma_start3A_30 : memref<51200x16xf32, #tpu.memory_space<hbm>>) target(%dma_start3A_24 : memref<100x16xf32, #tpu.memory_space<vmem>>) offsets(%dma_start3A_27 : memref<100xi32, #tpu.memory_space<vmem>>) semaphore(%arg7 : memref<!tpu.dma_semaphore, #tpu.memory_space<semaphore_mem>>)
      %dma_start3A_31 = arith.constant 1 : i32
      %dma_start3A_32 = arith.constant 100 : i32
      %dma_start3A_33 = arith.constant 0 : i32
      %dma_start3A_34 = tpu.memref_slice %arg6[%dma_start3A_32, %dma_start3A_33] : memref<800x16xf32, #tpu.memory_space<vmem>> -> memref<100x16xf32, #tpu.memory_space<vmem>>
      %dma_start3A_35 = arith.constant 0 : i32
      %dma_start3A_36 = tpu.memref_slice %arg5[%dma_start3A_31, %dma_start3A_35] : memref<8x100xi32, #tpu.memory_space<vmem>> -> memref<1x100xi32, #tpu.memory_space<vmem>>
      %dma_start3A_37 = tpu.memref_squeeze %dma_start3A_36 : memref<1x100xi32, #tpu.memory_space<vmem>> -> memref<100xi32, #tpu.memory_space<vmem>>
      %dma_start3A_38 = arith.constant 0 : i32
      %dma_start3A_39 = arith.constant 0 : i32
      %dma_start3A_40 = tpu.memref_slice %arg3[%dma_start3A_38, %dma_start3A_39] : memref<51200x16xf32, #tpu.memory_space<hbm>> -> memref<51200x16xf32, #tpu.memory_space<hbm>>
      tpu.enqueue_indirect_dma source(%dma_start3A_40 : memref<51200x16xf32, #tpu.memory_space<hbm>>) target(%dma_start3A_34 : memref<100x16xf32, #tpu.memory_space<vmem>>) offsets(%dma_start3A_37 : memref<100xi32, #tpu.memory_space<vmem>>) semaphore(%arg7 : memref<!tpu.dma_semaphore, #tpu.memory_space<semaphore_mem>>)
      %dma_start3A_41 = arith.constant 2 : i32
      %dma_start3A_42 = arith.constant 200 : i32
      %dma_start3A_43 = arith.constant 0 : i32
      %dma_start3A_44 = tpu.memref_slice %arg6[%dma_start3A_42, %dma_start3A_43] : memref<800x16xf32, #tpu.memory_space<vmem>> -> memref<100x16xf32, #tpu.memory_space<vmem>>
      %dma_start3A_45 = arith.constant 0 : i32
      %dma_start3A_46 = tpu.memref_slice %arg5[%dma_start3A_41, %dma_start3A_45] : memref<8x100xi32, #tpu.memory_space<vmem>> -> memref<1x100xi32, #tpu.memory_space<vmem>>
      %dma_start3A_47 = tpu.memref_squeeze %dma_start3A_46 : memref<1x100xi32, #tpu.memory_space<vmem>> -> memref<100xi32, #tpu.memory_space<vmem>>
      %dma_start3A_48 = arith.constant 0 : i32
      %dma_start3A_49 = arith.constant 0 : i32
      %dma_start3A_50 = tpu.memref_slice %arg3[%dma_start3A_48, %dma_start3A_49] : memref<51200x16xf32, #tpu.memory_space<hbm>> -> memref<51200x16xf32, #tpu.memory_space<hbm>>
      tpu.enqueue_indirect_dma source(%dma_start3A_50 : memref<51200x16xf32, #tpu.memory_space<hbm>>) target(%dma_start3A_44 : memref<100x16xf32, #tpu.memory_space<vmem>>) offsets(%dma_start3A_47 : memref<100xi32, #tpu.memory_space<vmem>>) semaphore(%arg7 : memref<!tpu.dma_semaphore, #tpu.memory_space<semaphore_mem>>)
      %dma_start3A_51 = arith.constant 3 : i32
      %dma_start3A_52 = arith.constant 300 : i32
      %dma_start3A_53 = arith.constant 0 : i32
      %dma_start3A_54 = tpu.memref_slice %arg6[%dma_start3A_52, %dma_start3A_53] : memref<800x16xf32, #tpu.memory_space<vmem>> -> memref<100x16xf32, #tpu.memory_space<vmem>>
      %dma_start3A_55 = arith.constant 0 : i32
      %dma_start3A_56 = tpu.memref_slice %arg5[%dma_start3A_51, %dma_start3A_55] : memref<8x100xi32, #tpu.memory_space<vmem>> -> memref<1x100xi32, #tpu.memory_space<vmem>>
      %dma_start3A_57 = tpu.memref_squeeze %dma_start3A_56 : memref<1x100xi32, #tpu.memory_space<vmem>> -> memref<100xi32, #tpu.memory_space<vmem>>
      %dma_start3A_58 = arith.constant 0 : i32
      %dma_start3A_59 = arith.constant 0 : i32
      %dma_start3A_60 = tpu.memref_slice %arg3[%dma_start3A_58, %dma_start3A_59] : memref<51200x16xf32, #tpu.memory_space<hbm>> -> memref<51200x16xf32, #tpu.memory_space<hbm>>
      tpu.enqueue_indirect_dma source(%dma_start3A_60 : memref<51200x16xf32, #tpu.memory_space<hbm>>) target(%dma_start3A_54 : memref<100x16xf32, #tpu.memory_space<vmem>>) offsets(%dma_start3A_57 : memref<100xi32, #tpu.memory_space<vmem>>) semaphore(%arg7 : memref<!tpu.dma_semaphore, #tpu.memory_space<semaphore_mem>>)
      %dma_start3A_61 = arith.constant 4 : i32
      %dma_start3A_62 = arith.constant 400 : i32
      %dma_start3A_63 = arith.constant 0 : i32
      %dma_start3A_64 = tpu.memref_slice %arg6[%dma_start3A_62, %dma_start3A_63] : memref<800x16xf32, #tpu.memory_space<vmem>> -> memref<100x16xf32, #tpu.memory_space<vmem>>
      %dma_start3A_65 = arith.constant 0 : i32
      %dma_start3A_66 = tpu.memref_slice %arg5[%dma_start3A_61, %dma_start3A_65] : memref<8x100xi32, #tpu.memory_space<vmem>> -> memref<1x100xi32, #tpu.memory_space<vmem>>
      %dma_start3A_67 = tpu.memref_squeeze %dma_start3A_66 : memref<1x100xi32, #tpu.memory_space<vmem>> -> memref<100xi32, #tpu.memory_space<vmem>>
      %dma_start3A_68 = arith.constant 0 : i32
      %dma_start3A_69 = arith.constant 0 : i32
      %dma_start3A_70 = tpu.memref_slice %arg3[%dma_start3A_68, %dma_start3A_69] : memref<51200x16xf32, #tpu.memory_space<hbm>> -> memref<51200x16xf32, #tpu.memory_space<hbm>>
      tpu.enqueue_indirect_dma source(%dma_start3A_70 : memref<51200x16xf32, #tpu.memory_space<hbm>>) target(%dma_start3A_64 : memref<100x16xf32, #tpu.memory_space<vmem>>) offsets(%dma_start3A_67 : memref<100xi32, #tpu.memory_space<vmem>>) semaphore(%arg7 : memref<!tpu.dma_semaphore, #tpu.memory_space<semaphore_mem>>)
      %dma_start3A_71 = arith.constant 5 : i32
      %dma_start3A_72 = arith.constant 500 : i32
      %dma_start3A_73 = arith.constant 0 : i32
      %dma_start3A_74 = tpu.memref_slice %arg6[%dma_start3A_72, %dma_start3A_73] : memref<800x16xf32, #tpu.memory_space<vmem>> -> memref<100x16xf32, #tpu.memory_space<vmem>>
      %dma_start3A_75 = arith.constant 0 : i32
      %dma_start3A_76 = tpu.memref_slice %arg5[%dma_start3A_71, %dma_start3A_75] : memref<8x100xi32, #tpu.memory_space<vmem>> -> memref<1x100xi32, #tpu.memory_space<vmem>>
      %dma_start3A_77 = tpu.memref_squeeze %dma_start3A_76 : memref<1x100xi32, #tpu.memory_space<vmem>> -> memref<100xi32, #tpu.memory_space<vmem>>
      %dma_start3A_78 = arith.constant 0 : i32
      %dma_start3A_79 = arith.constant 0 : i32
      %dma_start3A_80 = tpu.memref_slice %arg3[%dma_start3A_78, %dma_start3A_79] : memref<51200x16xf32, #tpu.memory_space<hbm>> -> memref<51200x16xf32, #tpu.memory_space<hbm>>
      tpu.enqueue_indirect_dma source(%dma_start3A_80 : memref<51200x16xf32, #tpu.memory_space<hbm>>) target(%dma_start3A_74 : memref<100x16xf32, #tpu.memory_space<vmem>>) offsets(%dma_start3A_77 : memref<100xi32, #tpu.memory_space<vmem>>) semaphore(%arg7 : memref<!tpu.dma_semaphore, #tpu.memory_space<semaphore_mem>>)
      %dma_start3A_81 = arith.constant 6 : i32
      %dma_start3A_82 = arith.constant 600 : i32
      %dma_start3A_83 = arith.constant 0 : i32
      %dma_start3A_84 = tpu.memref_slice %arg6[%dma_start3A_82, %dma_start3A_83] : memref<800x16xf32, #tpu.memory_space<vmem>> -> memref<100x16xf32, #tpu.memory_space<vmem>>
      %dma_start3A_85 = arith.constant 0 : i32
      %dma_start3A_86 = tpu.memref_slice %arg5[%dma_start3A_81, %dma_start3A_85] : memref<8x100xi32, #tpu.memory_space<vmem>> -> memref<1x100xi32, #tpu.memory_space<vmem>>
      %dma_start3A_87 = tpu.memref_squeeze %dma_start3A_86 : memref<1x100xi32, #tpu.memory_space<vmem>> -> memref<100xi32, #tpu.memory_space<vmem>>
      %dma_start3A_88 = arith.constant 0 : i32
      %dma_start3A_89 = arith.constant 0 : i32
      %dma_start3A_90 = tpu.memref_slice %arg3[%dma_start3A_88, %dma_start3A_89] : memref<51200x16xf32, #tpu.memory_space<hbm>> -> memref<51200x16xf32, #tpu.memory_space<hbm>>
      tpu.enqueue_indirect_dma source(%dma_start3A_90 : memref<51200x16xf32, #tpu.memory_space<hbm>>) target(%dma_start3A_84 : memref<100x16xf32, #tpu.memory_space<vmem>>) offsets(%dma_start3A_87 : memref<100xi32, #tpu.memory_space<vmem>>) semaphore(%arg7 : memref<!tpu.dma_semaphore, #tpu.memory_space<semaphore_mem>>)
      %dma_start3A_91 = arith.constant 7 : i32
      %dma_start3A_92 = arith.constant 700 : i32
      %dma_start3A_93 = arith.constant 0 : i32
      %dma_start3A_94 = tpu.memref_slice %arg6[%dma_start3A_92, %dma_start3A_93] : memref<800x16xf32, #tpu.memory_space<vmem>> -> memref<100x16xf32, #tpu.memory_space<vmem>>
      %dma_start3A_95 = arith.constant 0 : i32
      %dma_start3A_96 = tpu.memref_slice %arg5[%dma_start3A_91, %dma_start3A_95] : memref<8x100xi32, #tpu.memory_space<vmem>> -> memref<1x100xi32, #tpu.memory_space<vmem>>
      %dma_start3A_97 = tpu.memref_squeeze %dma_start3A_96 : memref<1x100xi32, #tpu.memory_space<vmem>> -> memref<100xi32, #tpu.memory_space<vmem>>
      %dma_start3A_98 = arith.constant 0 : i32
      %dma_start3A_99 = arith.constant 0 : i32
      %dma_start3A_100 = tpu.memref_slice %arg3[%dma_start3A_98, %dma_start3A_99] : memref<51200x16xf32, #tpu.memory_space<hbm>> -> memref<51200x16xf32, #tpu.memory_space<hbm>>
      tpu.enqueue_indirect_dma source(%dma_start3A_100 : memref<51200x16xf32, #tpu.memory_space<hbm>>) target(%dma_start3A_94 : memref<100x16xf32, #tpu.memory_space<vmem>>) offsets(%dma_start3A_97 : memref<100xi32, #tpu.memory_space<vmem>>) semaphore(%arg7 : memref<!tpu.dma_semaphore, #tpu.memory_space<semaphore_mem>>)
      %dma_wait3A = arith.constant 0 : i32
      %dma_wait3A_101 = arith.constant 0 : i32
      %dma_wait3A_102 = arith.constant 0 : i32
      %dma_wait3A_103 = tpu.memref_slice %arg6[%dma_wait3A_101, %dma_wait3A_102] : memref<800x16xf32, #tpu.memory_space<vmem>> -> memref<100x16xf32, #tpu.memory_space<vmem>>
      %dma_wait3A_104 = arith.constant 0 : i32
      %dma_wait3A_105 = tpu.memref_slice %arg5[%dma_wait3A, %dma_wait3A_104] : memref<8x100xi32, #tpu.memory_space<vmem>> -> memref<1x100xi32, #tpu.memory_space<vmem>>
      %dma_wait3A_106 = tpu.memref_squeeze %dma_wait3A_105 : memref<1x100xi32, #tpu.memory_space<vmem>> -> memref<100xi32, #tpu.memory_space<vmem>>
      %dma_wait3A_107 = arith.constant 0 : i32
      %dma_wait3A_108 = arith.constant 0 : i32
      %dma_wait3A_109 = tpu.memref_slice %arg3[%dma_wait3A_107, %dma_wait3A_108] : memref<51200x16xf32, #tpu.memory_space<hbm>> -> memref<51200x16xf32, #tpu.memory_space<hbm>>
      tpu.wait_indirect_dma semaphore(%arg7 : memref<!tpu.dma_semaphore, #tpu.memory_space<semaphore_mem>>) src(%dma_wait3A_109 : memref<51200x16xf32, #tpu.memory_space<hbm>>) dst(%dma_wait3A_103 : memref<100x16xf32, #tpu.memory_space<vmem>>)
      %dma_wait3A_110 = arith.constant 1 : i32
      %dma_wait3A_111 = arith.constant 100 : i32
      %dma_wait3A_112 = arith.constant 0 : i32
      %dma_wait3A_113 = tpu.memref_slice %arg6[%dma_wait3A_111, %dma_wait3A_112] : memref<800x16xf32, #tpu.memory_space<vmem>> -> memref<100x16xf32, #tpu.memory_space<vmem>>
      %dma_wait3A_114 = arith.constant 0 : i32
      %dma_wait3A_115 = tpu.memref_slice %arg5[%dma_wait3A_110, %dma_wait3A_114] : memref<8x100xi32, #tpu.memory_space<vmem>> -> memref<1x100xi32, #tpu.memory_space<vmem>>
      %dma_wait3A_116 = tpu.memref_squeeze %dma_wait3A_115 : memref<1x100xi32, #tpu.memory_space<vmem>> -> memref<100xi32, #tpu.memory_space<vmem>>
      %dma_wait3A_117 = arith.constant 0 : i32
      %dma_wait3A_118 = arith.constant 0 : i32
      %dma_wait3A_119 = tpu.memref_slice %arg3[%dma_wait3A_117, %dma_wait3A_118] : memref<51200x16xf32, #tpu.memory_space<hbm>> -> memref<51200x16xf32, #tpu.memory_space<hbm>>
      tpu.wait_indirect_dma semaphore(%arg7 : memref<!tpu.dma_semaphore, #tpu.memory_space<semaphore_mem>>) src(%dma_wait3A_119 : memref<51200x16xf32, #tpu.memory_space<hbm>>) dst(%dma_wait3A_113 : memref<100x16xf32, #tpu.memory_space<vmem>>)
      %dma_wait3A_120 = arith.constant 2 : i32
      %dma_wait3A_121 = arith.constant 200 : i32
      %dma_wait3A_122 = arith.constant 0 : i32
      %dma_wait3A_123 = tpu.memref_slice %arg6[%dma_wait3A_121, %dma_wait3A_122] : memref<800x16xf32, #tpu.memory_space<vmem>> -> memref<100x16xf32, #tpu.memory_space<vmem>>
      %dma_wait3A_124 = arith.constant 0 : i32
      %dma_wait3A_125 = tpu.memref_slice %arg5[%dma_wait3A_120, %dma_wait3A_124] : memref<8x100xi32, #tpu.memory_space<vmem>> -> memref<1x100xi32, #tpu.memory_space<vmem>>
      %dma_wait3A_126 = tpu.memref_squeeze %dma_wait3A_125 : memref<1x100xi32, #tpu.memory_space<vmem>> -> memref<100xi32, #tpu.memory_space<vmem>>
      %dma_wait3A_127 = arith.constant 0 : i32
      %dma_wait3A_128 = arith.constant 0 : i32
      %dma_wait3A_129 = tpu.memref_slice %arg3[%dma_wait3A_127, %dma_wait3A_128] : memref<51200x16xf32, #tpu.memory_space<hbm>> -> memref<51200x16xf32, #tpu.memory_space<hbm>>
      tpu.wait_indirect_dma semaphore(%arg7 : memref<!tpu.dma_semaphore, #tpu.memory_space<semaphore_mem>>) src(%dma_wait3A_129 : memref<51200x16xf32, #tpu.memory_space<hbm>>) dst(%dma_wait3A_123 : memref<100x16xf32, #tpu.memory_space<vmem>>)
      %dma_wait3A_130 = arith.constant 3 : i32
      %dma_wait3A_131 = arith.constant 300 : i32
      %dma_wait3A_132 = arith.constant 0 : i32
      %dma_wait3A_133 = tpu.memref_slice %arg6[%dma_wait3A_131, %dma_wait3A_132] : memref<800x16xf32, #tpu.memory_space<vmem>> -> memref<100x16xf32, #tpu.memory_space<vmem>>
      %dma_wait3A_134 = arith.constant 0 : i32
      %dma_wait3A_135 = tpu.memref_slice %arg5[%dma_wait3A_130, %dma_wait3A_134] : memref<8x100xi32, #tpu.memory_space<vmem>> -> memref<1x100xi32, #tpu.memory_space<vmem>>
      %dma_wait3A_136 = tpu.memref_squeeze %dma_wait3A_135 : memref<1x100xi32, #tpu.memory_space<vmem>> -> memref<100xi32, #tpu.memory_space<vmem>>
      %dma_wait3A_137 = arith.constant 0 : i32
      %dma_wait3A_138 = arith.constant 0 : i32
      %dma_wait3A_139 = tpu.memref_slice %arg3[%dma_wait3A_137, %dma_wait3A_138] : memref<51200x16xf32, #tpu.memory_space<hbm>> -> memref<51200x16xf32, #tpu.memory_space<hbm>>
      tpu.wait_indirect_dma semaphore(%arg7 : memref<!tpu.dma_semaphore, #tpu.memory_space<semaphore_mem>>) src(%dma_wait3A_139 : memref<51200x16xf32, #tpu.memory_space<hbm>>) dst(%dma_wait3A_133 : memref<100x16xf32, #tpu.memory_space<vmem>>)
      %dma_wait3A_140 = arith.constant 4 : i32
      %dma_wait3A_141 = arith.constant 400 : i32
      %dma_wait3A_142 = arith.constant 0 : i32
      %dma_wait3A_143 = tpu.memref_slice %arg6[%dma_wait3A_141, %dma_wait3A_142] : memref<800x16xf32, #tpu.memory_space<vmem>> -> memref<100x16xf32, #tpu.memory_space<vmem>>
      %dma_wait3A_144 = arith.constant 0 : i32
      %dma_wait3A_145 = tpu.memref_slice %arg5[%dma_wait3A_140, %dma_wait3A_144] : memref<8x100xi32, #tpu.memory_space<vmem>> -> memref<1x100xi32, #tpu.memory_space<vmem>>
      %dma_wait3A_146 = tpu.memref_squeeze %dma_wait3A_145 : memref<1x100xi32, #tpu.memory_space<vmem>> -> memref<100xi32, #tpu.memory_space<vmem>>
      %dma_wait3A_147 = arith.constant 0 : i32
      %dma_wait3A_148 = arith.constant 0 : i32
      %dma_wait3A_149 = tpu.memref_slice %arg3[%dma_wait3A_147, %dma_wait3A_148] : memref<51200x16xf32, #tpu.memory_space<hbm>> -> memref<51200x16xf32, #tpu.memory_space<hbm>>
      tpu.wait_indirect_dma semaphore(%arg7 : memref<!tpu.dma_semaphore, #tpu.memory_space<semaphore_mem>>) src(%dma_wait3A_149 : memref<51200x16xf32, #tpu.memory_space<hbm>>) dst(%dma_wait3A_143 : memref<100x16xf32, #tpu.memory_space<vmem>>)
      %dma_wait3A_150 = arith.constant 5 : i32
      %dma_wait3A_151 = arith.constant 500 : i32
      %dma_wait3A_152 = arith.constant 0 : i32
      %dma_wait3A_153 = tpu.memref_slice %arg6[%dma_wait3A_151, %dma_wait3A_152] : memref<800x16xf32, #tpu.memory_space<vmem>> -> memref<100x16xf32, #tpu.memory_space<vmem>>
      %dma_wait3A_154 = arith.constant 0 : i32
      %dma_wait3A_155 = tpu.memref_slice %arg5[%dma_wait3A_150, %dma_wait3A_154] : memref<8x100xi32, #tpu.memory_space<vmem>> -> memref<1x100xi32, #tpu.memory_space<vmem>>
      %dma_wait3A_156 = tpu.memref_squeeze %dma_wait3A_155 : memref<1x100xi32, #tpu.memory_space<vmem>> -> memref<100xi32, #tpu.memory_space<vmem>>
      %dma_wait3A_157 = arith.constant 0 : i32
      %dma_wait3A_158 = arith.constant 0 : i32
      %dma_wait3A_159 = tpu.memref_slice %arg3[%dma_wait3A_157, %dma_wait3A_158] : memref<51200x16xf32, #tpu.memory_space<hbm>> -> memref<51200x16xf32, #tpu.memory_space<hbm>>
      tpu.wait_indirect_dma semaphore(%arg7 : memref<!tpu.dma_semaphore, #tpu.memory_space<semaphore_mem>>) src(%dma_wait3A_159 : memref<51200x16xf32, #tpu.memory_space<hbm>>) dst(%dma_wait3A_153 : memref<100x16xf32, #tpu.memory_space<vmem>>)
      %dma_wait3A_160 = arith.constant 6 : i32
      %dma_wait3A_161 = arith.constant 600 : i32
      %dma_wait3A_162 = arith.constant 0 : i32
      %dma_wait3A_163 = tpu.memref_slice %arg6[%dma_wait3A_161, %dma_wait3A_162] : memref<800x16xf32, #tpu.memory_space<vmem>> -> memref<100x16xf32, #tpu.memory_space<vmem>>
      %dma_wait3A_164 = arith.constant 0 : i32
      %dma_wait3A_165 = tpu.memref_slice %arg5[%dma_wait3A_160, %dma_wait3A_164] : memref<8x100xi32, #tpu.memory_space<vmem>> -> memref<1x100xi32, #tpu.memory_space<vmem>>
      %dma_wait3A_166 = tpu.memref_squeeze %dma_wait3A_165 : memref<1x100xi32, #tpu.memory_space<vmem>> -> memref<100xi32, #tpu.memory_space<vmem>>
      %dma_wait3A_167 = arith.constant 0 : i32
      %dma_wait3A_168 = arith.constant 0 : i32
      %dma_wait3A_169 = tpu.memref_slice %arg3[%dma_wait3A_167, %dma_wait3A_168] : memref<51200x16xf32, #tpu.memory_space<hbm>> -> memref<51200x16xf32, #tpu.memory_space<hbm>>
      tpu.wait_indirect_dma semaphore(%arg7 : memref<!tpu.dma_semaphore, #tpu.memory_space<semaphore_mem>>) src(%dma_wait3A_169 : memref<51200x16xf32, #tpu.memory_space<hbm>>) dst(%dma_wait3A_163 : memref<100x16xf32, #tpu.memory_space<vmem>>)
      %dma_wait3A_170 = arith.constant 7 : i32
      %dma_wait3A_171 = arith.constant 700 : i32
      %dma_wait3A_172 = arith.constant 0 : i32
      %dma_wait3A_173 = tpu.memref_slice %arg6[%dma_wait3A_171, %dma_wait3A_172] : memref<800x16xf32, #tpu.memory_space<vmem>> -> memref<100x16xf32, #tpu.memory_space<vmem>>
      %dma_wait3A_174 = arith.constant 0 : i32
      %dma_wait3A_175 = tpu.memref_slice %arg5[%dma_wait3A_170, %dma_wait3A_174] : memref<8x100xi32, #tpu.memory_space<vmem>> -> memref<1x100xi32, #tpu.memory_space<vmem>>
      %dma_wait3A_176 = tpu.memref_squeeze %dma_wait3A_175 : memref<1x100xi32, #tpu.memory_space<vmem>> -> memref<100xi32, #tpu.memory_space<vmem>>
      %dma_wait3A_177 = arith.constant 0 : i32
      %dma_wait3A_178 = arith.constant 0 : i32
      %dma_wait3A_179 = tpu.memref_slice %arg3[%dma_wait3A_177, %dma_wait3A_178] : memref<51200x16xf32, #tpu.memory_space<hbm>> -> memref<51200x16xf32, #tpu.memory_space<hbm>>
      tpu.wait_indirect_dma semaphore(%arg7 : memref<!tpu.dma_semaphore, #tpu.memory_space<semaphore_mem>>) src(%dma_wait3A_179 : memref<51200x16xf32, #tpu.memory_space<hbm>>) dst(%dma_wait3A_173 : memref<100x16xf32, #tpu.memory_space<vmem>>)
      %dma_start3A_180 = arith.constant 0 : i32
      %dma_start3A_181 = arith.constant 0 : i32
      %dma_start3A_182 = tpu.memref_slice %arg6[%dma_start3A_180, %dma_start3A_181] : memref<800x16xf32, #tpu.memory_space<vmem>> -> memref<100x16xf32, #tpu.memory_space<vmem>>
      %dma_start3A_183 = arith.constant 0 : i32
      %dma_start3A_184 = tpu.memref_slice %arg4[%mul3A_19, %dma_start3A_183] : memref<100000x128xf32, #tpu.memory_space<hbm>> -> memref<100x16xf32, #tpu.memory_space<hbm>>
      %dma_start3A_185 = arith.constant 0 : i32
      %dma_start3A_186 = tpu.memref_slice %arg4[%mul3A_19, %dma_start3A_185] : memref<100000x128xf32, #tpu.memory_space<hbm>> -> memref<100x16xf32, #tpu.memory_space<hbm>>
      %dma_start3A_187 = arith.constant 0 : i32
      %dma_start3A_188 = arith.constant 0 : i32
      %dma_start3A_189 = tpu.memref_slice %arg6[%dma_start3A_187, %dma_start3A_188] : memref<800x16xf32, #tpu.memory_space<vmem>> -> memref<100x16xf32, #tpu.memory_space<vmem>>
      tpu.enqueue_dma source(%dma_start3A_189 : memref<100x16xf32, #tpu.memory_space<vmem>>) target(%dma_start3A_186 : memref<100x16xf32, #tpu.memory_space<hbm>>) target_semaphore(%arg8 : memref<!tpu.dma_semaphore, #tpu.memory_space<semaphore_mem>>)
      %dma_start3A_190 = arith.constant 100 : i32
      %dma_start3A_191 = arith.constant 0 : i32
      %dma_start3A_192 = tpu.memref_slice %arg6[%dma_start3A_190, %dma_start3A_191] : memref<800x16xf32, #tpu.memory_space<vmem>> -> memref<100x16xf32, #tpu.memory_space<vmem>>
      %dma_start3A_193 = arith.constant 16 : i32
      %dma_start3A_194 = tpu.memref_slice %arg4[%mul3A_19, %dma_start3A_193] : memref<100000x128xf32, #tpu.memory_space<hbm>> -> memref<100x16xf32, #tpu.memory_space<hbm>>
      %dma_start3A_195 = arith.constant 16 : i32
      %dma_start3A_196 = tpu.memref_slice %arg4[%mul3A_19, %dma_start3A_195] : memref<100000x128xf32, #tpu.memory_space<hbm>> -> memref<100x16xf32, #tpu.memory_space<hbm>>
      %dma_start3A_197 = arith.constant 100 : i32
      %dma_start3A_198 = arith.constant 0 : i32
      %dma_start3A_199 = tpu.memref_slice %arg6[%dma_start3A_197, %dma_start3A_198] : memref<800x16xf32, #tpu.memory_space<vmem>> -> memref<100x16xf32, #tpu.memory_space<vmem>>
      tpu.enqueue_dma source(%dma_start3A_199 : memref<100x16xf32, #tpu.memory_space<vmem>>) target(%dma_start3A_196 : memref<100x16xf32, #tpu.memory_space<hbm>>) target_semaphore(%arg8 : memref<!tpu.dma_semaphore, #tpu.memory_space<semaphore_mem>>)
      %dma_start3A_200 = arith.constant 200 : i32
      %dma_start3A_201 = arith.constant 0 : i32
      %dma_start3A_202 = tpu.memref_slice %arg6[%dma_start3A_200, %dma_start3A_201] : memref<800x16xf32, #tpu.memory_space<vmem>> -> memref<100x16xf32, #tpu.memory_space<vmem>>
      %dma_start3A_203 = arith.constant 32 : i32
      %dma_start3A_204 = tpu.memref_slice %arg4[%mul3A_19, %dma_start3A_203] : memref<100000x128xf32, #tpu.memory_space<hbm>> -> memref<100x16xf32, #tpu.memory_space<hbm>>
      %dma_start3A_205 = arith.constant 32 : i32
      %dma_start3A_206 = tpu.memref_slice %arg4[%mul3A_19, %dma_start3A_205] : memref<100000x128xf32, #tpu.memory_space<hbm>> -> memref<100x16xf32, #tpu.memory_space<hbm>>
      %dma_start3A_207 = arith.constant 200 : i32
      %dma_start3A_208 = arith.constant 0 : i32
      %dma_start3A_209 = tpu.memref_slice %arg6[%dma_start3A_207, %dma_start3A_208] : memref<800x16xf32, #tpu.memory_space<vmem>> -> memref<100x16xf32, #tpu.memory_space<vmem>>
      tpu.enqueue_dma source(%dma_start3A_209 : memref<100x16xf32, #tpu.memory_space<vmem>>) target(%dma_start3A_206 : memref<100x16xf32, #tpu.memory_space<hbm>>) target_semaphore(%arg8 : memref<!tpu.dma_semaphore, #tpu.memory_space<semaphore_mem>>)
      %dma_start3A_210 = arith.constant 300 : i32
      %dma_start3A_211 = arith.constant 0 : i32
      %dma_start3A_212 = tpu.memref_slice %arg6[%dma_start3A_210, %dma_start3A_211] : memref<800x16xf32, #tpu.memory_space<vmem>> -> memref<100x16xf32, #tpu.memory_space<vmem>>
      %dma_start3A_213 = arith.constant 48 : i32
      %dma_start3A_214 = tpu.memref_slice %arg4[%mul3A_19, %dma_start3A_213] : memref<100000x128xf32, #tpu.memory_space<hbm>> -> memref<100x16xf32, #tpu.memory_space<hbm>>
      %dma_start3A_215 = arith.constant 48 : i32
      %dma_start3A_216 = tpu.memref_slice %arg4[%mul3A_19, %dma_start3A_215] : memref<100000x128xf32, #tpu.memory_space<hbm>> -> memref<100x16xf32, #tpu.memory_space<hbm>>
      %dma_start3A_217 = arith.constant 300 : i32
      %dma_start3A_218 = arith.constant 0 : i32
      %dma_start3A_219 = tpu.memref_slice %arg6[%dma_start3A_217, %dma_start3A_218] : memref<800x16xf32, #tpu.memory_space<vmem>> -> memref<100x16xf32, #tpu.memory_space<vmem>>
      tpu.enqueue_dma source(%dma_start3A_219 : memref<100x16xf32, #tpu.memory_space<vmem>>) target(%dma_start3A_216 : memref<100x16xf32, #tpu.memory_space<hbm>>) target_semaphore(%arg8 : memref<!tpu.dma_semaphore, #tpu.memory_space<semaphore_mem>>)
      %dma_start3A_220 = arith.constant 400 : i32
      %dma_start3A_221 = arith.constant 0 : i32
      %dma_start3A_222 = tpu.memref_slice %arg6[%dma_start3A_220, %dma_start3A_221] : memref<800x16xf32, #tpu.memory_space<vmem>> -> memref<100x16xf32, #tpu.memory_space<vmem>>
      %dma_start3A_223 = arith.constant 64 : i32
      %dma_start3A_224 = tpu.memref_slice %arg4[%mul3A_19, %dma_start3A_223] : memref<100000x128xf32, #tpu.memory_space<hbm>> -> memref<100x16xf32, #tpu.memory_space<hbm>>
      %dma_start3A_225 = arith.constant 64 : i32
      %dma_start3A_226 = tpu.memref_slice %arg4[%mul3A_19, %dma_start3A_225] : memref<100000x128xf32, #tpu.memory_space<hbm>> -> memref<100x16xf32, #tpu.memory_space<hbm>>
      %dma_start3A_227 = arith.constant 400 : i32
      %dma_start3A_228 = arith.constant 0 : i32
      %dma_start3A_229 = tpu.memref_slice %arg6[%dma_start3A_227, %dma_start3A_228] : memref<800x16xf32, #tpu.memory_space<vmem>> -> memref<100x16xf32, #tpu.memory_space<vmem>>
      tpu.enqueue_dma source(%dma_start3A_229 : memref<100x16xf32, #tpu.memory_space<vmem>>) target(%dma_start3A_226 : memref<100x16xf32, #tpu.memory_space<hbm>>) target_semaphore(%arg8 : memref<!tpu.dma_semaphore, #tpu.memory_space<semaphore_mem>>)
      %dma_start3A_230 = arith.constant 500 : i32
      %dma_start3A_231 = arith.constant 0 : i32
      %dma_start3A_232 = tpu.memref_slice %arg6[%dma_start3A_230, %dma_start3A_231] : memref<800x16xf32, #tpu.memory_space<vmem>> -> memref<100x16xf32, #tpu.memory_space<vmem>>
      %dma_start3A_233 = arith.constant 80 : i32
      %dma_start3A_234 = tpu.memref_slice %arg4[%mul3A_19, %dma_start3A_233] : memref<100000x128xf32, #tpu.memory_space<hbm>> -> memref<100x16xf32, #tpu.memory_space<hbm>>
      %dma_start3A_235 = arith.constant 80 : i32
      %dma_start3A_236 = tpu.memref_slice %arg4[%mul3A_19, %dma_start3A_235] : memref<100000x128xf32, #tpu.memory_space<hbm>> -> memref<100x16xf32, #tpu.memory_space<hbm>>
      %dma_start3A_237 = arith.constant 500 : i32
      %dma_start3A_238 = arith.constant 0 : i32
      %dma_start3A_239 = tpu.memref_slice %arg6[%dma_start3A_237, %dma_start3A_238] : memref<800x16xf32, #tpu.memory_space<vmem>> -> memref<100x16xf32, #tpu.memory_space<vmem>>
      tpu.enqueue_dma source(%dma_start3A_239 : memref<100x16xf32, #tpu.memory_space<vmem>>) target(%dma_start3A_236 : memref<100x16xf32, #tpu.memory_space<hbm>>) target_semaphore(%arg8 : memref<!tpu.dma_semaphore, #tpu.memory_space<semaphore_mem>>)
      %dma_start3A_240 = arith.constant 600 : i32
      %dma_start3A_241 = arith.constant 0 : i32
      %dma_start3A_242 = tpu.memref_slice %arg6[%dma_start3A_240, %dma_start3A_241] : memref<800x16xf32, #tpu.memory_space<vmem>> -> memref<100x16xf32, #tpu.memory_space<vmem>>
      %dma_start3A_243 = arith.constant 96 : i32
      %dma_start3A_244 = tpu.memref_slice %arg4[%mul3A_19, %dma_start3A_243] : memref<100000x128xf32, #tpu.memory_space<hbm>> -> memref<100x16xf32, #tpu.memory_space<hbm>>
      %dma_start3A_245 = arith.constant 96 : i32
      %dma_start3A_246 = tpu.memref_slice %arg4[%mul3A_19, %dma_start3A_245] : memref<100000x128xf32, #tpu.memory_space<hbm>> -> memref<100x16xf32, #tpu.memory_space<hbm>>
      %dma_start3A_247 = arith.constant 600 : i32
      %dma_start3A_248 = arith.constant 0 : i32
      %dma_start3A_249 = tpu.memref_slice %arg6[%dma_start3A_247, %dma_start3A_248] : memref<800x16xf32, #tpu.memory_space<vmem>> -> memref<100x16xf32, #tpu.memory_space<vmem>>
      tpu.enqueue_dma source(%dma_start3A_249 : memref<100x16xf32, #tpu.memory_space<vmem>>) target(%dma_start3A_246 : memref<100x16xf32, #tpu.memory_space<hbm>>) target_semaphore(%arg8 : memref<!tpu.dma_semaphore, #tpu.memory_space<semaphore_mem>>)
      %dma_start3A_250 = arith.constant 700 : i32
      %dma_start3A_251 = arith.constant 0 : i32
      %dma_start3A_252 = tpu.memref_slice %arg6[%dma_start3A_250, %dma_start3A_251] : memref<800x16xf32, #tpu.memory_space<vmem>> -> memref<100x16xf32, #tpu.memory_space<vmem>>
      %dma_start3A_253 = arith.constant 112 : i32
      %dma_start3A_254 = tpu.memref_slice %arg4[%mul3A_19, %dma_start3A_253] : memref<100000x128xf32, #tpu.memory_space<hbm>> -> memref<100x16xf32, #tpu.memory_space<hbm>>
      %dma_start3A_255 = arith.constant 112 : i32
      %dma_start3A_256 = tpu.memref_slice %arg4[%mul3A_19, %dma_start3A_255] : memref<100000x128xf32, #tpu.memory_space<hbm>> -> memref<100x16xf32, #tpu.memory_space<hbm>>
      %dma_start3A_257 = arith.constant 700 : i32
      %dma_start3A_258 = arith.constant 0 : i32
      %dma_start3A_259 = tpu.memref_slice %arg6[%dma_start3A_257, %dma_start3A_258] : memref<800x16xf32, #tpu.memory_space<vmem>> -> memref<100x16xf32, #tpu.memory_space<vmem>>
      tpu.enqueue_dma source(%dma_start3A_259 : memref<100x16xf32, #tpu.memory_space<vmem>>) target(%dma_start3A_256 : memref<100x16xf32, #tpu.memory_space<hbm>>) target_semaphore(%arg8 : memref<!tpu.dma_semaphore, #tpu.memory_space<semaphore_mem>>)
      %dma_wait3A_260 = arith.constant 0 : i32
      %dma_wait3A_261 = arith.constant 0 : i32
      %dma_wait3A_262 = tpu.memref_slice %arg6[%dma_wait3A_260, %dma_wait3A_261] : memref<800x16xf32, #tpu.memory_space<vmem>> -> memref<100x16xf32, #tpu.memory_space<vmem>>
      %dma_wait3A_263 = arith.constant 0 : i32
      %dma_wait3A_264 = tpu.memref_slice %arg4[%mul3A_19, %dma_wait3A_263] : memref<100000x128xf32, #tpu.memory_space<hbm>> -> memref<100x16xf32, #tpu.memory_space<hbm>>
      %dma_wait3A_265 = arith.constant 0 : i32
      %dma_wait3A_266 = tpu.memref_slice %arg4[%mul3A_19, %dma_wait3A_265] : memref<100000x128xf32, #tpu.memory_space<hbm>> -> memref<100x16xf32, #tpu.memory_space<hbm>>
      %dma_wait3A_267 = arith.constant 0 : i32
      %dma_wait3A_268 = arith.constant 0 : i32
      %dma_wait3A_269 = tpu.memref_slice %arg6[%dma_wait3A_267, %dma_wait3A_268] : memref<800x16xf32, #tpu.memory_space<vmem>> -> memref<100x16xf32, #tpu.memory_space<vmem>>
      tpu.wait_dma2 semaphore(%arg8 : memref<!tpu.dma_semaphore, #tpu.memory_space<semaphore_mem>>) src(%dma_wait3A_269 : memref<100x16xf32, #tpu.memory_space<vmem>>) dst(%dma_wait3A_266 : memref<100x16xf32, #tpu.memory_space<hbm>>)
      %dma_wait3A_270 = arith.constant 100 : i32
      %dma_wait3A_271 = arith.constant 0 : i32
      %dma_wait3A_272 = tpu.memref_slice %arg6[%dma_wait3A_270, %dma_wait3A_271] : memref<800x16xf32, #tpu.memory_space<vmem>> -> memref<100x16xf32, #tpu.memory_space<vmem>>
      %dma_wait3A_273 = arith.constant 16 : i32
      %dma_wait3A_274 = tpu.memref_slice %arg4[%mul3A_19, %dma_wait3A_273] : memref<100000x128xf32, #tpu.memory_space<hbm>> -> memref<100x16xf32, #tpu.memory_space<hbm>>
      %dma_wait3A_275 = arith.constant 16 : i32
      %dma_wait3A_276 = tpu.memref_slice %arg4[%mul3A_19, %dma_wait3A_275] : memref<100000x128xf32, #tpu.memory_space<hbm>> -> memref<100x16xf32, #tpu.memory_space<hbm>>
      %dma_wait3A_277 = arith.constant 100 : i32
      %dma_wait3A_278 = arith.constant 0 : i32
      %dma_wait3A_279 = tpu.memref_slice %arg6[%dma_wait3A_277, %dma_wait3A_278] : memref<800x16xf32, #tpu.memory_space<vmem>> -> memref<100x16xf32, #tpu.memory_space<vmem>>
      tpu.wait_dma2 semaphore(%arg8 : memref<!tpu.dma_semaphore, #tpu.memory_space<semaphore_mem>>) src(%dma_wait3A_279 : memref<100x16xf32, #tpu.memory_space<vmem>>) dst(%dma_wait3A_276 : memref<100x16xf32, #tpu.memory_space<hbm>>)
      %dma_wait3A_280 = arith.constant 200 : i32
      %dma_wait3A_281 = arith.constant 0 : i32
      %dma_wait3A_282 = tpu.memref_slice %arg6[%dma_wait3A_280, %dma_wait3A_281] : memref<800x16xf32, #tpu.memory_space<vmem>> -> memref<100x16xf32, #tpu.memory_space<vmem>>
      %dma_wait3A_283 = arith.constant 32 : i32
      %dma_wait3A_284 = tpu.memref_slice %arg4[%mul3A_19, %dma_wait3A_283] : memref<100000x128xf32, #tpu.memory_space<hbm>> -> memref<100x16xf32, #tpu.memory_space<hbm>>
      %dma_wait3A_285 = arith.constant 32 : i32
      %dma_wait3A_286 = tpu.memref_slice %arg4[%mul3A_19, %dma_wait3A_285] : memref<100000x128xf32, #tpu.memory_space<hbm>> -> memref<100x16xf32, #tpu.memory_space<hbm>>
      %dma_wait3A_287 = arith.constant 200 : i32
      %dma_wait3A_288 = arith.constant 0 : i32
      %dma_wait3A_289 = tpu.memref_slice %arg6[%dma_wait3A_287, %dma_wait3A_288] : memref<800x16xf32, #tpu.memory_space<vmem>> -> memref<100x16xf32, #tpu.memory_space<vmem>>
      tpu.wait_dma2 semaphore(%arg8 : memref<!tpu.dma_semaphore, #tpu.memory_space<semaphore_mem>>) src(%dma_wait3A_289 : memref<100x16xf32, #tpu.memory_space<vmem>>) dst(%dma_wait3A_286 : memref<100x16xf32, #tpu.memory_space<hbm>>)
      %dma_wait3A_290 = arith.constant 300 : i32
      %dma_wait3A_291 = arith.constant 0 : i32
      %dma_wait3A_292 = tpu.memref_slice %arg6[%dma_wait3A_290, %dma_wait3A_291] : memref<800x16xf32, #tpu.memory_space<vmem>> -> memref<100x16xf32, #tpu.memory_space<vmem>>
      %dma_wait3A_293 = arith.constant 48 : i32
      %dma_wait3A_294 = tpu.memref_slice %arg4[%mul3A_19, %dma_wait3A_293] : memref<100000x128xf32, #tpu.memory_space<hbm>> -> memref<100x16xf32, #tpu.memory_space<hbm>>
      %dma_wait3A_295 = arith.constant 48 : i32
      %dma_wait3A_296 = tpu.memref_slice %arg4[%mul3A_19, %dma_wait3A_295] : memref<100000x128xf32, #tpu.memory_space<hbm>> -> memref<100x16xf32, #tpu.memory_space<hbm>>
      %dma_wait3A_297 = arith.constant 300 : i32
      %dma_wait3A_298 = arith.constant 0 : i32
      %dma_wait3A_299 = tpu.memref_slice %arg6[%dma_wait3A_297, %dma_wait3A_298] : memref<800x16xf32, #tpu.memory_space<vmem>> -> memref<100x16xf32, #tpu.memory_space<vmem>>
      tpu.wait_dma2 semaphore(%arg8 : memref<!tpu.dma_semaphore, #tpu.memory_space<semaphore_mem>>) src(%dma_wait3A_299 : memref<100x16xf32, #tpu.memory_space<vmem>>) dst(%dma_wait3A_296 : memref<100x16xf32, #tpu.memory_space<hbm>>)
      %dma_wait3A_300 = arith.constant 400 : i32
      %dma_wait3A_301 = arith.constant 0 : i32
      %dma_wait3A_302 = tpu.memref_slice %arg6[%dma_wait3A_300, %dma_wait3A_301] : memref<800x16xf32, #tpu.memory_space<vmem>> -> memref<100x16xf32, #tpu.memory_space<vmem>>
      %dma_wait3A_303 = arith.constant 64 : i32
      %dma_wait3A_304 = tpu.memref_slice %arg4[%mul3A_19, %dma_wait3A_303] : memref<100000x128xf32, #tpu.memory_space<hbm>> -> memref<100x16xf32, #tpu.memory_space<hbm>>
      %dma_wait3A_305 = arith.constant 64 : i32
      %dma_wait3A_306 = tpu.memref_slice %arg4[%mul3A_19, %dma_wait3A_305] : memref<100000x128xf32, #tpu.memory_space<hbm>> -> memref<100x16xf32, #tpu.memory_space<hbm>>
      %dma_wait3A_307 = arith.constant 400 : i32
      %dma_wait3A_308 = arith.constant 0 : i32
      %dma_wait3A_309 = tpu.memref_slice %arg6[%dma_wait3A_307, %dma_wait3A_308] : memref<800x16xf32, #tpu.memory_space<vmem>> -> memref<100x16xf32, #tpu.memory_space<vmem>>
      tpu.wait_dma2 semaphore(%arg8 : memref<!tpu.dma_semaphore, #tpu.memory_space<semaphore_mem>>) src(%dma_wait3A_309 : memref<100x16xf32, #tpu.memory_space<vmem>>) dst(%dma_wait3A_306 : memref<100x16xf32, #tpu.memory_space<hbm>>)
      %dma_wait3A_310 = arith.constant 500 : i32
      %dma_wait3A_311 = arith.constant 0 : i32
      %dma_wait3A_312 = tpu.memref_slice %arg6[%dma_wait3A_310, %dma_wait3A_311] : memref<800x16xf32, #tpu.memory_space<vmem>> -> memref<100x16xf32, #tpu.memory_space<vmem>>
      %dma_wait3A_313 = arith.constant 80 : i32
      %dma_wait3A_314 = tpu.memref_slice %arg4[%mul3A_19, %dma_wait3A_313] : memref<100000x128xf32, #tpu.memory_space<hbm>> -> memref<100x16xf32, #tpu.memory_space<hbm>>
      %dma_wait3A_315 = arith.constant 80 : i32
      %dma_wait3A_316 = tpu.memref_slice %arg4[%mul3A_19, %dma_wait3A_315] : memref<100000x128xf32, #tpu.memory_space<hbm>> -> memref<100x16xf32, #tpu.memory_space<hbm>>
      %dma_wait3A_317 = arith.constant 500 : i32
      %dma_wait3A_318 = arith.constant 0 : i32
      %dma_wait3A_319 = tpu.memref_slice %arg6[%dma_wait3A_317, %dma_wait3A_318] : memref<800x16xf32, #tpu.memory_space<vmem>> -> memref<100x16xf32, #tpu.memory_space<vmem>>
      tpu.wait_dma2 semaphore(%arg8 : memref<!tpu.dma_semaphore, #tpu.memory_space<semaphore_mem>>) src(%dma_wait3A_319 : memref<100x16xf32, #tpu.memory_space<vmem>>) dst(%dma_wait3A_316 : memref<100x16xf32, #tpu.memory_space<hbm>>)
      %dma_wait3A_320 = arith.constant 600 : i32
      %dma_wait3A_321 = arith.constant 0 : i32
      %dma_wait3A_322 = tpu.memref_slice %arg6[%dma_wait3A_320, %dma_wait3A_321] : memref<800x16xf32, #tpu.memory_space<vmem>> -> memref<100x16xf32, #tpu.memory_space<vmem>>
      %dma_wait3A_323 = arith.constant 96 : i32
      %dma_wait3A_324 = tpu.memref_slice %arg4[%mul3A_19, %dma_wait3A_323] : memref<100000x128xf32, #tpu.memory_space<hbm>> -> memref<100x16xf32, #tpu.memory_space<hbm>>
      %dma_wait3A_325 = arith.constant 96 : i32
      %dma_wait3A_326 = tpu.memref_slice %arg4[%mul3A_19, %dma_wait3A_325] : memref<100000x128xf32, #tpu.memory_space<hbm>> -> memref<100x16xf32, #tpu.memory_space<hbm>>
      %dma_wait3A_327 = arith.constant 600 : i32
      %dma_wait3A_328 = arith.constant 0 : i32
      %dma_wait3A_329 = tpu.memref_slice %arg6[%dma_wait3A_327, %dma_wait3A_328] : memref<800x16xf32, #tpu.memory_space<vmem>> -> memref<100x16xf32, #tpu.memory_space<vmem>>
      tpu.wait_dma2 semaphore(%arg8 : memref<!tpu.dma_semaphore, #tpu.memory_space<semaphore_mem>>) src(%dma_wait3A_329 : memref<100x16xf32, #tpu.memory_space<vmem>>) dst(%dma_wait3A_326 : memref<100x16xf32, #tpu.memory_space<hbm>>)
      %dma_wait3A_330 = arith.constant 700 : i32
      %dma_wait3A_331 = arith.constant 0 : i32
      %dma_wait3A_332 = tpu.memref_slice %arg6[%dma_wait3A_330, %dma_wait3A_331] : memref<800x16xf32, #tpu.memory_space<vmem>> -> memref<100x16xf32, #tpu.memory_space<vmem>>
      %dma_wait3A_333 = arith.constant 112 : i32
      %dma_wait3A_334 = tpu.memref_slice %arg4[%mul3A_19, %dma_wait3A_333] : memref<100000x128xf32, #tpu.memory_space<hbm>> -> memref<100x16xf32, #tpu.memory_space<hbm>>
      %dma_wait3A_335 = arith.constant 112 : i32
      %dma_wait3A_336 = tpu.memref_slice %arg4[%mul3A_19, %dma_wait3A_335] : memref<100000x128xf32, #tpu.memory_space<hbm>> -> memref<100x16xf32, #tpu.memory_space<hbm>>
      %dma_wait3A_337 = arith.constant 700 : i32
      %dma_wait3A_338 = arith.constant 0 : i32
      %dma_wait3A_339 = tpu.memref_slice %arg6[%dma_wait3A_337, %dma_wait3A_338] : memref<800x16xf32, #tpu.memory_space<vmem>> -> memref<100x16xf32, #tpu.memory_space<vmem>>
      tpu.wait_dma2 semaphore(%arg8 : memref<!tpu.dma_semaphore, #tpu.memory_space<semaphore_mem>>) src(%dma_wait3A_339 : memref<100x16xf32, #tpu.memory_space<vmem>>) dst(%dma_wait3A_336 : memref<100x16xf32, #tpu.memory_space<hbm>>)
    }
    return
  }
}

module attributes {stable_mosaic.version = 14 : i64} {
  func.func @_mm_body(%arg0: i32, %arg1: memref<16x1024xf32, #tpu.memory_space<vmem>>, %arg2: memref<1024x64xf32, #tpu.memory_space<vmem>>, %arg3: memref<1x64xf32, #tpu.memory_space<vmem>>, %arg4: memref<64x6400xf32, #tpu.memory_space<vmem>>, %arg5: memref<1x6400xf32, #tpu.memory_space<vmem>>, %arg6: memref<16x64xf32, #tpu.memory_space<vmem>>, %arg7: memref<800x128xf32, #tpu.memory_space<vmem>>, %arg8: memref<16x64xf32, #tpu.memory_space<vmem>>) attributes {dimension_semantics = [#tpu.dimension_semantics<arbitrary>], iteration_bounds = array<i64: 125>, scalar_prefetch = 0 : i64, scratch_operands = 1 : i64, tpu.core_type = #tpu.core_type<tc>, window_params = [{pipeline_mode = #tpu.pipeline_mode<synchronous>, transform_indices = @transform_0, window_bounds = array<i64: 16, 1024>}, {pipeline_mode = #tpu.pipeline_mode<synchronous>, transform_indices = @transform_1, window_bounds = array<i64: 1024, 64>}, {pipeline_mode = #tpu.pipeline_mode<synchronous>, transform_indices = @transform_2, window_bounds = array<i64: 1, 64>}, {transform_indices = @transform_3, window_bounds = array<i64: 64, 6400>}, {transform_indices = @transform_4, window_bounds = array<i64: 1, 6400>}, {pipeline_mode = #tpu.pipeline_mode<synchronous>, transform_indices = @transform_5, window_bounds = array<i64: 16, 64>}, {transform_indices = @transform_6, window_bounds = array<i64: 800, 128>}]} {
    %eq3A = arith.constant 0 : i32
    %eq3A_0 = arith.cmpi eq, %arg0, %eq3A : i32
    %convert_element_type3A = arith.extui %eq3A_0 : i1 to i32
    %cond3A = arith.constant 0 : i32
    %cond3A_1 = arith.cmpi ne, %convert_element_type3A, %cond3A : i32
    scf.if %cond3A_1 {
      %get3A_42 = arith.constant 0 : index
      %get3A_43 = arith.constant 0 : index
      %get3A_44 = vector.load %arg1[%get3A_42, %get3A_43] : memref<16x1024xf32, #tpu.memory_space<vmem>>, vector<16x1024xf32>
      %get3A_45 = arith.constant 0 : index
      %get3A_46 = arith.constant 0 : index
      %get3A_47 = vector.load %arg2[%get3A_45, %get3A_46] : memref<1024x64xf32, #tpu.memory_space<vmem>>, vector<1024x64xf32>
      %dot_general3A_48 = arith.constant dense<0.000000e+00> : vector<16x64xf32>
      %dot_general3A_49 = tpu.matmul %get3A_44, %get3A_47, %dot_general3A_48 {dimension_numbers = #tpu.dot_dimension_numbers<[1], [0], [0], [1], [0, 0, 1, 1], [], []>, transpose_lhs_hint = false} : vector<16x1024xf32>, vector<1024x64xf32>, vector<16x64xf32> -> vector<16x64xf32>
      %get3A_50 = arith.constant 0 : index
      %get3A_51 = arith.constant 0 : index
      %get3A_52 = vector.load %arg3[%get3A_50, %get3A_51] : memref<1x64xf32, #tpu.memory_space<vmem>>, vector<1x64xf32>
      %add3A_53 = vector.broadcast %get3A_52 : vector<1x64xf32> to vector<16x64xf32>
      %add3A_54 = arith.addf %dot_general3A_49, %add3A_53 : vector<16x64xf32>
      %swap3A_55 = arith.constant 0 : index
      %swap3A_56 = arith.constant 0 : index
      %swap3A_57 = vector.load %arg8[%swap3A_55, %swap3A_56] : memref<16x64xf32, #tpu.memory_space<vmem>>, vector<16x64xf32>
      tpu.vector_store %arg8[%swap3A_55, %swap3A_56], %add3A_54 {strides = array<i32>} : memref<16x64xf32, #tpu.memory_space<vmem>>, vector<16x64xf32>,
      %swap3A_58 = arith.constant 0 : index
      %swap3A_59 = arith.constant 0 : index
      %swap3A_60 = vector.load %arg6[%swap3A_58, %swap3A_59] : memref<16x64xf32, #tpu.memory_space<vmem>>, vector<16x64xf32>
      tpu.vector_store %arg6[%swap3A_58, %swap3A_59], %add3A_54 {strides = array<i32>} : memref<16x64xf32, #tpu.memory_space<vmem>>, vector<16x64xf32>,
    } else {
    }
    %get3A = arith.constant 0 : index
    %get3A_2 = arith.constant 0 : index
    %get3A_3 = vector.load %arg8[%get3A, %get3A_2] : memref<16x64xf32, #tpu.memory_space<vmem>>, vector<16x64xf32>
    %get3A_4 = arith.constant 0 : index
    %get3A_5 = arith.constant 0 : index
    %get3A_6 = vector.load %arg4[%get3A_4, %get3A_5] : memref<64x6400xf32, #tpu.memory_space<vmem>>, vector<64x6400xf32>
    %dot_general3A = arith.constant dense<0.000000e+00> : vector<16x6400xf32>
    %dot_general3A_7 = tpu.matmul %get3A_3, %get3A_6, %dot_general3A {dimension_numbers = #tpu.dot_dimension_numbers<[1], [0], [0], [1], [0, 0, 1, 1], [], []>, transpose_lhs_hint = false} : vector<16x64xf32>, vector<64x6400xf32>, vector<16x6400xf32> -> vector<16x6400xf32>
    %get3A_8 = arith.constant 0 : index
    %get3A_9 = arith.constant 0 : index
    %get3A_10 = vector.load %arg5[%get3A_8, %get3A_9] : memref<1x6400xf32, #tpu.memory_space<vmem>>, vector<1x6400xf32>
    %add3A = vector.broadcast %get3A_10 : vector<1x6400xf32> to vector<16x6400xf32>
    %add3A_11 = arith.addf %dot_general3A_7, %add3A : vector<16x6400xf32>
    %max3A = arith.constant 0.000000e+00 : f32
    %max3A_12 = vector.broadcast %max3A : f32 to vector<16x6400xf32>
    %max3A_13 = arith.maximumf %add3A_11, %max3A_12 : vector<16x6400xf32>
    %add3A_14 = arith.constant 1.000000e-16 : f32
    %add3A_15 = vector.broadcast %add3A_14 : f32 to vector<16x6400xf32>
    %add3A_16 = arith.addf %max3A_13, %add3A_15 : vector<16x6400xf32>
    %iota3A = tpu.iota {dimensions = array<i32: 0>} : vector<16x16xi32>
    %iota3A_17 = tpu.iota {dimensions = array<i32: 1>} : vector<16x16xi32>
    %add3A_18 = arith.constant 0 : i32
    %add3A_19 = vector.broadcast %add3A_18 : i32 to vector<16x16xi32>
    %add3A_20 = arith.addi %iota3A, %add3A_19 : vector<16x16xi32>
    %eq3A_21 = arith.cmpi eq, %add3A_20, %iota3A_17 : vector<16x16xi32>
    %convert_element_type3A_22 = arith.extui %eq3A_21 : vector<16x16xi1> to vector<16x16xi32>
    %convert_element_type3A_23 = arith.sitofp %convert_element_type3A_22 : vector<16x16xi32> to vector<16x16xf32>
    %dot_general3A_24 = arith.constant dense<0.000000e+00> : vector<6400x16xf32>
    %dot_general3A_25 = tpu.matmul %add3A_16, %convert_element_type3A_23, %dot_general3A_24 {dimension_numbers = #tpu.dot_dimension_numbers<[0], [0], [1], [1], [0, 1, 1, 1], [], []>, transpose_lhs_hint = false} : vector<16x6400xf32>, vector<16x16xf32>, vector<6400x16xf32> -> vector<6400x16xf32>
    %reshape3A = vector.shape_cast %dot_general3A_25 : vector<6400x16xf32> to vector<8x800x16xf32>
    %slice3A = vector.extract_strided_slice %reshape3A {offsets = [0, 0, 0], sizes = [1, 800, 16], strides = [1, 1, 1]} : vector<8x800x16xf32> to vector<1x800x16xf32>
    %squeeze3A = vector.shape_cast %slice3A : vector<1x800x16xf32> to vector<800x16xf32>
    %slice3A_26 = vector.extract_strided_slice %reshape3A {offsets = [1, 0, 0], sizes = [1, 800, 16], strides = [1, 1, 1]} : vector<8x800x16xf32> to vector<1x800x16xf32>
    %squeeze3A_27 = vector.shape_cast %slice3A_26 : vector<1x800x16xf32> to vector<800x16xf32>
    %slice3A_28 = vector.extract_strided_slice %reshape3A {offsets = [2, 0, 0], sizes = [1, 800, 16], strides = [1, 1, 1]} : vector<8x800x16xf32> to vector<1x800x16xf32>
    %squeeze3A_29 = vector.shape_cast %slice3A_28 : vector<1x800x16xf32> to vector<800x16xf32>
    %slice3A_30 = vector.extract_strided_slice %reshape3A {offsets = [3, 0, 0], sizes = [1, 800, 16], strides = [1, 1, 1]} : vector<8x800x16xf32> to vector<1x800x16xf32>
    %squeeze3A_31 = vector.shape_cast %slice3A_30 : vector<1x800x16xf32> to vector<800x16xf32>
    %slice3A_32 = vector.extract_strided_slice %reshape3A {offsets = [4, 0, 0], sizes = [1, 800, 16], strides = [1, 1, 1]} : vector<8x800x16xf32> to vector<1x800x16xf32>
    %squeeze3A_33 = vector.shape_cast %slice3A_32 : vector<1x800x16xf32> to vector<800x16xf32>
    %slice3A_34 = vector.extract_strided_slice %reshape3A {offsets = [5, 0, 0], sizes = [1, 800, 16], strides = [1, 1, 1]} : vector<8x800x16xf32> to vector<1x800x16xf32>
    %squeeze3A_35 = vector.shape_cast %slice3A_34 : vector<1x800x16xf32> to vector<800x16xf32>
    %slice3A_36 = vector.extract_strided_slice %reshape3A {offsets = [6, 0, 0], sizes = [1, 800, 16], strides = [1, 1, 1]} : vector<8x800x16xf32> to vector<1x800x16xf32>
    %squeeze3A_37 = vector.shape_cast %slice3A_36 : vector<1x800x16xf32> to vector<800x16xf32>
    %slice3A_38 = vector.extract_strided_slice %reshape3A {offsets = [7, 0, 0], sizes = [1, 800, 16], strides = [1, 1, 1]} : vector<8x800x16xf32> to vector<1x800x16xf32>
    %squeeze3A_39 = vector.shape_cast %slice3A_38 : vector<1x800x16xf32> to vector<800x16xf32>
    %concatenate3A = tpu.concatenate %squeeze3A, %squeeze3A_27, %squeeze3A_29, %squeeze3A_31, %squeeze3A_33, %squeeze3A_35, %squeeze3A_37, %squeeze3A_39 in 1 : vector<800x16xf32>, vector<800x16xf32>, vector<800x16xf32>, vector<800x16xf32>, vector<800x16xf32>, vector<800x16xf32>, vector<800x16xf32>, vector<800x16xf32> -> vector<800x128xf32>
    %swap3A = arith.constant 0 : index
    %swap3A_40 = arith.constant 0 : index
    %swap3A_41 = vector.load %arg7[%swap3A, %swap3A_40] : memref<800x128xf32, #tpu.memory_space<vmem>>, vector<800x128xf32>
    tpu.vector_store %arg7[%swap3A, %swap3A_40], %concatenate3A {strides = array<i32>} : memref<800x128xf32, #tpu.memory_space<vmem>>, vector<800x128xf32>,
    return
  }
  func.func @transform_0(%arg0: i32) -> (i32, i32) {
    %c0_i32 = arith.constant 0 : i32
    %c0_i32_0 = arith.constant 0 : i32
    %c0_i32_1 = arith.constant 0 : i32
    return %c0_i32, %c0_i32_0 : i32, i32
  }
  func.func @transform_1(%arg0: i32) -> (i32, i32) {
    %c0_i32 = arith.constant 0 : i32
    %c0_i32_0 = arith.constant 0 : i32
    %c0_i32_1 = arith.constant 0 : i32
    return %c0_i32, %c0_i32_0 : i32, i32
  }
  func.func @transform_2(%arg0: i32) -> (i32, i32) {
    %c0_i32 = arith.constant 0 : i32
    %c0_i32_0 = arith.constant 0 : i32
    %c0_i32_1 = arith.constant 0 : i32
    return %c0_i32, %c0_i32_0 : i32, i32
  }
  func.func @transform_3(%arg0: i32) -> (i32, i32) {
    %c0_i32 = arith.constant 0 : i32
    %c0_i32_0 = arith.constant 0 : i32
    return %c0_i32, %arg0 : i32, i32
  }
  func.func @transform_4(%arg0: i32) -> (i32, i32) {
    %c0_i32 = arith.constant 0 : i32
    %c0_i32_0 = arith.constant 0 : i32
    return %c0_i32, %arg0 : i32, i32
  }
  func.func @transform_5(%arg0: i32) -> (i32, i32) {
    %c0_i32 = arith.constant 0 : i32
    %c0_i32_0 = arith.constant 0 : i32
    %c0_i32_1 = arith.constant 0 : i32
    return %c0_i32, %c0_i32_0 : i32, i32
  }
  func.func @transform_6(%arg0: i32) -> (i32, i32) {
    %c0_i32 = arith.constant 0 : i32
    %c0_i32_0 = arith.constant 0 : i32
    return %arg0, %c0_i32 : i32, i32
  }
}

module attributes {stable_mosaic.version = 14 : i64} {
  func.func @_fin_body(%arg0: i32, %arg1: memref<800x128xf32, #tpu.memory_space<vmem>>, %arg2: memref<800x128xf32, #tpu.memory_space<vmem>>, %arg3: memref<16x6400xf32, #tpu.memory_space<vmem>>) attributes {dimension_semantics = [#tpu.dimension_semantics<arbitrary>], iteration_bounds = array<i64: 125>, scalar_prefetch = 0 : i64, scratch_operands = 0 : i64, tpu.core_type = #tpu.core_type<tc>, window_params = [{transform_indices = @transform_0, window_bounds = array<i64: 800, 128>}, {transform_indices = @transform_1, window_bounds = array<i64: 800, 128>}, {transform_indices = @transform_2, window_bounds = array<i64: 16, 6400>}]} {
    %get3A = arith.constant 0 : index
    %get3A_0 = arith.constant 0 : index
    %get3A_1 = vector.load %arg1[%get3A, %get3A_0] : memref<800x128xf32, #tpu.memory_space<vmem>>, vector<800x128xf32>
    %get3A_2 = arith.constant 0 : index
    %get3A_3 = arith.constant 0 : index
    %get3A_4 = vector.load %arg2[%get3A_2, %get3A_3] : memref<800x128xf32, #tpu.memory_space<vmem>>, vector<800x128xf32>
    %mul3A = arith.mulf %get3A_1, %get3A_4 : vector<800x128xf32>
    %slice3A = vector.extract_strided_slice %mul3A {offsets = [0, 0], sizes = [800, 16], strides = [1, 1]} : vector<800x128xf32> to vector<800x16xf32>
    %slice3A_5 = vector.extract_strided_slice %mul3A {offsets = [0, 16], sizes = [800, 16], strides = [1, 1]} : vector<800x128xf32> to vector<800x16xf32>
    %slice3A_6 = vector.extract_strided_slice %mul3A {offsets = [0, 32], sizes = [800, 16], strides = [1, 1]} : vector<800x128xf32> to vector<800x16xf32>
    %slice3A_7 = vector.extract_strided_slice %mul3A {offsets = [0, 48], sizes = [800, 16], strides = [1, 1]} : vector<800x128xf32> to vector<800x16xf32>
    %slice3A_8 = vector.extract_strided_slice %mul3A {offsets = [0, 64], sizes = [800, 16], strides = [1, 1]} : vector<800x128xf32> to vector<800x16xf32>
    %slice3A_9 = vector.extract_strided_slice %mul3A {offsets = [0, 80], sizes = [800, 16], strides = [1, 1]} : vector<800x128xf32> to vector<800x16xf32>
    %slice3A_10 = vector.extract_strided_slice %mul3A {offsets = [0, 96], sizes = [800, 16], strides = [1, 1]} : vector<800x128xf32> to vector<800x16xf32>
    %slice3A_11 = vector.extract_strided_slice %mul3A {offsets = [0, 112], sizes = [800, 16], strides = [1, 1]} : vector<800x128xf32> to vector<800x16xf32>
    %concatenate3A = tpu.concatenate %slice3A, %slice3A_5, %slice3A_6, %slice3A_7, %slice3A_8, %slice3A_9, %slice3A_10, %slice3A_11 in 0 : vector<800x16xf32>, vector<800x16xf32>, vector<800x16xf32>, vector<800x16xf32>, vector<800x16xf32>, vector<800x16xf32>, vector<800x16xf32>, vector<800x16xf32> -> vector<6400x16xf32>
    %iota3A = tpu.iota {dimensions = array<i32: 0>} : vector<16x16xi32>
    %iota3A_12 = tpu.iota {dimensions = array<i32: 1>} : vector<16x16xi32>
    %add3A = arith.constant 0 : i32
    %add3A_13 = vector.broadcast %add3A : i32 to vector<16x16xi32>
    %add3A_14 = arith.addi %iota3A, %add3A_13 : vector<16x16xi32>
    %eq3A = arith.cmpi eq, %add3A_14, %iota3A_12 : vector<16x16xi32>
    %convert_element_type3A = arith.extui %eq3A : vector<16x16xi1> to vector<16x16xi32>
    %convert_element_type3A_15 = arith.sitofp %convert_element_type3A : vector<16x16xi32> to vector<16x16xf32>
    %dot_general3A = arith.constant dense<0.000000e+00> : vector<16x6400xf32>
    %dot_general3A_16 = tpu.matmul %convert_element_type3A_15, %concatenate3A, %dot_general3A {dimension_numbers = #tpu.dot_dimension_numbers<[1], [1], [0], [0], [0, 0, 1, 0], [], []>, transpose_lhs_hint = false} : vector<16x16xf32>, vector<6400x16xf32>, vector<16x6400xf32> -> vector<16x6400xf32>
    %swap3A = arith.constant 0 : index
    %swap3A_17 = arith.constant 0 : index
    %swap3A_18 = vector.load %arg3[%swap3A, %swap3A_17] : memref<16x6400xf32, #tpu.memory_space<vmem>>, vector<16x6400xf32>
    tpu.vector_store %arg3[%swap3A, %swap3A_17], %dot_general3A_16 {strides = array<i32>} : memref<16x6400xf32, #tpu.memory_space<vmem>>, vector<16x6400xf32>,
    return
  }
  func.func @transform_0(%arg0: i32) -> (i32, i32) {
    %c0_i32 = arith.constant 0 : i32
    %c0_i32_0 = arith.constant 0 : i32
    return %arg0, %c0_i32 : i32, i32
  }
  func.func @transform_1(%arg0: i32) -> (i32, i32) {
    %c0_i32 = arith.constant 0 : i32
    %c0_i32_0 = arith.constant 0 : i32
    return %arg0, %c0_i32 : i32, i32
  }
  func.func @transform_2(%arg0: i32) -> (i32, i32) {
    %c0_i32 = arith.constant 0 : i32
    %c0_i32_0 = arith.constant 0 : i32
    return %c0_i32, %arg0 : i32, i32
  }
}

</mosaic_0001>

<sc_bundles>
// kernel: kernel.10.cloned.1.call-start
scs
__scs_entry_jumppad:
0x0: {  	(pc) =	sbr.rel $0x88, $3  }
0x1: {  	(tag) =	ssettag $0x0;
	lr =	simm.s32 $0x1  }
0x2: {  	[smem:$0x3F9B] =	sst lr;
	_ =	strace $0xD0000000  }
0x3: {  	_ = 	snop  }
0x4: {  	_ = 	snop  }
0x5: {  	_ = 	snop  }
0x6: {  	_ = 	snop  }
0x7: {  	_ = 	snop  }
__scs_overlays_trampoline_lowered:
0x8: {  	[smem:$0x3FAA] =	sst s0  }
0x9: {  	[smem:$0x3FAB] =	sst s1  }
0xa: {  	[smem:$0x3FAC] =	sst s2  }
0xb: {  	[smem:$0x3FAD] =	sst s3  }
0xc: {  	[smem:$0x3FAE] =	sst s4  }
0xd: {  	[smem:$0x3FAF] =	sst s5  }
0xe: {  	[smem:$0x3FB0] =	sst s6  }
0xf: {  	[smem:$0x3FB1] =	sst s7  }
0x10: {  	[smem:$0x3FB2] =	sst s8  }
0x11: {  	[smem:$0x3FB3] =	sst s9;
	s0 =	simm.s32 @!p0 $0x0  }
0x12: {  	s1 =	sld [smem:$0x3F99];
	s0 =	simm.s32 @p0 $0x1  }
0x13: {  	[smem:$0x3FB4] =	sst s0;
	s0 =	simm.s32 @!p1 $0x0  }
0x14: {  	s2 =	sld [smem:$0x3F98];
	s0 =	simm.s32 @p1 $0x1  }
0x15: {  	[smem:$0x3FB5] =	sst s0;
	s0 =	simm.s32 @!p2 $0x0  }
0x16: {  	s3 =	sld [smem:$0x3FDB];
	s0 =	simm.s32 @p2 $0x1  }
0x17: {  	s4 =	simm.s32 $0x1BF5;
	[smem:$0x3FB7] =	sst s0  }
0x18: {  	s0 =	sld [smem:$0x3F9A];
	_ =	swait.ge [sflag:s4], $0x0  }
0x19: {  	s7 =	sld [smem:$0x3F9B]  }
0x1a: {  	s8 =	sadd.s32 $0xFFFFE003, lr  }
0x1b: {  	s9 =	sadd.s32 $0xFFFFFEF7, lr;
	s5 =	simm.s32 $0xFFFFFFFF;
	p2 =	slt.u32 s8, $0xFFFFF086  }
0x1c: {  	p1 =	slt.u32 s9, $0xF7A;
	s5 =	simm.s32 @!p2 $0x0  }
0x1d: {  	s5 =	simm.s32 @p1 $0x1;
	p0 =	seq.s32 s7, s2  }
0x1e: {  	s7 =	smul.u32 @!p0 $0xF7A, s2;
	p2 =	seq.s32 @!p0 s5, $0x0  }
0x1f: {  	s9 =	smul.u32 $0xF7A, s1;
	s8 =	simm.s32 @!p0 $0x1BF5;
	p2 =	por !p2, p0  }
0x20: {  	[sflag:s8] =	ssyncset.s32 @!p0 $0xFFFFF086;
	s6 =	sadd.s32 @!p0 s3, s7;
	s7 =	simm.s32 @!p0 $0x108  }
0x21: {  	s3 =	sadd.s32 s3, s9;
	s6 =	sadd.s32 @!p0 $0x88, s6;
	s7 =	simm.s32 @p2 $0x1082  }
0x22: {  	[simem:s7], [sflag:s8] =	dma.local @!p0 [hbm:s6], $0xF7A  }
0x23: {  	s9 =	sor.u32 $0xD0000000, s2;
	s6 =	simm.s32 $0x108;
	_ =	swait.ge @!p0 [sflag:s8], $0x0  }
0x24: {  	s3 =	sadd.s32 $0x88, s3;
	s6 =	simm.s32 @!p1 $0x1082;
	[sflag:s4] =	ssyncset.s32 $0xFFFFF086  }
0x25: {  	[simem:s6], [sflag:s4] =	dma.local [hbm:s3], $0xF7A  }
0x26: {  	[smem:$0x3F9B] =	sst s1;
	(tag) =	ssettag s2;
	_ =	strace s9  }
0x27: {  	s1 =	sld [smem:$0x3FAB]  }
0x28: {  	s2 =	sld [smem:$0x3FAC]  }
0x29: {  	s4 =	sld [smem:$0x3FAE]  }
0x2a: {  	p0 =	seq.s32 s5, $0x0;
	s5 =	sld [smem:$0x3FAF]  }
0x2b: {  	s6 =	sld [smem:$0x3FB0]  }
0x2c: {  	s7 =	sld [smem:$0x3FB1]  }
0x2d: {  	s3 =	simm.s32 $0x108;
	s8 =	sld [smem:$0x3FB2]  }
0x2e: {  	s3 =	simm.s32 @!p0 $0x1082;
	s9 =	sld [smem:$0x3FB3]  }
0x2f: {  	lr =	sadd.s32 s0, s3;
	s0 =	sld [smem:$0x3FAA]  }
0x30: {  	s3 =	sld [smem:$0x3FAD]  }
0x31: {  	[smem:$0x3FB6] =	sst s10  }
0x32: {  	s10 =	sld [smem:$0x3FB4];
	_ =	sdelay $0x3  }
0x33: {  	p0 =	seq.s32 s10, $0x1;
	s10 =	sld [smem:$0x3FB6];
	_ =	sdelay $0x3  }
0x34: {  	[smem:$0x3FB6] =	sst s10  }
0x35: {  	s10 =	sld [smem:$0x3FB5];
	_ =	sdelay $0x3  }
0x36: {  	p1 =	seq.s32 s10, $0x1;
	s10 =	sld [smem:$0x3FB6];
	_ =	sdelay $0x3  }
0x37: {  	[smem:$0x3FB6] =	sst s10  }
0x38: {  	s10 =	sld [smem:$0x3FB7]  }
0x39: {  	_ = 	snop;
	(pc) =	sbr.ind lr, $3  }
0x3a: {  	_ = 	snop  }
0x3b: {  	_ = 	snop  }
0x3c: {  	p2 =	seq.s32 s10, $0x1;
	s10 =	sld [smem:$0x3FB6]  }
0x3d: {  	_ =	shalt  }
0x3e: {  	_ =	shalt  }
0x3f: {  	_ =	shalt  }
0x40: {  	_ =	shalt  }
0x41: {  	_ =	shalt  }
0x42: {  	_ =	shalt  }
0x43: {  	_ =	shalt  }
0x44: {  	_ =	shalt  }
0x45: {  	_ =	shalt  }
0x46: {  	_ =	shalt  }
0x47: {  	_ =	shalt  }
0x48: {  	_ =	shalt  }
0x49: {  	_ =	shalt  }
0x4a: {  	_ =	shalt  }
0x4b: {  	_ =	shalt  }
0x4c: {  	_ =	shalt  }
0x4d: {  	_ =	shalt  }
0x4e: {  	_ =	shalt  }
0x4f: {  	_ =	shalt  }
0x50: {  	_ =	shalt  }
0x51: {  	_ =	shalt  }
0x52: {  	_ =	shalt  }
0x53: {  	_ =	shalt  }
0x54: {  	_ =	shalt  }
0x55: {  	_ =	shalt  }
0x56: {  	_ =	shalt  }
0x57: {  	_ =	shalt  }
0x58: {  	_ =	shalt  }
0x59: {  	_ =	shalt  }
0x5a: {  	_ =	shalt  }
0x5b: {  	_ =	shalt  }
0x5c: {  	_ =	shalt  }
0x5d: {  	_ =	shalt  }
0x5e: {  	_ =	shalt  }
0x5f: {  	_ =	shalt  }
0x60: {  	_ =	shalt  }
0x61: {  	_ =	shalt  }
0x62: {  	_ =	shalt  }
0x63: {  	_ =	shalt  }
0x64: {  	_ =	shalt  }
0x65: {  	_ =	shalt  }
0x66: {  	_ =	shalt  }
0x67: {  	_ =	shalt  }
0x68: {  	_ =	shalt  }
0x69: {  	_ =	shalt  }
0x6a: {  	_ =	shalt  }
0x6b: {  	_ =	shalt  }
0x6c: {  	_ =	shalt  }
0x6d: {  	_ =	shalt  }
0x6e: {  	_ =	shalt  }
0x6f: {  	_ =	shalt  }
0x70: {  	_ =	shalt  }
0x71: {  	_ =	shalt  }
0x72: {  	_ =	shalt  }
0x73: {  	_ =	shalt  }
0x74: {  	_ =	shalt  }
0x75: {  	_ =	shalt  }
0x76: {  	_ =	shalt  }
0x77: {  	_ =	shalt  }
0x78: {  	_ =	shalt  }
0x79: {  	_ =	shalt  }
0x7a: {  	_ =	shalt  }
0x7b: {  	_ =	shalt  }
0x7c: {  	_ =	shalt  }
0x7d: {  	_ =	shalt  }
0x7e: {  	_ =	shalt  }
0x7f: {  	_ =	shalt  }
0x80: {  	_ =	shalt  }
0x81: {  	_ =	shalt  }
0x82: {  	_ =	shalt  }
0x83: {  	_ =	shalt  }
0x84: {  	_ =	shalt  }
0x85: {  	_ =	shalt  }
0x86: {  	_ =	shalt  }
0x87: {  	_ =	shalt  }
.Lfunc_end0:
.L_simem_size_0:
called_computation.1_lowered:
.L_overlay_start_0:
0x88: {  	s2 =	sld [smem:$0x3FD9]  }
0x89: {  	s3 =	sld [smem:$0x3FFE];
	_ =	sdelay $0x1  }
0x8a: {  	s1 =	srdreg.scid  }
0x8b: {  	s0 =	sand.u32 $0x1, s1  }
0x8c: {  	s14 =	sshll.u32 s0, $0xA;
	s2 =	sadd.s32 s3, s2  }
0x8d: {  	s2 =	sadd.s32 s2, s14  }
0x8e: {  	[smem:$0x3FC2] =	sst s2  }
0x8f: {  	_ = 	snop  }
0x90: {  	s2 =	sld [smem:$0x3FD0];
	_ =	sdelay $0x2  }
0x91: {  	s15 =	simm.s32 $0xA;
	s4 =	simm.s32 $0x10  }
0x92: {  	[smem:s4], [sflag:s15] =	dma.local [hbm:s2], $0x1  }
0x93: {  	_ =	swait.eq [sflag:s15], $0x1  }
0x94: {  	[sflag:s15] =	ssyncset.done $0x0  }
0x95: {  	[sflag:s15] =	ssyncadd.s32 $0xFFFFFFFF  }
0x96: {  	s16 =	sld [smem:$0x10];
	(tm) =	ssettm $0x1  }
0x97: {  	s17 =	sld [smem:$0x3FFB];
	_ =	sdelay $0x3  }
0x98: {  	_ =	strace s17  }
0x99: {  	s3 =	sld [smem:$0x3FFC];
	_ =	sdelay $0x3  }
0x9a: {  	_ =	strace s3  }
0x9b: {  	s3 =	sld [smem:$0x3FFD];
	_ =	sdelay $0x3  }
0x9c: {  	_ =	strace s3  }
0x9d: {  	_ =	strace $0x8FFFFFFF  }
0x9e: {  	s18 =	sld [smem:$0x3FDB];
	_ =	sdelay $0x1  }
0x9f: {  	s19 =	simm.s32 $_scs_section_size  }
0xa0: {  	s5 =	simm.s32 $_size__tile_overlayer_lowered;
	s6 =	simm.s32 $_tile_overlayer_lowered  }
0xa1: {  	s22 =	simm.s32 $0x1BFF;
	s21 =	sshll.u32 s6, $0x1;
	s3 =	sadd.s32 s19, s18  }
0xa2: {  	s7 =	simm.s32 $0x0;
	s20 =	sshll.u32 s5, $0x1;
	s5 =	sadd.s32 s21, s3  }
0xa3: {  	[timem:s7], [sflag:s22] =	dma.local [hbm:s5], s20  }
0xa4: {  	_ =	swait.ge [sflag:s22], s20  }
0xa5: {  	s4 =	ssub.s32 $0x0, s20;
	[sflag:s22] =	ssyncset.done $0x0  }
0xa6: {  	[sflag:s22] =	ssyncadd.s32 s4;
	_ =	sdelay $0x1  }
0xa7: {  	s23 =	simm.s32 $0x1B8B  }
0xa8: {  	_ =	swait.ge [sflag:s23], $0x1  }
0xa9: {  	[sflag:s23] =	ssyncset.done $0x0  }
0xaa: {  	s25 =	simm.s32 $0x1B8E;
	s24 =	sld [smem:$0x3FFE];
	[sflag:s23] =	ssyncadd.s32 $0xFFFFFFFF  }
0xab: {  	s26 =	simm.s32 $execute0_lowered;
	[smem:$0x3FD2] =	sst s25  }
0xac: {  	s5 =	sshll.u32 s26, $0x1;
	_ =	strace $0x80000049;
	[dreg:$0x1] =	wrdreg $0xFFFFFFFF  }
0xad: {  	s28 =	simm.s32 $_size_execute0_lowered;
	s3 =	sadd.s32 s3, s5;
	[dreg:$0x0] =	wrdreg $0x0  }
0xae: {  	s5 =	sshll.u32 s28, $0x1;
	[dreg:$0x2] =	wrdreg s3  }
0xaf: {  	[dreg:$0x3] =	wrdreg s5  }
0xb0: {  	[dreg:$0x4] =	wrdreg $0xC0  }
0xb1: {  	_ =	task [dreg:s7], $0x5FFFF  }
0xb2: {  	[dreg:$0x1] =	wrdreg $0xFFFFFFFF  }
0xb3: {  	[dreg:$0x0] =	wrdreg $0x60  }
0xb4: {  	[dreg:$0x2] =	wrdreg s16  }
0xb5: {  	[dreg:$0x3] =	wrdreg s24  }
0xb6: {  	[dreg:$0x4] =	wrdreg $0x9  }
0xb7: {  	_ =	task.clear_ibuf [dreg:s7], $0x5FFFF;
	_ =	strace $0x90000049  }
0xb8: {  	s29 =	simm.s32 $0x9;
	_ =	strace $0x8000004B  }
0xb9: {  	_ =	swait.ge [sflag:s29], $0x1  }
0xba: {  	[sflag:s29] =	ssyncadd.s32 $0xFFFFFFFF  }
0xbb: {  	_ =	strace $0x9000004B  }
0xbc: {  	_ =	sfence  }
0xbd: {  	s30 =	sld [smem:$0x0];
	_ =	sdelay $0x2  }
0xbe: {  	s31 =	sshll.u32 s1, $0xD;
	s1 =	sshrl.u32 s1, $0x2  }
0xbf: {  	s3 =	sand.u32 $0x4000, s31;
	s1 =	sadd.s32 s1, s30  }
0xc0: {  	s0 =	sor.u32 s3, s0;
	s1 =	sshll.u32 s1, $0x11  }
0xc1: {  	s0 =	sor.u32 s1, s0  }
0xc2: {  	s0 =	sadd.s32 $0x8F2B, s0  }
0xc3: {  	[sflag:s0] =	ssyncadd.remote.s32 $0x1  }
0xc4: {  	_ =	sfence.sel $0xFFFF  }
0xc5: {  	[dreg:$0x0] =	wrdreg $0xFFFFFFFF;
	(pc) =	sbr.abs _section_cstart, $3  }
0xc6: {  	[dreg:$0x1] =	wrdreg $0xFFFFFFFF  }
0xc7: {  	_ =	task.clear_ibuf [dreg:s7], $0x2FFFF;
	_ =	strace $0x9FFFFFFF  }
0xc8: {  	(tm) =	ssettm $0x7FFFFFFF  }
0xc9: {  	_ =	shalt  }
tec
execute0_lowered:
.L_overlay_start_1:
0x0: {  	(tag) =	ssettag $0x1  }
0x1: {  	s4 =	rddreg [dreg:$0x0];
	s1 =	srdreg.scid  }
0x2: {  	s0 =	stileid.u32;
	s3 =	rddreg [dreg:$0x1]  }
0x3: {  	s10 =	simm.s32 $0x0;
	s5 =	sand.u32 $0x1, s1;
	s2 =	sshll.u32 s0, $0x1  }
0x4: {  	s1 =	rddreg [dreg:$0x2];
	s9 =	sadd.s32 $0x19000, s4;
	s6 =	sor.u32 s5, s2  }
0x5: {  	s2 =	simm.s32 $0x0;
	s5 =	ssub.s32 $0x2, s5;
	s7 =	smul.u32 $0xC80, s6  }
0x6: {  	[smem:$0x7FF] =	sst s2;
	s31 =	sshrl.u32 s5, $0x1;
	s6 =	simm.s32 $0x1  }
0x7: {  	_ =	strace $0x8000004A;
	s5 =	ssub.s32 s5, s31;
	s8 =	sadd.s32 s7, s3  }
0x8: {  	s3 =	sadd.s32 s4, s7;
	s5 =	smax.u32 s5, $0x1;
	s7 =	sadd.s32 s7, s9  }
0x9: {  	s9 =	simm.s32 $0xC800;
	s4 =	sadd.s32 $0x1A1600, s8;
	s8 =	simm.s32 $0x6400  }
.LBB2_1:
0xa: {  	[tilespmem:s2], [sflag:$0x1] =	stream.linear.gather [hbm4b:s3+s2], $0x6400, $0x38;
	[tilespmem:$0x12C00] =	vst v63  }
0xb: {  	_ =	swait.ge [sflag:s6], $0x6400  }
0xc: {  	[sflag:s6] =	ssyncset.done $0x0  }
0xd: {  	[sflag:s6] =	ssyncadd.s32 $0xFFFF9C00  }
0xe: {  	[tilespmem:s8], [sflag:$0x1] =	stream.linear.gather [hbm4b:s7+s2], $0x6400, $0x38;
	[tilespmem:$0x12C00] =	vst v63  }
0xf: {  	_ =	swait.ge [sflag:s6], $0x6400  }
0x10: {  	[sflag:s6] =	ssyncset.done $0x0  }
0x11: {  	s12 =	simm.s32 $0x0;
	[sflag:s6] =	ssyncadd.s32 $0xFFFF9C00  }
0x12: {  	v0 =	vld [tilespmem:s12+$0x0]  }
0x13: {  	s11 =	simm.s32 $0x10;
	v1 =	vld [tilespmem:s12+$0x6400]  }
0x14: {  	v2 =	vld [tilespmem:s11+$0x0]  }
0x15: {  	v3 =	vld [tilespmem:s11+$0x6400];
	_ =	sdelay $0x2  }
0x16: {  	v0 =	vadd.f32 v1, v0;
	_ =	sdelay $0x1  }
0x17: {  	v2 =	vadd.f32 v3, v2;
	(erf) = vrcp.f32 v0;
	_ =	sdelay $0x1  }
0x18: {  	s13 =	simm.s32 $0x20;
	(erf) = vrcp.f32 v2  }
0x19: {  	v1 =	vld [tilespmem:s13+$0x6400]  }
0x1a: {  	s14 =	simm.s32 $0xC0;
	v0 =	vld [tilespmem:s13+$0x0]  }
.LBB2_2:
0x1b: {  	_ = 	snop  }
0x1c: {  	p0 =	sne.s32 s14, $0x18FC0  }
.Ltmp0:
0x1d: {  	_ = 	snop;
	(pc) =	sbr.rel @p0 .LBB2_2-.Ltmp0, $4  }
0x1e: {  	_ = 	snop  }
0x1f: {  	s15 =	sshra.s32 s14, $0x2;
	v2 =	vpop (erf);
	v3 =	vadd.f32 v1, v0  }
0x20: {  	s14 =	sadd.s32 $0x40, s14;
	v0 =	vld [tilespmem:s15+$0x0];
	[tilespmem:s12+$0xC800] =	vst v2  }
0x21: {  	s12 =	smov.u32 s11;
	s11 =	smov.u32 s13;
	s13 =	smov.u32 s15;
	v1 =	vld [tilespmem:s15+$0x6400];
	(erf) = vrcp.f32 v3  }
0x22: {  	_ =	sdelay $0x3  }
0x23: {  	v0 =	vadd.f32 v1, v0;
	_ =	sdelay $0x1  }
0x24: {  	(erf) = vrcp.f32 v0;
	_ =	sdelay $0x6  }
0x25: {  	v61 =	vpop (erf)  }
0x26: {  	s10 =	sadd.s32 $0x1, s10;
	[tilespmem:s12+$0xC800] =	vst v61;
	v62 =	vpop (erf)  }
0x27: {  	p0 =	sne.s32 s10, s5;
	[tilespmem:s11+$0xC800] =	vst v62;
	v63 =	vpop (erf)  }
.Ltmp1:
0x28: {  	[tilespmem:s13+$0xC800] =	vst v63;
	(pc) =	sbr.rel @p0 .LBB2_1-.Ltmp1, $4  }
0x29: {  	[hbm4b:s4+s2] =	stream.linear.scatter [tilespmem:s9], [sflag:$0x1], $0x6400, $0x38;
	[tilespmem:$0x12C00] =	vst v63  }
0x2a: {  	_ =	swait.ge [sflag:s6], $0x6400  }
0x2b: {  	[sflag:s6] =	ssyncset.done $0x0  }
0x2c: {  	[sflag:s6] =	ssyncadd.s32 $0xFFFF9C00  }
0x2d: {  	_ =	sfence.sel $0x180000  }
0x2e: {  	[bflag:$0x0] =	sbarrier.arrive $0xFFFF  }
0x2f: {  	p0 =	sne.s32 s0, $0x0;
	_ =	strace $0x9000004A  }
0x30: {  	s0 =	sadd.s32 @!p0 $0x100000, s1;
	[bflag:$0x2] =	sbarrier.arrive $0xFFFF  }
0x31: {  	[sflag:s0] =	ssyncadd.tile.s32 @!p0 $0x1;
	_ =	shalt  }
.Lfunc_end2:
_tile_overlayer_lowered:
.L_overlay_start_2:
0x32: {  	(tag) =	ssettag $0x2  }
0x33: {  	s0 =	rddreg [dreg:$0x0];
	s2 =	stileid.u32  }
0x34: {  	s1 =	rddreg [dreg:$0x1];
	p0 =	sne.s32 s2, $0x0  }
0x35: {  	s3 =	rddreg [dreg:$0x2];
	[bflag:$0x3] =	sbarrier.arrive $0xFFFF;
	s2 =	simm.s32 @!p0 $0x1C01  }
0x36: {  	[timem:s3], [sflag:s2] =	dma.local @!p0 [hbm:s0], s1  }
0x37: {  	s0 =	simm.s32 @!p0 $0x1  }
0x38: {  	_ =	swait.ge @!p0 [sflag:s0], s1  }
0x39: {  	s1 =	ssub.s32 @!p0 $0x0, s1;
	[sflag:s0] =	ssyncset.done @!p0 $0x0  }
0x3a: {  	[sflag:s0] =	ssyncadd.s32 @!p0 s1  }
0x3b: {  	[bflag:$0x3] =	sbarrier.arrive $0xFFFF  }
0x3c: {  	_ =	shalt  }

// kernel: kernel.13.cloned.1.call-start
scs
__scs_entry_jumppad:
0x0: {  	(pc) =	sbr.rel $0x88, $3  }
0x1: {  	(tag) =	ssettag $0x0;
	lr =	simm.s32 $0x1  }
0x2: {  	[smem:$0x3F9B] =	sst lr;
	_ =	strace $0xD0000000  }
0x3: {  	_ = 	snop  }
0x4: {  	_ = 	snop  }
0x5: {  	_ = 	snop  }
0x6: {  	_ = 	snop  }
0x7: {  	_ = 	snop  }
__scs_overlays_trampoline_lowered:
0x8: {  	[smem:$0x3FAA] =	sst s0  }
0x9: {  	[smem:$0x3FAB] =	sst s1  }
0xa: {  	[smem:$0x3FAC] =	sst s2  }
0xb: {  	[smem:$0x3FAD] =	sst s3  }
0xc: {  	[smem:$0x3FAE] =	sst s4  }
0xd: {  	[smem:$0x3FAF] =	sst s5  }
0xe: {  	[smem:$0x3FB0] =	sst s6  }
0xf: {  	[smem:$0x3FB1] =	sst s7  }
0x10: {  	[smem:$0x3FB2] =	sst s8  }
0x11: {  	[smem:$0x3FB3] =	sst s9;
	s0 =	simm.s32 @!p0 $0x0  }
0x12: {  	s1 =	sld [smem:$0x3F99];
	s0 =	simm.s32 @p0 $0x1  }
0x13: {  	[smem:$0x3FB4] =	sst s0;
	s0 =	simm.s32 @!p1 $0x0  }
0x14: {  	s2 =	sld [smem:$0x3F98];
	s0 =	simm.s32 @p1 $0x1  }
0x15: {  	[smem:$0x3FB5] =	sst s0;
	s0 =	simm.s32 @!p2 $0x0  }
0x16: {  	s3 =	sld [smem:$0x3FDB];
	s0 =	simm.s32 @p2 $0x1  }
0x17: {  	s4 =	simm.s32 $0x1BF5;
	[smem:$0x3FB7] =	sst s0  }
0x18: {  	s0 =	sld [smem:$0x3F9A];
	_ =	swait.ge [sflag:s4], $0x0  }
0x19: {  	s7 =	sld [smem:$0x3F9B]  }
0x1a: {  	s8 =	sadd.s32 $0xFFFFE003, lr  }
0x1b: {  	s9 =	sadd.s32 $0xFFFFFEF7, lr;
	s5 =	simm.s32 $0xFFFFFFFF;
	p2 =	slt.u32 s8, $0xFFFFF086  }
0x1c: {  	p1 =	slt.u32 s9, $0xF7A;
	s5 =	simm.s32 @!p2 $0x0  }
0x1d: {  	s5 =	simm.s32 @p1 $0x1;
	p0 =	seq.s32 s7, s2  }
0x1e: {  	s7 =	smul.u32 @!p0 $0xF7A, s2;
	p2 =	seq.s32 @!p0 s5, $0x0  }
0x1f: {  	s9 =	smul.u32 $0xF7A, s1;
	s8 =	simm.s32 @!p0 $0x1BF5;
	p2 =	por !p2, p0  }
0x20: {  	[sflag:s8] =	ssyncset.s32 @!p0 $0xFFFFF086;
	s6 =	sadd.s32 @!p0 s3, s7;
	s7 =	simm.s32 @!p0 $0x108  }
0x21: {  	s3 =	sadd.s32 s3, s9;
	s6 =	sadd.s32 @!p0 $0x88, s6;
	s7 =	simm.s32 @p2 $0x1082  }
0x22: {  	[simem:s7], [sflag:s8] =	dma.local @!p0 [hbm:s6], $0xF7A  }
0x23: {  	s9 =	sor.u32 $0xD0000000, s2;
	s6 =	simm.s32 $0x108;
	_ =	swait.ge @!p0 [sflag:s8], $0x0  }
0x24: {  	s3 =	sadd.s32 $0x88, s3;
	s6 =	simm.s32 @!p1 $0x1082;
	[sflag:s4] =	ssyncset.s32 $0xFFFFF086  }
0x25: {  	[simem:s6], [sflag:s4] =	dma.local [hbm:s3], $0xF7A  }
0x26: {  	[smem:$0x3F9B] =	sst s1;
	(tag) =	ssettag s2;
	_ =	strace s9  }
0x27: {  	s1 =	sld [smem:$0x3FAB]  }
0x28: {  	s2 =	sld [smem:$0x3FAC]  }
0x29: {  	s4 =	sld [smem:$0x3FAE]  }
0x2a: {  	p0 =	seq.s32 s5, $0x0;
	s5 =	sld [smem:$0x3FAF]  }
0x2b: {  	s6 =	sld [smem:$0x3FB0]  }
0x2c: {  	s7 =	sld [smem:$0x3FB1]  }
0x2d: {  	s3 =	simm.s32 $0x108;
	s8 =	sld [smem:$0x3FB2]  }
0x2e: {  	s3 =	simm.s32 @!p0 $0x1082;
	s9 =	sld [smem:$0x3FB3]  }
0x2f: {  	lr =	sadd.s32 s0, s3;
	s0 =	sld [smem:$0x3FAA]  }
0x30: {  	s3 =	sld [smem:$0x3FAD]  }
0x31: {  	[smem:$0x3FB6] =	sst s10  }
0x32: {  	s10 =	sld [smem:$0x3FB4];
	_ =	sdelay $0x3  }
0x33: {  	p0 =	seq.s32 s10, $0x1;
	s10 =	sld [smem:$0x3FB6];
	_ =	sdelay $0x3  }
0x34: {  	[smem:$0x3FB6] =	sst s10  }
0x35: {  	s10 =	sld [smem:$0x3FB5];
	_ =	sdelay $0x3  }
0x36: {  	p1 =	seq.s32 s10, $0x1;
	s10 =	sld [smem:$0x3FB6];
	_ =	sdelay $0x3  }
0x37: {  	[smem:$0x3FB6] =	sst s10  }
0x38: {  	s10 =	sld [smem:$0x3FB7]  }
0x39: {  	_ = 	snop;
	(pc) =	sbr.ind lr, $3  }
0x3a: {  	_ = 	snop  }
0x3b: {  	_ = 	snop  }
0x3c: {  	p2 =	seq.s32 s10, $0x1;
	s10 =	sld [smem:$0x3FB6]  }
0x3d: {  	_ =	shalt  }
0x3e: {  	_ =	shalt  }
0x3f: {  	_ =	shalt  }
0x40: {  	_ =	shalt  }
0x41: {  	_ =	shalt  }
0x42: {  	_ =	shalt  }
0x43: {  	_ =	shalt  }
0x44: {  	_ =	shalt  }
0x45: {  	_ =	shalt  }
0x46: {  	_ =	shalt  }
0x47: {  	_ =	shalt  }
0x48: {  	_ =	shalt  }
0x49: {  	_ =	shalt  }
0x4a: {  	_ =	shalt  }
0x4b: {  	_ =	shalt  }
0x4c: {  	_ =	shalt  }
0x4d: {  	_ =	shalt  }
0x4e: {  	_ =	shalt  }
0x4f: {  	_ =	shalt  }
0x50: {  	_ =	shalt  }
0x51: {  	_ =	shalt  }
0x52: {  	_ =	shalt  }
0x53: {  	_ =	shalt  }
0x54: {  	_ =	shalt  }
0x55: {  	_ =	shalt  }
0x56: {  	_ =	shalt  }
0x57: {  	_ =	shalt  }
0x58: {  	_ =	shalt  }
0x59: {  	_ =	shalt  }
0x5a: {  	_ =	shalt  }
0x5b: {  	_ =	shalt  }
0x5c: {  	_ =	shalt  }
0x5d: {  	_ =	shalt  }
0x5e: {  	_ =	shalt  }
0x5f: {  	_ =	shalt  }
0x60: {  	_ =	shalt  }
0x61: {  	_ =	shalt  }
0x62: {  	_ =	shalt  }
0x63: {  	_ =	shalt  }
0x64: {  	_ =	shalt  }
0x65: {  	_ =	shalt  }
0x66: {  	_ =	shalt  }
0x67: {  	_ =	shalt  }
0x68: {  	_ =	shalt  }
0x69: {  	_ =	shalt  }
0x6a: {  	_ =	shalt  }
0x6b: {  	_ =	shalt  }
0x6c: {  	_ =	shalt  }
0x6d: {  	_ =	shalt  }
0x6e: {  	_ =	shalt  }
0x6f: {  	_ =	shalt  }
0x70: {  	_ =	shalt  }
0x71: {  	_ =	shalt  }
0x72: {  	_ =	shalt  }
0x73: {  	_ =	shalt  }
0x74: {  	_ =	shalt  }
0x75: {  	_ =	shalt  }
0x76: {  	_ =	shalt  }
0x77: {  	_ =	shalt  }
0x78: {  	_ =	shalt  }
0x79: {  	_ =	shalt  }
0x7a: {  	_ =	shalt  }
0x7b: {  	_ =	shalt  }
0x7c: {  	_ =	shalt  }
0x7d: {  	_ =	shalt  }
0x7e: {  	_ =	shalt  }
0x7f: {  	_ =	shalt  }
0x80: {  	_ =	shalt  }
0x81: {  	_ =	shalt  }
0x82: {  	_ =	shalt  }
0x83: {  	_ =	shalt  }
0x84: {  	_ =	shalt  }
0x85: {  	_ =	shalt  }
0x86: {  	_ =	shalt  }
0x87: {  	_ =	shalt  }
.Lfunc_end0:
.L_simem_size_0:
called_computation.2_lowered:
.L_overlay_start_0:
0x88: {  	s2 =	sld [smem:$0x3FD9]  }
0x89: {  	s3 =	sld [smem:$0x3FFE];
	_ =	sdelay $0x1  }
0x8a: {  	s1 =	srdreg.scid  }
0x8b: {  	s0 =	sand.u32 $0x1, s1  }
0x8c: {  	s16 =	sshll.u32 s0, $0xA;
	s2 =	sadd.s32 s3, s2  }
0x8d: {  	s2 =	sadd.s32 s2, s16  }
0x8e: {  	[smem:$0x3FC2] =	sst s2  }
0x8f: {  	_ = 	snop  }
0x90: {  	(tm) =	ssettm $0x1  }
0x91: {  	s17 =	sld [smem:$0x3FFB];
	_ =	sdelay $0x3  }
0x92: {  	_ =	strace s17  }
0x93: {  	s2 =	sld [smem:$0x3FFC];
	_ =	sdelay $0x3  }
0x94: {  	_ =	strace s2  }
0x95: {  	s2 =	sld [smem:$0x3FFD];
	_ =	sdelay $0x3  }
0x96: {  	_ =	strace s2  }
0x97: {  	_ =	strace $0x8FFFFFFF  }
0x98: {  	s18 =	sld [smem:$0x3FDB];
	_ =	sdelay $0x1  }
0x99: {  	s19 =	simm.s32 $_scs_section_size  }
0x9a: {  	s4 =	simm.s32 $_size__tile_overlayer_lowered;
	s5 =	simm.s32 $_tile_overlayer_lowered  }
0x9b: {  	s22 =	simm.s32 $0x1BFF;
	s21 =	sshll.u32 s5, $0x1;
	s2 =	sadd.s32 s19, s18  }
0x9c: {  	s6 =	simm.s32 $0x0;
	s20 =	sshll.u32 s4, $0x1;
	s4 =	sadd.s32 s21, s2  }
0x9d: {  	[timem:s6], [sflag:s22] =	dma.local [hbm:s4], s20  }
0x9e: {  	_ =	swait.ge [sflag:s22], s20  }
0x9f: {  	s3 =	ssub.s32 $0x0, s20;
	[sflag:s22] =	ssyncset.done $0x0  }
0xa0: {  	[sflag:s22] =	ssyncadd.s32 s3;
	_ =	sdelay $0x1  }
0xa1: {  	s23 =	simm.s32 $0x1B8B  }
0xa2: {  	_ =	swait.ge [sflag:s23], $0x1  }
0xa3: {  	[sflag:s23] =	ssyncset.done $0x0  }
0xa4: {  	s25 =	simm.s32 $0x1B8E;
	s24 =	sld [smem:$0x3FFE];
	[sflag:s23] =	ssyncadd.s32 $0xFFFFFFFF  }
0xa5: {  	s26 =	simm.s32 $execute0_lowered;
	[smem:$0x3FD2] =	sst s25  }
0xa6: {  	s4 =	sshll.u32 s26, $0x1;
	_ =	strace $0x8000004C;
	[dreg:$0x1] =	wrdreg $0xFFFFFFFF  }
0xa7: {  	s28 =	simm.s32 $_size_execute0_lowered;
	s2 =	sadd.s32 s2, s4;
	[dreg:$0x0] =	wrdreg $0x0  }
0xa8: {  	s4 =	sshll.u32 s28, $0x1;
	[dreg:$0x2] =	wrdreg s2  }
0xa9: {  	[dreg:$0x3] =	wrdreg s4  }
0xaa: {  	[dreg:$0x4] =	wrdreg $0xC0  }
0xab: {  	_ =	task [dreg:s6], $0x5FFFF  }
0xac: {  	[dreg:$0x1] =	wrdreg $0xFFFFFFFF  }
0xad: {  	[dreg:$0x0] =	wrdreg $0x60  }
0xae: {  	[dreg:$0x2] =	wrdreg s24  }
0xaf: {  	[dreg:$0x3] =	wrdreg $0x9  }
0xb0: {  	_ =	task.clear_ibuf [dreg:s6], $0x4FFFF;
	_ =	strace $0x9000004C  }
0xb1: {  	s29 =	simm.s32 $0x9;
	_ =	strace $0x8000004E  }
0xb2: {  	_ =	swait.ge [sflag:s29], $0x1  }
0xb3: {  	[sflag:s29] =	ssyncadd.s32 $0xFFFFFFFF  }
0xb4: {  	_ =	strace $0x9000004E  }
0xb5: {  	_ =	sfence  }
0xb6: {  	s30 =	sld [smem:$0x0];
	_ =	sdelay $0x2  }
0xb7: {  	s31 =	sshll.u32 s1, $0xD;
	s1 =	sshrl.u32 s1, $0x2  }
0xb8: {  	s3 =	sand.u32 $0x4000, s31;
	s1 =	sadd.s32 s1, s30  }
0xb9: {  	s0 =	sor.u32 s3, s0;
	s1 =	sshll.u32 s1, $0x11  }
0xba: {  	s0 =	sor.u32 s1, s0  }
0xbb: {  	s0 =	sadd.s32 $0x8F2B, s0  }
0xbc: {  	[sflag:s0] =	ssyncadd.remote.s32 $0x1  }
0xbd: {  	_ =	sfence.sel $0xFFFF  }
0xbe: {  	[dreg:$0x0] =	wrdreg $0xFFFFFFFF;
	(pc) =	sbr.abs _section_cstart, $3  }
0xbf: {  	[dreg:$0x1] =	wrdreg $0xFFFFFFFF  }
0xc0: {  	_ =	task.clear_ibuf [dreg:s6], $0x2FFFF;
	_ =	strace $0x9FFFFFFF  }
0xc1: {  	(tm) =	ssettm $0x7FFFFFFF  }
tec
execute0_lowered:
.L_overlay_start_1:
0x0: {  	(tag) =	ssettag $0x1  }
0x1: {  	s1 =	srdreg.scid  }
0x2: {  	s0 =	stileid.u32;
	s5 =	rddreg [dreg:$0x0];
	s10 =	simm.s32 $0x68  }
0x3: {  	s9 =	simm.s32 $0x64;
	s11 =	simm.s32 $0xD0;
	s12 =	simm.s32 $0x138  }
0x4: {  	s14 =	simm.s32 $0x1A0;
	s13 =	simm.s32 $0x1600;
	s15 =	simm.s32 $0x208  }
0x5: {  	s16 =	simm.s32 $0x2280;
	s17 =	simm.s32 $0x270;
	s18 =	simm.s32 $0x28C0  }
0x6: {  	s19 =	simm.s32 $0x2D8;
	s20 =	simm.s32 $0x2F00;
	s21 =	simm.s32 $0x1  }
0x7: {  	s22 =	simm.s32 $0x10;
	s3 =	sand.u32 $0x1, s1;
	s28 =	sshll.u32 s0, $0x1  }
0x8: {  	s23 =	simm.s32 $0x80;
	s2 =	smul.u32 $0x3E, s0;
	s1 =	sor.u32 s3, s28  }
0x9: {  	s24 =	simm.s32 $0x2;
	s4 =	smul.u32 $0x1F, s3;
	s1 =	smin.u32 s1, $0x8  }
0xa: {  	s25 =	simm.s32 $0x0;
	p0 =	slt.u32 s0, $0x4;
	s1 =	sadd.s32 s2, s1  }
0xb: {  	s2 =	simm.s32 $0x0;
	s4 =	sadd.s32 s4, s1;
	s1 =	rddreg [dreg:$0x1]  }
0xc: {  	s29 =	ssub.s32 $0x2, s3;
	s3 =	sadd.s32 $0x1A1600, s5;
	[smem:$0x7FF] =	sst s2  }
0xd: {  	s30 =	sshrl.u32 s29, $0x1;
	_ =	strace $0x8000004D;
	[dreg:$0x2] =	wrdreg s10  }
0xe: {  	s31 =	ssub.s32 s29, s30;
	s6 =	smul.u32 $0x68, s4;
	[dreg:$0x3] =	wrdreg s11  }
0xf: {  	s4 =	smul.u32 $0x640, s4;
	s10 =	simm.s32 $0x340;
	[dreg:$0x4] =	wrdreg s12  }
0x10: {  	s11 =	simm.s32 $0x980;
	s12 =	simm.s32 $0xFC0;
	[dreg:$0x5] =	wrdreg s14  }
0x11: {  	s14 =	simm.s32 $0x1C40;
	s8 =	sadd.s32 s4, s5;
	s4 =	simm.s32 $0x20  }
0x12: {  	s7 =	sadd.s32 s6, s5;
	s5 =	smax.u32 s31, $0x1;
	s4 =	simm.s32 @!p0 $0x1F  }
0x13: {  	s6 =	sadd.s32 $0x1BA600, s8;
	s7 =	sadd.s32 $0x1400, s7;
	s8 =	simm.s32 $0x3  }
.LBB2_1:
0x14: {  	[tilespmem:s2], [sflag:$0x3] =	stream.linear.gather [hbm4b:s7+s2], $0x340, $0x38;
	[tilespmem:$0x3540] =	vst v63  }
0x15: {  	_ =	swait.ge [sflag:s8], $0x340  }
0x16: {  	[sflag:s8] =	ssyncset.done $0x0  }
0x17: {  	[sflag:s8] =	ssyncadd.s32 $0xFFFFFCC0  }
0x18: {  	[tilespmem:s10], [sflag:$0x1] =	stream.indirect.gather [hbm4b:s3+s9], $0x10, s2, s9, $0xb8;
	[tilespmem:$0x3540] =	vst v63  }
0x19: {  	s26 =	rddreg [dreg:$0x2]  }
0x1a: {  	[tilespmem:s11], [sflag:$0x1] =	stream.indirect.gather [hbm4b:s3+s9], $0x10, s26, s9, $0xb8;
	[tilespmem:$0x3540] =	vst v63  }
0x1b: {  	s28 =	rddreg [dreg:$0x3]  }
0x1c: {  	[tilespmem:s12], [sflag:$0x1] =	stream.indirect.gather [hbm4b:s3+s9], $0x10, s28, s9, $0xb8;
	[tilespmem:$0x3540] =	vst v63  }
0x1d: {  	s30 =	rddreg [dreg:$0x4]  }
0x1e: {  	[tilespmem:s13], [sflag:$0x1] =	stream.indirect.gather [hbm4b:s3+s9], $0x10, s30, s9, $0xb8;
	[tilespmem:$0x3540] =	vst v63  }
0x1f: {  	s28 =	rddreg [dreg:$0x5]  }
0x20: {  	[tilespmem:s14], [sflag:$0x1] =	stream.indirect.gather [hbm4b:s3+s9], $0x10, s28, s9, $0xb8;
	[tilespmem:$0x3540] =	vst v63  }
0x21: {  	_ = 	snop  }
0x22: {  	[tilespmem:s16], [sflag:$0x1] =	stream.indirect.gather [hbm4b:s3+s9], $0x10, s15, s9, $0xb8;
	[tilespmem:$0x3540] =	vst v63  }
0x23: {  	_ = 	snop  }
0x24: {  	[tilespmem:s18], [sflag:$0x1] =	stream.indirect.gather [hbm4b:s3+s9], $0x10, s17, s9, $0xb8;
	[tilespmem:$0x3540] =	vst v63  }
0x25: {  	_ = 	snop  }
0x26: {  	[tilespmem:s20], [sflag:$0x1] =	stream.indirect.gather [hbm4b:s3+s9], $0x10, s19, s9, $0xb8;
	[tilespmem:$0x3540] =	vst v63  }
0x27: {  	_ =	swait.ge [sflag:s21], $0x640  }
0x28: {  	[sflag:s21] =	ssyncset.done $0x0  }
0x29: {  	[sflag:s21] =	ssyncadd.s32 $0xFFFFF9C0  }
0x2a: {  	_ =	swait.ge [sflag:s21], $0x640  }
0x2b: {  	[sflag:s21] =	ssyncset.done $0x0  }
0x2c: {  	[sflag:s21] =	ssyncadd.s32 $0xFFFFF9C0  }
0x2d: {  	_ =	swait.ge [sflag:s21], $0x640  }
0x2e: {  	[sflag:s21] =	ssyncset.done $0x0  }
0x2f: {  	[sflag:s21] =	ssyncadd.s32 $0xFFFFF9C0  }
0x30: {  	_ =	swait.ge [sflag:s21], $0x640  }
0x31: {  	[sflag:s21] =	ssyncset.done $0x0  }
0x32: {  	[sflag:s21] =	ssyncadd.s32 $0xFFFFF9C0  }
0x33: {  	_ =	swait.ge [sflag:s21], $0x640  }
0x34: {  	[sflag:s21] =	ssyncset.done $0x0  }
0x35: {  	[sflag:s21] =	ssyncadd.s32 $0xFFFFF9C0  }
0x36: {  	_ =	swait.ge [sflag:s21], $0x640  }
0x37: {  	[sflag:s21] =	ssyncset.done $0x0  }
0x38: {  	[sflag:s21] =	ssyncadd.s32 $0xFFFFF9C0  }
0x39: {  	_ =	swait.ge [sflag:s21], $0x640  }
0x3a: {  	[sflag:s21] =	ssyncset.done $0x0  }
0x3b: {  	[sflag:s21] =	ssyncadd.s32 $0xFFFFF9C0  }
0x3c: {  	_ =	swait.ge [sflag:s21], $0x640  }
0x3d: {  	[sflag:s21] =	ssyncset.done $0x0  }
0x3e: {  	[sflag:s21] =	ssyncadd.s32 $0xFFFFF9C0  }
0x3f: {  	[hbm4b:s6+s22] =	stream.strided.scatter [tilespmem:s10], [sflag:$0x2], $0x640, s23, s22, $0x38;
	[tilespmem:$0x3540] =	vst v63  }
0x40: {  	s31 =	sadd.s32 $0x2, s6  }
0x41: {  	[hbm4b:s31+s22] =	stream.strided.scatter [tilespmem:s11], [sflag:$0x2], $0x640, s23, s22, $0x38;
	[tilespmem:$0x3540] =	vst v63  }
0x42: {  	s30 =	sadd.s32 $0x4, s6  }
0x43: {  	[hbm4b:s30+s22] =	stream.strided.scatter [tilespmem:s12], [sflag:$0x2], $0x640, s23, s22, $0x38;
	[tilespmem:$0x3540] =	vst v63  }
0x44: {  	s31 =	sadd.s32 $0x6, s6  }
0x45: {  	[hbm4b:s31+s22] =	stream.strided.scatter [tilespmem:s13], [sflag:$0x2], $0x640, s23, s22, $0x38;
	[tilespmem:$0x3540] =	vst v63  }
0x46: {  	s30 =	sadd.s32 $0x8, s6  }
0x47: {  	[hbm4b:s30+s22] =	stream.strided.scatter [tilespmem:s14], [sflag:$0x2], $0x640, s23, s22, $0x38;
	[tilespmem:$0x3540] =	vst v63  }
0x48: {  	s31 =	sadd.s32 $0xA, s6  }
0x49: {  	[hbm4b:s31+s22] =	stream.strided.scatter [tilespmem:s16], [sflag:$0x2], $0x640, s23, s22, $0x38;
	[tilespmem:$0x3540] =	vst v63  }
0x4a: {  	s30 =	sadd.s32 $0xC, s6  }
0x4b: {  	[hbm4b:s30+s22] =	stream.strided.scatter [tilespmem:s18], [sflag:$0x2], $0x640, s23, s22, $0x38;
	[tilespmem:$0x3540] =	vst v63  }
0x4c: {  	s31 =	sadd.s32 $0xE, s6  }
0x4d: {  	[hbm4b:s31+s22] =	stream.strided.scatter [tilespmem:s20], [sflag:$0x2], $0x640, s23, s22, $0x38;
	[tilespmem:$0x3540] =	vst v63  }
0x4e: {  	_ =	swait.ge [sflag:s24], $0x640  }
0x4f: {  	[sflag:s24] =	ssyncset.done $0x0  }
0x50: {  	[sflag:s24] =	ssyncadd.s32 $0xFFFFF9C0  }
0x51: {  	_ =	swait.ge [sflag:s24], $0x640  }
0x52: {  	[sflag:s24] =	ssyncset.done $0x0  }
0x53: {  	[sflag:s24] =	ssyncadd.s32 $0xFFFFF9C0  }
0x54: {  	_ =	swait.ge [sflag:s24], $0x640  }
0x55: {  	[sflag:s24] =	ssyncset.done $0x0  }
0x56: {  	[sflag:s24] =	ssyncadd.s32 $0xFFFFF9C0  }
0x57: {  	_ =	swait.ge [sflag:s24], $0x640  }
0x58: {  	[sflag:s24] =	ssyncset.done $0x0  }
0x59: {  	[sflag:s24] =	ssyncadd.s32 $0xFFFFF9C0  }
0x5a: {  	_ =	swait.ge [sflag:s24], $0x640  }
0x5b: {  	[sflag:s24] =	ssyncset.done $0x0  }
0x5c: {  	[sflag:s24] =	ssyncadd.s32 $0xFFFFF9C0  }
0x5d: {  	_ =	swait.ge [sflag:s24], $0x640  }
0x5e: {  	[sflag:s24] =	ssyncset.done $0x0  }
0x5f: {  	p0 =	sne.s32 s4, $0x1;
	[sflag:s24] =	ssyncadd.s32 $0xFFFFF9C0  }
.Ltmp0:
0x60: {  	_ =	swait.ge [sflag:s24], $0x640;
	(pc) =	sbr.rel @!p0 .LBB2_3-.Ltmp0, $4  }
0x61: {  	[sflag:s24] =	ssyncset.done $0x0  }
0x62: {  	[sflag:s24] =	ssyncadd.s32 $0xFFFFF9C0  }
0x63: {  	s29 =	smov.u32 s7;
	_ =	swait.ge [sflag:s24], $0x640  }
0x64: {  	s26 =	sadd.s32 $0xFFFFFFFF, s4;
	s28 =	smov.u32 s6;
	[sflag:s24] =	ssyncset.done $0x0  }
.LBB2_2:
0x65: {  	[sflag:s24] =	ssyncadd.s32 $0xFFFFF9C0;
	s29 =	sadd.s32 $0x68, s29  }
0x66: {  	[tilespmem:s2], [sflag:$0x3] =	stream.linear.gather [hbm4b:s29+s2], $0x340, $0x38;
	[tilespmem:$0x3540] =	vst v63  }
0x67: {  	_ =	swait.ge [sflag:s8], $0x340  }
0x68: {  	[sflag:s8] =	ssyncset.done $0x0  }
0x69: {  	[sflag:s8] =	ssyncadd.s32 $0xFFFFFCC0  }
0x6a: {  	[tilespmem:s10], [sflag:$0x1] =	stream.indirect.gather [hbm4b:s3+s9], $0x10, s2, s9, $0xb8;
	[tilespmem:$0x3540] =	vst v63  }
0x6b: {  	s30 =	rddreg [dreg:$0x2]  }
0x6c: {  	[tilespmem:s11], [sflag:$0x1] =	stream.indirect.gather [hbm4b:s3+s9], $0x10, s30, s9, $0xb8;
	[tilespmem:$0x3540] =	vst v63  }
0x6d: {  	s31 =	rddreg [dreg:$0x3]  }
0x6e: {  	[tilespmem:s12], [sflag:$0x1] =	stream.indirect.gather [hbm4b:s3+s9], $0x10, s31, s9, $0xb8;
	[tilespmem:$0x3540] =	vst v63  }
0x6f: {  	s30 =	rddreg [dreg:$0x4]  }
0x70: {  	[tilespmem:s13], [sflag:$0x1] =	stream.indirect.gather [hbm4b:s3+s9], $0x10, s30, s9, $0xb8;
	[tilespmem:$0x3540] =	vst v63  }
0x71: {  	s31 =	rddreg [dreg:$0x5]  }
0x72: {  	[tilespmem:s14], [sflag:$0x1] =	stream.indirect.gather [hbm4b:s3+s9], $0x10, s31, s9, $0xb8;
	[tilespmem:$0x3540] =	vst v63  }
0x73: {  	_ = 	snop  }
0x74: {  	[tilespmem:s16], [sflag:$0x1] =	stream.indirect.gather [hbm4b:s3+s9], $0x10, s15, s9, $0xb8;
	[tilespmem:$0x3540] =	vst v63  }
0x75: {  	_ = 	snop  }
0x76: {  	[tilespmem:s18], [sflag:$0x1] =	stream.indirect.gather [hbm4b:s3+s9], $0x10, s17, s9, $0xb8;
	[tilespmem:$0x3540] =	vst v63  }
0x77: {  	_ = 	snop  }
0x78: {  	[tilespmem:s20], [sflag:$0x1] =	stream.indirect.gather [hbm4b:s3+s9], $0x10, s19, s9, $0xb8;
	[tilespmem:$0x3540] =	vst v63  }
0x79: {  	_ =	swait.ge [sflag:s21], $0x640  }
0x7a: {  	[sflag:s21] =	ssyncset.done $0x0  }
0x7b: {  	[sflag:s21] =	ssyncadd.s32 $0xFFFFF9C0  }
0x7c: {  	_ =	swait.ge [sflag:s21], $0x640  }
0x7d: {  	[sflag:s21] =	ssyncset.done $0x0  }
0x7e: {  	[sflag:s21] =	ssyncadd.s32 $0xFFFFF9C0  }
0x7f: {  	_ =	swait.ge [sflag:s21], $0x640  }
0x80: {  	[sflag:s21] =	ssyncset.done $0x0  }
0x81: {  	[sflag:s21] =	ssyncadd.s32 $0xFFFFF9C0  }
0x82: {  	_ =	swait.ge [sflag:s21], $0x640  }
0x83: {  	[sflag:s21] =	ssyncset.done $0x0  }
0x84: {  	[sflag:s21] =	ssyncadd.s32 $0xFFFFF9C0  }
0x85: {  	_ =	swait.ge [sflag:s21], $0x640  }
0x86: {  	[sflag:s21] =	ssyncset.done $0x0  }
0x87: {  	[sflag:s21] =	ssyncadd.s32 $0xFFFFF9C0  }
0x88: {  	_ =	swait.ge [sflag:s21], $0x640  }
0x89: {  	[sflag:s21] =	ssyncset.done $0x0  }
0x8a: {  	[sflag:s21] =	ssyncadd.s32 $0xFFFFF9C0  }
0x8b: {  	_ =	swait.ge [sflag:s21], $0x640  }
0x8c: {  	[sflag:s21] =	ssyncset.done $0x0  }
0x8d: {  	[sflag:s21] =	ssyncadd.s32 $0xFFFFF9C0  }
0x8e: {  	_ =	swait.ge [sflag:s21], $0x640  }
0x8f: {  	[sflag:s21] =	ssyncset.done $0x0  }
0x90: {  	s28 =	sadd.s32 $0x640, s28;
	[sflag:s21] =	ssyncadd.s32 $0xFFFFF9C0  }
0x91: {  	[hbm4b:s28+s22] =	stream.strided.scatter [tilespmem:s10], [sflag:$0x2], $0x640, s23, s22, $0x38;
	[tilespmem:$0x3540] =	vst v63  }
0x92: {  	s31 =	sadd.s32 $0x2, s28  }
0x93: {  	[hbm4b:s31+s22] =	stream.strided.scatter [tilespmem:s11], [sflag:$0x2], $0x640, s23, s22, $0x38;
	[tilespmem:$0x3540] =	vst v63  }
0x94: {  	s31 =	sadd.s32 $0x4, s28  }
0x95: {  	[hbm4b:s31+s22] =	stream.strided.scatter [tilespmem:s12], [sflag:$0x2], $0x640, s23, s22, $0x38;
	[tilespmem:$0x3540] =	vst v63  }
0x96: {  	s31 =	sadd.s32 $0x6, s28  }
0x97: {  	[hbm4b:s31+s22] =	stream.strided.scatter [tilespmem:s13], [sflag:$0x2], $0x640, s23, s22, $0x38;
	[tilespmem:$0x3540] =	vst v63  }
0x98: {  	s31 =	sadd.s32 $0x8, s28  }
0x99: {  	[hbm4b:s31+s22] =	stream.strided.scatter [tilespmem:s14], [sflag:$0x2], $0x640, s23, s22, $0x38;
	[tilespmem:$0x3540] =	vst v63  }
0x9a: {  	s31 =	sadd.s32 $0xA, s28  }
0x9b: {  	[hbm4b:s31+s22] =	stream.strided.scatter [tilespmem:s16], [sflag:$0x2], $0x640, s23, s22, $0x38;
	[tilespmem:$0x3540] =	vst v63  }
0x9c: {  	s31 =	sadd.s32 $0xC, s28  }
0x9d: {  	[hbm4b:s31+s22] =	stream.strided.scatter [tilespmem:s18], [sflag:$0x2], $0x640, s23, s22, $0x38;
	[tilespmem:$0x3540] =	vst v63  }
0x9e: {  	s31 =	sadd.s32 $0xE, s28  }
0x9f: {  	[hbm4b:s31+s22] =	stream.strided.scatter [tilespmem:s20], [sflag:$0x2], $0x640, s23, s22, $0x38;
	[tilespmem:$0x3540] =	vst v63  }
0xa0: {  	_ =	swait.ge [sflag:s24], $0x640  }
0xa1: {  	[sflag:s24] =	ssyncset.done $0x0  }
0xa2: {  	[sflag:s24] =	ssyncadd.s32 $0xFFFFF9C0  }
0xa3: {  	_ =	swait.ge [sflag:s24], $0x640  }
0xa4: {  	[sflag:s24] =	ssyncset.done $0x0  }
0xa5: {  	[sflag:s24] =	ssyncadd.s32 $0xFFFFF9C0  }
0xa6: {  	_ =	swait.ge [sflag:s24], $0x640  }
0xa7: {  	[sflag:s24] =	ssyncset.done $0x0  }
0xa8: {  	[sflag:s24] =	ssyncadd.s32 $0xFFFFF9C0  }
0xa9: {  	_ =	swait.ge [sflag:s24], $0x640  }
0xaa: {  	[sflag:s24] =	ssyncset.done $0x0  }
0xab: {  	[sflag:s24] =	ssyncadd.s32 $0xFFFFF9C0  }
0xac: {  	_ =	swait.ge [sflag:s24], $0x640  }
0xad: {  	[sflag:s24] =	ssyncset.done $0x0  }
0xae: {  	[sflag:s24] =	ssyncadd.s32 $0xFFFFF9C0  }
0xaf: {  	_ =	swait.ge [sflag:s24], $0x640  }
0xb0: {  	[sflag:s24] =	ssyncset.done $0x0  }
0xb1: {  	p0 =	sne.s32 s26, $0x1;
	[sflag:s24] =	ssyncadd.s32 $0xFFFFF9C0  }
.Ltmp1:
0xb2: {  	_ =	swait.ge [sflag:s24], $0x640;
	(pc) =	sbr.rel @p0 .LBB2_2-.Ltmp1, $4  }
0xb3: {  	[sflag:s24] =	ssyncset.done $0x0  }
0xb4: {  	[sflag:s24] =	ssyncadd.s32 $0xFFFFF9C0  }
0xb5: {  	_ =	swait.ge [sflag:s24], $0x640  }
0xb6: {  	s26 =	sadd.s32 $0xFFFFFFFF, s26;
	[sflag:s24] =	ssyncset.done $0x0  }
.LBB2_3:
0xb7: {  	s25 =	sadd.s32 $0x1, s25  }
0xb8: {  	p0 =	sne.s32 s25, s5  }
.Ltmp2:
0xb9: {  	_ = 	snop;
	(pc) =	sbr.rel @p0 .LBB2_1-.Ltmp2, $2  }
0xba: {  	_ =	sdelay $0x2  }
0xbb: {  	[sflag:s24] =	ssyncadd.s32 $0xFFFFF9C0  }
0xbc: {  	_ =	sfence.sel $0x180000  }
0xbd: {  	[bflag:$0x0] =	sbarrier.arrive $0xFFFF  }
0xbe: {  	p0 =	sne.s32 s0, $0x0;
	_ =	strace $0x9000004D  }
0xbf: {  	s0 =	sadd.s32 @!p0 $0x100000, s1;
	[bflag:$0x2] =	sbarrier.arrive $0xFFFF  }
0xc0: {  	[sflag:s0] =	ssyncadd.tile.s32 @!p0 $0x1;
	_ =	shalt  }
.Lfunc_end2:
_tile_overlayer_lowered:
.L_overlay_start_2:
0xc1: {  	(tag) =	ssettag $0x2  }
0xc2: {  	s0 =	rddreg [dreg:$0x0];
	s2 =	stileid.u32  }
0xc3: {  	s1 =	rddreg [dreg:$0x1];
	p0 =	sne.s32 s2, $0x0  }
0xc4: {  	s3 =	rddreg [dreg:$0x2];
	[bflag:$0x3] =	sbarrier.arrive $0xFFFF;
	s2 =	simm.s32 @!p0 $0x1C03  }
0xc5: {  	[timem:s3], [sflag:s2] =	dma.local @!p0 [hbm:s0], s1  }
0xc6: {  	s0 =	simm.s32 @!p0 $0x3  }
0xc7: {  	_ =	swait.ge @!p0 [sflag:s0], s1  }
0xc8: {  	s1 =	ssub.s32 @!p0 $0x0, s1;
	[sflag:s0] =	ssyncset.done @!p0 $0x0  }
0xc9: {  	[sflag:s0] =	ssyncadd.s32 @!p0 s1  }
0xca: {  	[bflag:$0x3] =	sbarrier.arrive $0xFFFF  }
0xcb: {  	_ =	shalt  }

// kernel: kernel.7.cloned.1.call-start
scs
__scs_entry_jumppad:
0x0: {  	(pc) =	sbr.rel $0x88, $3  }
0x1: {  	(tag) =	ssettag $0x0;
	lr =	simm.s32 $0x1  }
0x2: {  	[smem:$0x3F9B] =	sst lr;
	_ =	strace $0xD0000000  }
0x3: {  	_ = 	snop  }
0x4: {  	_ = 	snop  }
0x5: {  	_ = 	snop  }
0x6: {  	_ = 	snop  }
0x7: {  	_ = 	snop  }
__scs_overlays_trampoline_lowered:
0x8: {  	[smem:$0x3FAA] =	sst s0  }
0x9: {  	[smem:$0x3FAB] =	sst s1  }
0xa: {  	[smem:$0x3FAC] =	sst s2  }
0xb: {  	[smem:$0x3FAD] =	sst s3  }
0xc: {  	[smem:$0x3FAE] =	sst s4  }
0xd: {  	[smem:$0x3FAF] =	sst s5  }
0xe: {  	[smem:$0x3FB0] =	sst s6  }
0xf: {  	[smem:$0x3FB1] =	sst s7  }
0x10: {  	[smem:$0x3FB2] =	sst s8  }
0x11: {  	[smem:$0x3FB3] =	sst s9;
	s0 =	simm.s32 @!p0 $0x0  }
0x12: {  	s1 =	sld [smem:$0x3F99];
	s0 =	simm.s32 @p0 $0x1  }
0x13: {  	[smem:$0x3FB4] =	sst s0;
	s0 =	simm.s32 @!p1 $0x0  }
0x14: {  	s2 =	sld [smem:$0x3F98];
	s0 =	simm.s32 @p1 $0x1  }
0x15: {  	[smem:$0x3FB5] =	sst s0;
	s0 =	simm.s32 @!p2 $0x0  }
0x16: {  	s3 =	sld [smem:$0x3FDB];
	s0 =	simm.s32 @p2 $0x1  }
0x17: {  	s4 =	simm.s32 $0x1BF5;
	[smem:$0x3FB7] =	sst s0  }
0x18: {  	s0 =	sld [smem:$0x3F9A];
	_ =	swait.ge [sflag:s4], $0x0  }
0x19: {  	s7 =	sld [smem:$0x3F9B]  }
0x1a: {  	s8 =	sadd.s32 $0xFFFFE003, lr  }
0x1b: {  	s9 =	sadd.s32 $0xFFFFFEF7, lr;
	s5 =	simm.s32 $0xFFFFFFFF;
	p2 =	slt.u32 s8, $0xFFFFF086  }
0x1c: {  	p1 =	slt.u32 s9, $0xF7A;
	s5 =	simm.s32 @!p2 $0x0  }
0x1d: {  	s5 =	simm.s32 @p1 $0x1;
	p0 =	seq.s32 s7, s2  }
0x1e: {  	s7 =	smul.u32 @!p0 $0xF7A, s2;
	p2 =	seq.s32 @!p0 s5, $0x0  }
0x1f: {  	s9 =	smul.u32 $0xF7A, s1;
	s8 =	simm.s32 @!p0 $0x1BF5;
	p2 =	por !p2, p0  }
0x20: {  	[sflag:s8] =	ssyncset.s32 @!p0 $0xFFFFF086;
	s6 =	sadd.s32 @!p0 s3, s7;
	s7 =	simm.s32 @!p0 $0x108  }
0x21: {  	s3 =	sadd.s32 s3, s9;
	s6 =	sadd.s32 @!p0 $0x88, s6;
	s7 =	simm.s32 @p2 $0x1082  }
0x22: {  	[simem:s7], [sflag:s8] =	dma.local @!p0 [hbm:s6], $0xF7A  }
0x23: {  	s9 =	sor.u32 $0xD0000000, s2;
	s6 =	simm.s32 $0x108;
	_ =	swait.ge @!p0 [sflag:s8], $0x0  }
0x24: {  	s3 =	sadd.s32 $0x88, s3;
	s6 =	simm.s32 @!p1 $0x1082;
	[sflag:s4] =	ssyncset.s32 $0xFFFFF086  }
0x25: {  	[simem:s6], [sflag:s4] =	dma.local [hbm:s3], $0xF7A  }
0x26: {  	[smem:$0x3F9B] =	sst s1;
	(tag) =	ssettag s2;
	_ =	strace s9  }
0x27: {  	s1 =	sld [smem:$0x3FAB]  }
0x28: {  	s2 =	sld [smem:$0x3FAC]  }
0x29: {  	s4 =	sld [smem:$0x3FAE]  }
0x2a: {  	p0 =	seq.s32 s5, $0x0;
	s5 =	sld [smem:$0x3FAF]  }
0x2b: {  	s6 =	sld [smem:$0x3FB0]  }
0x2c: {  	s7 =	sld [smem:$0x3FB1]  }
0x2d: {  	s3 =	simm.s32 $0x108;
	s8 =	sld [smem:$0x3FB2]  }
0x2e: {  	s3 =	simm.s32 @!p0 $0x1082;
	s9 =	sld [smem:$0x3FB3]  }
0x2f: {  	lr =	sadd.s32 s0, s3;
	s0 =	sld [smem:$0x3FAA]  }
0x30: {  	s3 =	sld [smem:$0x3FAD]  }
0x31: {  	[smem:$0x3FB6] =	sst s10  }
0x32: {  	s10 =	sld [smem:$0x3FB4];
	_ =	sdelay $0x3  }
0x33: {  	p0 =	seq.s32 s10, $0x1;
	s10 =	sld [smem:$0x3FB6];
	_ =	sdelay $0x3  }
0x34: {  	[smem:$0x3FB6] =	sst s10  }
0x35: {  	s10 =	sld [smem:$0x3FB5];
	_ =	sdelay $0x3  }
0x36: {  	p1 =	seq.s32 s10, $0x1;
	s10 =	sld [smem:$0x3FB6];
	_ =	sdelay $0x3  }
0x37: {  	[smem:$0x3FB6] =	sst s10  }
0x38: {  	s10 =	sld [smem:$0x3FB7]  }
0x39: {  	_ = 	snop;
	(pc) =	sbr.ind lr, $3  }
0x3a: {  	_ = 	snop  }
0x3b: {  	_ = 	snop  }
0x3c: {  	p2 =	seq.s32 s10, $0x1;
	s10 =	sld [smem:$0x3FB6]  }
0x3d: {  	_ =	shalt  }
0x3e: {  	_ =	shalt  }
0x3f: {  	_ =	shalt  }
0x40: {  	_ =	shalt  }
0x41: {  	_ =	shalt  }
0x42: {  	_ =	shalt  }
0x43: {  	_ =	shalt  }
0x44: {  	_ =	shalt  }
0x45: {  	_ =	shalt  }
0x46: {  	_ =	shalt  }
0x47: {  	_ =	shalt  }
0x48: {  	_ =	shalt  }
0x49: {  	_ =	shalt  }
0x4a: {  	_ =	shalt  }
0x4b: {  	_ =	shalt  }
0x4c: {  	_ =	shalt  }
0x4d: {  	_ =	shalt  }
0x4e: {  	_ =	shalt  }
0x4f: {  	_ =	shalt  }
0x50: {  	_ =	shalt  }
0x51: {  	_ =	shalt  }
0x52: {  	_ =	shalt  }
0x53: {  	_ =	shalt  }
0x54: {  	_ =	shalt  }
0x55: {  	_ =	shalt  }
0x56: {  	_ =	shalt  }
0x57: {  	_ =	shalt  }
0x58: {  	_ =	shalt  }
0x59: {  	_ =	shalt  }
0x5a: {  	_ =	shalt  }
0x5b: {  	_ =	shalt  }
0x5c: {  	_ =	shalt  }
0x5d: {  	_ =	shalt  }
0x5e: {  	_ =	shalt  }
0x5f: {  	_ =	shalt  }
0x60: {  	_ =	shalt  }
0x61: {  	_ =	shalt  }
0x62: {  	_ =	shalt  }
0x63: {  	_ =	shalt  }
0x64: {  	_ =	shalt  }
0x65: {  	_ =	shalt  }
0x66: {  	_ =	shalt  }
0x67: {  	_ =	shalt  }
0x68: {  	_ =	shalt  }
0x69: {  	_ =	shalt  }
0x6a: {  	_ =	shalt  }
0x6b: {  	_ =	shalt  }
0x6c: {  	_ =	shalt  }
0x6d: {  	_ =	shalt  }
0x6e: {  	_ =	shalt  }
0x6f: {  	_ =	shalt  }
0x70: {  	_ =	shalt  }
0x71: {  	_ =	shalt  }
0x72: {  	_ =	shalt  }
0x73: {  	_ =	shalt  }
0x74: {  	_ =	shalt  }
0x75: {  	_ =	shalt  }
0x76: {  	_ =	shalt  }
0x77: {  	_ =	shalt  }
0x78: {  	_ =	shalt  }
0x79: {  	_ =	shalt  }
0x7a: {  	_ =	shalt  }
0x7b: {  	_ =	shalt  }
0x7c: {  	_ =	shalt  }
0x7d: {  	_ =	shalt  }
0x7e: {  	_ =	shalt  }
0x7f: {  	_ =	shalt  }
0x80: {  	_ =	shalt  }
0x81: {  	_ =	shalt  }
0x82: {  	_ =	shalt  }
0x83: {  	_ =	shalt  }
0x84: {  	_ =	shalt  }
0x85: {  	_ =	shalt  }
0x86: {  	_ =	shalt  }
0x87: {  	_ =	shalt  }
.Lfunc_end0:
.L_simem_size_0:
called_computation_lowered:
.L_overlay_start_0:
0x88: {  	s2 =	sld [smem:$0x3FD9]  }
0x89: {  	s3 =	sld [smem:$0x3FFE];
	_ =	sdelay $0x1  }
0x8a: {  	s1 =	srdreg.scid  }
0x8b: {  	s0 =	sand.u32 $0x1, s1  }
0x8c: {  	s14 =	sshll.u32 s0, $0xA;
	s2 =	sadd.s32 s3, s2  }
0x8d: {  	s2 =	sadd.s32 s2, s14  }
0x8e: {  	[smem:$0x3FC2] =	sst s2  }
0x8f: {  	_ = 	snop  }
0x90: {  	s2 =	sld [smem:$0x3FD0];
	_ =	sdelay $0x2  }
0x91: {  	s15 =	simm.s32 $0xA;
	s4 =	simm.s32 $0x10  }
0x92: {  	[smem:s4], [sflag:s15] =	dma.local [hbm:s2], $0x1  }
0x93: {  	_ =	swait.eq [sflag:s15], $0x1  }
0x94: {  	[sflag:s15] =	ssyncset.done $0x0  }
0x95: {  	[sflag:s15] =	ssyncadd.s32 $0xFFFFFFFF  }
0x96: {  	s16 =	sld [smem:$0x10];
	(tm) =	ssettm $0x1  }
0x97: {  	s17 =	sld [smem:$0x3FFB];
	_ =	sdelay $0x3  }
0x98: {  	_ =	strace s17  }
0x99: {  	s3 =	sld [smem:$0x3FFC];
	_ =	sdelay $0x3  }
0x9a: {  	_ =	strace s3  }
0x9b: {  	s3 =	sld [smem:$0x3FFD];
	_ =	sdelay $0x3  }
0x9c: {  	_ =	strace s3  }
0x9d: {  	_ =	strace $0x8FFFFFFF  }
0x9e: {  	s18 =	sld [smem:$0x3FDB];
	_ =	sdelay $0x1  }
0x9f: {  	s19 =	simm.s32 $_scs_section_size  }
0xa0: {  	s5 =	simm.s32 $_size__tile_overlayer_lowered;
	s6 =	simm.s32 $_tile_overlayer_lowered  }
0xa1: {  	s22 =	simm.s32 $0x1BFF;
	s21 =	sshll.u32 s6, $0x1;
	s3 =	sadd.s32 s19, s18  }
0xa2: {  	s7 =	simm.s32 $0x0;
	s20 =	sshll.u32 s5, $0x1;
	s5 =	sadd.s32 s21, s3  }
0xa3: {  	[timem:s7], [sflag:s22] =	dma.local [hbm:s5], s20  }
0xa4: {  	_ =	swait.ge [sflag:s22], s20  }
0xa5: {  	s4 =	ssub.s32 $0x0, s20;
	[sflag:s22] =	ssyncset.done $0x0  }
0xa6: {  	[sflag:s22] =	ssyncadd.s32 s4;
	_ =	sdelay $0x1  }
0xa7: {  	s23 =	simm.s32 $0x1B8B  }
0xa8: {  	_ =	swait.ge [sflag:s23], $0x1  }
0xa9: {  	[sflag:s23] =	ssyncset.done $0x0  }
0xaa: {  	s25 =	simm.s32 $0x1B8E;
	s24 =	sld [smem:$0x3FFE];
	[sflag:s23] =	ssyncadd.s32 $0xFFFFFFFF  }
0xab: {  	s26 =	simm.s32 $execute0_lowered;
	[smem:$0x3FD2] =	sst s25  }
0xac: {  	s5 =	sshll.u32 s26, $0x1;
	_ =	strace $0x80000046;
	[dreg:$0x1] =	wrdreg $0xFFFFFFFF  }
0xad: {  	s28 =	simm.s32 $_size_execute0_lowered;
	s3 =	sadd.s32 s3, s5;
	[dreg:$0x0] =	wrdreg $0x0  }
0xae: {  	s5 =	sshll.u32 s28, $0x1;
	[dreg:$0x2] =	wrdreg s3  }
0xaf: {  	[dreg:$0x3] =	wrdreg s5  }
0xb0: {  	[dreg:$0x4] =	wrdreg $0xC0  }
0xb1: {  	_ =	task [dreg:s7], $0x5FFFF  }
0xb2: {  	[dreg:$0x1] =	wrdreg $0xFFFFFFFF  }
0xb3: {  	[dreg:$0x0] =	wrdreg $0x60  }
0xb4: {  	[dreg:$0x2] =	wrdreg s24  }
0xb5: {  	[dreg:$0x3] =	wrdreg s16  }
0xb6: {  	[dreg:$0x4] =	wrdreg $0xFD400  }
0xb7: {  	[dreg:$0x5] =	wrdreg $0x9  }
0xb8: {  	_ =	task.clear_ibuf [dreg:s7], $0x6FFFF;
	_ =	strace $0x90000046  }
0xb9: {  	s29 =	simm.s32 $0x9;
	_ =	strace $0x80000048  }
0xba: {  	_ =	swait.ge [sflag:s29], $0x1  }
0xbb: {  	[sflag:s29] =	ssyncadd.s32 $0xFFFFFFFF  }
0xbc: {  	_ =	strace $0x90000048  }
0xbd: {  	_ =	sfence  }
0xbe: {  	s30 =	sld [smem:$0x0];
	_ =	sdelay $0x2  }
0xbf: {  	s31 =	sshll.u32 s1, $0xD;
	s1 =	sshrl.u32 s1, $0x2  }
0xc0: {  	s3 =	sand.u32 $0x4000, s31;
	s1 =	sadd.s32 s1, s30  }
0xc1: {  	s0 =	sor.u32 s3, s0;
	s1 =	sshll.u32 s1, $0x11  }
0xc2: {  	s0 =	sor.u32 s1, s0  }
0xc3: {  	s0 =	sadd.s32 $0x8F2B, s0  }
0xc4: {  	[sflag:s0] =	ssyncadd.remote.s32 $0x1  }
0xc5: {  	_ =	sfence.sel $0xFFFF  }
0xc6: {  	[dreg:$0x0] =	wrdreg $0xFFFFFFFF;
	(pc) =	sbr.abs _section_cstart, $3  }
0xc7: {  	[dreg:$0x1] =	wrdreg $0xFFFFFFFF  }
0xc8: {  	_ =	task.clear_ibuf [dreg:s7], $0x2FFFF;
	_ =	strace $0x9FFFFFFF  }
0xc9: {  	(tm) =	ssettm $0x7FFFFFFF  }
tec
execute0_lowered:
.L_overlay_start_1:
0x0: {  	(tag) =	ssettag $0x1  }
0x1: {  	s1 =	srdreg.scid;
	s4 =	rddreg [dreg:$0x0]  }
0x2: {  	s0 =	stileid.u32;
	s6 =	rddreg [dreg:$0x1]  }
0x3: {  	s11 =	simm.s32 $0x10;
	s12 =	simm.s32 $0x80;
	s13 =	simm.s32 $0x640  }
0x4: {  	s14 =	simm.s32 $0xC80;
	s15 =	simm.s32 $0x12C0;
	s16 =	simm.s32 $0x1900  }
0x5: {  	s17 =	simm.s32 $0x1F40;
	s23 =	simm.s32 $0x3268;
	s18 =	simm.s32 $0x2580  }
0x6: {  	s26 =	simm.s32 $0x32D0;
	s19 =	simm.s32 $0x2BC0;
	s30 =	simm.s32 $0x3338  }
0x7: {  	s20 =	simm.s32 $0x3200;
	s31 =	simm.s32 $0x33A0;
	s28 =	simm.s32 $0x2  }
0x8: {  	s1 =	sand.u32 $0x1, s1;
	s2 =	sshll.u32 s0, $0x1;
	s3 =	smul.u32 $0x3E, s0  }
0x9: {  	s29 =	simm.s32 $0x0;
	s10 =	smul.u32 $0xC800, s0;
	s2 =	sor.u32 s1, s2  }
0xa: {  	p0 =	slt.u32 s0, $0x4;
	s5 =	smul.u32 $0x1F, s1;
	s2 =	smin.u32 s2, $0x8  }
0xb: {  	s21 =	ssub.s32 $0x2, s1;
	s1 =	smul.u32 $0x19000, s1;
	s3 =	sadd.s32 s3, s2  }
0xc: {  	s2 =	rddreg [dreg:$0x2];
	s5 =	sadd.s32 s5, s3;
	s3 =	simm.s32 $0x0  }
0xd: {  	s22 =	sshrl.u32 s21, $0x1;
	s25 =	sshrl.u32 s10, $0x3;
	[smem:$0x7FF] =	sst s3  }
0xe: {  	s24 =	sadd.s32 s6, s1;
	_ =	strace $0x80000047;
	[dreg:$0x4] =	wrdreg s23  }
0xf: {  	s24 =	sadd.s32 s25, s24;
	s7 =	smul.u32 $0x640, s5;
	[dreg:$0x5] =	wrdreg s26  }
0x10: {  	s25 =	simm.s32 $0x3470;
	s5 =	smul.u32 $0x68, s5;
	[dreg:$0x6] =	wrdreg s30  }
0x11: {  	[dreg:$0x7] =	wrdreg s31;
	s23 =	simm.s32 $0x3408;
	s26 =	simm.s32 $0x34D8  }
0x12: {  	s8 =	sadd.s32 s7, s4;
	s9 =	sadd.s32 s5, s4;
	s4 =	simm.s32 $0x20  }
0x13: {  	s7 =	ssub.s32 s21, s22;
	s5 =	sadd.s32 s10, s2;
	s10 =	simm.s32 $0x3  }
0x14: {  	s21 =	simm.s32 $0x1;
	s22 =	simm.s32 $0x64;
	s4 =	simm.s32 @!p0 $0x1F  }
0x15: {  	v0 =	vimm.f32 $0.0e+00;
	s6 =	smax.u32 s7, $0x1;
	s7 =	sadd.s32 $0x1400, s9;
	s1 =	sadd.s32 $0x1AC00, s8  }
.LBB2_1:
0x16: {  	s8 =	simm.s32 $0x40;
	s30 =	simm.s32 $0x0  }
.LBB2_2:
0x17: {  	p0 =	sne.s32 s8, $0x31FC0;
	[tilespmem:s30+$0x3540] =	vst v0;
	s30 =	smov.u32 s8;
	s8 =	sadd.s32 $0x40, s8  }
.Ltmp0:
0x18: {  	(pc) =	sbr.rel @p0 .LBB2_2-.Ltmp0, $2  }
0x19: {  	_ =	sdelay $0x2  }
0x1a: {  	s30 =	sshra.s32 s30, $0x2  }
0x1b: {  	[tilespmem:s30+$0x3540] =	vst v0;
	s0 =	simm.s32 $0x3540  }
0x1c: {  	[spmem:s5] =	stream.linear.scatter [tilespmem:s0], [sflag:$0x3], $0xC800, $0x38;
	[tilespmem:$0x1C540] =	vst v63  }
0x1d: {  	_ =	swait.ge [sflag:s10], $0xC800  }
0x1e: {  	[sflag:s10] =	ssyncset.done $0x0  }
0x1f: {  	[sflag:s10] =	ssyncadd.s32 $0xFFFF3800  }
0x20: {  	[bflag:$0x0] =	sbarrier.arrive $0xFFFF  }
0x21: {  	[tilespmem:s3], [sflag:$0x1] =	stream.strided.gather [hbm4b:s1+s11], $0x640, s12, s11, $0x38;
	[tilespmem:$0x1C540] =	vst v63  }
0x22: {  	s8 =	sadd.s32 $0x2, s1  }
0x23: {  	[tilespmem:s13], [sflag:$0x1] =	stream.strided.gather [hbm4b:s8+s11], $0x640, s12, s11, $0x38;
	[tilespmem:$0x1C540] =	vst v63  }
0x24: {  	s0 =	sadd.s32 $0x4, s1  }
0x25: {  	[tilespmem:s14], [sflag:$0x1] =	stream.strided.gather [hbm4b:s0+s11], $0x640, s12, s11, $0x38;
	[tilespmem:$0x1C540] =	vst v63  }
0x26: {  	s9 =	sadd.s32 $0x6, s1  }
0x27: {  	[tilespmem:s15], [sflag:$0x1] =	stream.strided.gather [hbm4b:s9+s11], $0x640, s12, s11, $0x38;
	[tilespmem:$0x1C540] =	vst v63  }
0x28: {  	s0 =	sadd.s32 $0x8, s1  }
0x29: {  	[tilespmem:s16], [sflag:$0x1] =	stream.strided.gather [hbm4b:s0+s11], $0x640, s12, s11, $0x38;
	[tilespmem:$0x1C540] =	vst v63  }
0x2a: {  	s9 =	sadd.s32 $0xA, s1  }
0x2b: {  	[tilespmem:s17], [sflag:$0x1] =	stream.strided.gather [hbm4b:s9+s11], $0x640, s12, s11, $0x38;
	[tilespmem:$0x1C540] =	vst v63  }
0x2c: {  	s0 =	sadd.s32 $0xC, s1  }
0x2d: {  	[tilespmem:s18], [sflag:$0x1] =	stream.strided.gather [hbm4b:s0+s11], $0x640, s12, s11, $0x38;
	[tilespmem:$0x1C540] =	vst v63  }
0x2e: {  	s9 =	sadd.s32 $0xE, s1  }
0x2f: {  	[tilespmem:s19], [sflag:$0x1] =	stream.strided.gather [hbm4b:s9+s11], $0x640, s12, s11, $0x38;
	[tilespmem:$0x1C540] =	vst v63  }
0x30: {  	_ = 	snop  }
0x31: {  	[tilespmem:s20], [sflag:$0x3] =	stream.linear.gather [hbm4b:s7+s3], $0x340, $0x38;
	[tilespmem:$0x1C540] =	vst v63  }
0x32: {  	_ =	swait.ge [sflag:s10], $0x340  }
0x33: {  	[sflag:s10] =	ssyncset.done $0x0  }
0x34: {  	[sflag:s10] =	ssyncadd.s32 $0xFFFFFCC0  }
0x35: {  	_ =	swait.ge [sflag:s21], $0x640  }
0x36: {  	[sflag:s21] =	ssyncset.done $0x0  }
0x37: {  	[sflag:s21] =	ssyncadd.s32 $0xFFFFF9C0  }
0x38: {  	_ =	swait.ge [sflag:s21], $0x640  }
0x39: {  	[sflag:s21] =	ssyncset.done $0x0  }
0x3a: {  	[sflag:s21] =	ssyncadd.s32 $0xFFFFF9C0  }
0x3b: {  	_ =	swait.ge [sflag:s21], $0x640  }
0x3c: {  	[sflag:s21] =	ssyncset.done $0x0  }
0x3d: {  	[sflag:s21] =	ssyncadd.s32 $0xFFFFF9C0  }
0x3e: {  	_ =	swait.ge [sflag:s21], $0x640  }
0x3f: {  	[sflag:s21] =	ssyncset.done $0x0  }
0x40: {  	[sflag:s21] =	ssyncadd.s32 $0xFFFFF9C0  }
0x41: {  	_ =	swait.ge [sflag:s21], $0x640  }
0x42: {  	[sflag:s21] =	ssyncset.done $0x0  }
0x43: {  	[sflag:s21] =	ssyncadd.s32 $0xFFFFF9C0  }
0x44: {  	_ =	swait.ge [sflag:s21], $0x640  }
0x45: {  	[sflag:s21] =	ssyncset.done $0x0  }
0x46: {  	[sflag:s21] =	ssyncadd.s32 $0xFFFFF9C0  }
0x47: {  	_ =	swait.ge [sflag:s21], $0x640  }
0x48: {  	[sflag:s21] =	ssyncset.done $0x0  }
0x49: {  	[sflag:s21] =	ssyncadd.s32 $0xFFFFF9C0  }
0x4a: {  	_ =	swait.ge [sflag:s21], $0x640  }
0x4b: {  	[sflag:s21] =	ssyncset.done $0x0  }
0x4c: {  	[sflag:s21] =	ssyncadd.s32 $0xFFFFF9C0  }
0x4d: {  	[spmem:s2] =	stream.indirect.scatter.add.f32 [tilespmem:s3], [sflag:$0x2], $0x10, s20, s22, $0xb8;
	[tilespmem:$0x1C540] =	vst v63  }
0x4e: {  	s0 =	rddreg [dreg:$0x4]  }
0x4f: {  	[spmem:s2] =	stream.indirect.scatter.add.f32 [tilespmem:s13], [sflag:$0x2], $0x10, s0, s22, $0xb8;
	[tilespmem:$0x1C540] =	vst v63  }
0x50: {  	s30 =	rddreg [dreg:$0x5]  }
0x51: {  	[spmem:s2] =	stream.indirect.scatter.add.f32 [tilespmem:s14], [sflag:$0x2], $0x10, s30, s22, $0xb8;
	[tilespmem:$0x1C540] =	vst v63  }
0x52: {  	s9 =	rddreg [dreg:$0x6]  }
0x53: {  	[spmem:s2] =	stream.indirect.scatter.add.f32 [tilespmem:s15], [sflag:$0x2], $0x10, s9, s22, $0xb8;
	[tilespmem:$0x1C540] =	vst v63  }
0x54: {  	s30 =	rddreg [dreg:$0x7]  }
0x55: {  	[spmem:s2] =	stream.indirect.scatter.add.f32 [tilespmem:s16], [sflag:$0x2], $0x10, s30, s22, $0xb8;
	[tilespmem:$0x1C540] =	vst v63  }
0x56: {  	_ = 	snop  }
0x57: {  	[spmem:s2] =	stream.indirect.scatter.add.f32 [tilespmem:s17], [sflag:$0x2], $0x10, s23, s22, $0xb8;
	[tilespmem:$0x1C540] =	vst v63  }
0x58: {  	_ = 	snop  }
0x59: {  	[spmem:s2] =	stream.indirect.scatter.add.f32 [tilespmem:s18], [sflag:$0x2], $0x10, s25, s22, $0xb8;
	[tilespmem:$0x1C540] =	vst v63  }
0x5a: {  	_ = 	snop  }
0x5b: {  	[spmem:s2] =	stream.indirect.scatter.add.f32 [tilespmem:s19], [sflag:$0x2], $0x10, s26, s22, $0xb8;
	[tilespmem:$0x1C540] =	vst v63  }
0x5c: {  	_ =	swait.ge [sflag:s28], $0x640  }
0x5d: {  	[sflag:s28] =	ssyncset.done $0x0  }
0x5e: {  	[sflag:s28] =	ssyncadd.s32 $0xFFFFF9C0  }
0x5f: {  	_ =	swait.ge [sflag:s28], $0x640  }
0x60: {  	[sflag:s28] =	ssyncset.done $0x0  }
0x61: {  	[sflag:s28] =	ssyncadd.s32 $0xFFFFF9C0  }
0x62: {  	_ =	swait.ge [sflag:s28], $0x640  }
0x63: {  	[sflag:s28] =	ssyncset.done $0x0  }
0x64: {  	[sflag:s28] =	ssyncadd.s32 $0xFFFFF9C0  }
0x65: {  	_ =	swait.ge [sflag:s28], $0x640  }
0x66: {  	[sflag:s28] =	ssyncset.done $0x0  }
0x67: {  	[sflag:s28] =	ssyncadd.s32 $0xFFFFF9C0  }
0x68: {  	_ =	swait.ge [sflag:s28], $0x640  }
0x69: {  	[sflag:s28] =	ssyncset.done $0x0  }
0x6a: {  	[sflag:s28] =	ssyncadd.s32 $0xFFFFF9C0  }
0x6b: {  	_ =	swait.ge [sflag:s28], $0x640  }
0x6c: {  	[sflag:s28] =	ssyncset.done $0x0  }
0x6d: {  	p0 =	sne.s32 s4, $0x1;
	[sflag:s28] =	ssyncadd.s32 $0xFFFFF9C0  }
.Ltmp1:
0x6e: {  	_ =	swait.ge [sflag:s28], $0x640;
	(pc) =	sbr.rel @!p0 .LBB2_5-.Ltmp1, $4  }
0x6f: {  	[sflag:s28] =	ssyncset.done $0x0  }
0x70: {  	[sflag:s28] =	ssyncadd.s32 $0xFFFFF9C0  }
0x71: {  	s31 =	smov.u32 s7;
	_ =	swait.ge [sflag:s28], $0x640  }
0x72: {  	s8 =	smov.u32 s1;
	s30 =	sadd.s32 $0xFFFFFFFF, s4;
	[sflag:s28] =	ssyncset.done $0x0  }
.LBB2_4:
0x73: {  	[sflag:s28] =	ssyncadd.s32 $0xFFFFF9C0;
	s8 =	sadd.s32 $0x640, s8  }
0x74: {  	[tilespmem:s3], [sflag:$0x1] =	stream.strided.gather [hbm4b:s8+s11], $0x640, s12, s11, $0x38;
	[tilespmem:$0x1C540] =	vst v63  }
0x75: {  	s9 =	sadd.s32 $0x2, s8  }
0x76: {  	[tilespmem:s13], [sflag:$0x1] =	stream.strided.gather [hbm4b:s9+s11], $0x640, s12, s11, $0x38;
	[tilespmem:$0x1C540] =	vst v63  }
0x77: {  	s0 =	sadd.s32 $0x4, s8  }
0x78: {  	[tilespmem:s14], [sflag:$0x1] =	stream.strided.gather [hbm4b:s0+s11], $0x640, s12, s11, $0x38;
	[tilespmem:$0x1C540] =	vst v63  }
0x79: {  	s0 =	sadd.s32 $0x6, s8  }
0x7a: {  	[tilespmem:s15], [sflag:$0x1] =	stream.strided.gather [hbm4b:s0+s11], $0x640, s12, s11, $0x38;
	[tilespmem:$0x1C540] =	vst v63  }
0x7b: {  	s0 =	sadd.s32 $0x8, s8  }
0x7c: {  	[tilespmem:s16], [sflag:$0x1] =	stream.strided.gather [hbm4b:s0+s11], $0x640, s12, s11, $0x38;
	[tilespmem:$0x1C540] =	vst v63  }
0x7d: {  	s0 =	sadd.s32 $0xA, s8  }
0x7e: {  	[tilespmem:s17], [sflag:$0x1] =	stream.strided.gather [hbm4b:s0+s11], $0x640, s12, s11, $0x38;
	[tilespmem:$0x1C540] =	vst v63  }
0x7f: {  	s0 =	sadd.s32 $0xC, s8  }
0x80: {  	[tilespmem:s18], [sflag:$0x1] =	stream.strided.gather [hbm4b:s0+s11], $0x640, s12, s11, $0x38;
	[tilespmem:$0x1C540] =	vst v63  }
0x81: {  	s0 =	sadd.s32 $0xE, s8  }
0x82: {  	[tilespmem:s19], [sflag:$0x1] =	stream.strided.gather [hbm4b:s0+s11], $0x640, s12, s11, $0x38;
	[tilespmem:$0x1C540] =	vst v63  }
0x83: {  	s31 =	sadd.s32 $0x68, s31  }
0x84: {  	[tilespmem:s20], [sflag:$0x3] =	stream.linear.gather [hbm4b:s31+s3], $0x340, $0x38;
	[tilespmem:$0x1C540] =	vst v63  }
0x85: {  	_ =	swait.ge [sflag:s10], $0x340  }
0x86: {  	[sflag:s10] =	ssyncset.done $0x0  }
0x87: {  	[sflag:s10] =	ssyncadd.s32 $0xFFFFFCC0  }
0x88: {  	_ =	swait.ge [sflag:s21], $0x640  }
0x89: {  	[sflag:s21] =	ssyncset.done $0x0  }
0x8a: {  	[sflag:s21] =	ssyncadd.s32 $0xFFFFF9C0  }
0x8b: {  	_ =	swait.ge [sflag:s21], $0x640  }
0x8c: {  	[sflag:s21] =	ssyncset.done $0x0  }
0x8d: {  	[sflag:s21] =	ssyncadd.s32 $0xFFFFF9C0  }
0x8e: {  	_ =	swait.ge [sflag:s21], $0x640  }
0x8f: {  	[sflag:s21] =	ssyncset.done $0x0  }
0x90: {  	[sflag:s21] =	ssyncadd.s32 $0xFFFFF9C0  }
0x91: {  	_ =	swait.ge [sflag:s21], $0x640  }
0x92: {  	[sflag:s21] =	ssyncset.done $0x0  }
0x93: {  	[sflag:s21] =	ssyncadd.s32 $0xFFFFF9C0  }
0x94: {  	_ =	swait.ge [sflag:s21], $0x640  }
0x95: {  	[sflag:s21] =	ssyncset.done $0x0  }
0x96: {  	[sflag:s21] =	ssyncadd.s32 $0xFFFFF9C0  }
0x97: {  	_ =	swait.ge [sflag:s21], $0x640  }
0x98: {  	[sflag:s21] =	ssyncset.done $0x0  }
0x99: {  	[sflag:s21] =	ssyncadd.s32 $0xFFFFF9C0  }
0x9a: {  	_ =	swait.ge [sflag:s21], $0x640  }
0x9b: {  	[sflag:s21] =	ssyncset.done $0x0  }
0x9c: {  	[sflag:s21] =	ssyncadd.s32 $0xFFFFF9C0  }
0x9d: {  	_ =	swait.ge [sflag:s21], $0x640  }
0x9e: {  	[sflag:s21] =	ssyncset.done $0x0  }
0x9f: {  	[sflag:s21] =	ssyncadd.s32 $0xFFFFF9C0  }
0xa0: {  	[spmem:s2] =	stream.indirect.scatter.add.f32 [tilespmem:s3], [sflag:$0x2], $0x10, s20, s22, $0xb8;
	[tilespmem:$0x1C540] =	vst v63  }
0xa1: {  	s9 =	rddreg [dreg:$0x4]  }
0xa2: {  	[spmem:s2] =	stream.indirect.scatter.add.f32 [tilespmem:s13], [sflag:$0x2], $0x10, s9, s22, $0xb8;
	[tilespmem:$0x1C540] =	vst v63  }
0xa3: {  	s0 =	rddreg [dreg:$0x5]  }
0xa4: {  	[spmem:s2] =	stream.indirect.scatter.add.f32 [tilespmem:s14], [sflag:$0x2], $0x10, s0, s22, $0xb8;
	[tilespmem:$0x1C540] =	vst v63  }
0xa5: {  	s9 =	rddreg [dreg:$0x6]  }
0xa6: {  	[spmem:s2] =	stream.indirect.scatter.add.f32 [tilespmem:s15], [sflag:$0x2], $0x10, s9, s22, $0xb8;
	[tilespmem:$0x1C540] =	vst v63  }
0xa7: {  	s0 =	rddreg [dreg:$0x7]  }
0xa8: {  	[spmem:s2] =	stream.indirect.scatter.add.f32 [tilespmem:s16], [sflag:$0x2], $0x10, s0, s22, $0xb8;
	[tilespmem:$0x1C540] =	vst v63  }
0xa9: {  	_ = 	snop  }
0xaa: {  	[spmem:s2] =	stream.indirect.scatter.add.f32 [tilespmem:s17], [sflag:$0x2], $0x10, s23, s22, $0xb8;
	[tilespmem:$0x1C540] =	vst v63  }
0xab: {  	_ = 	snop  }
0xac: {  	[spmem:s2] =	stream.indirect.scatter.add.f32 [tilespmem:s18], [sflag:$0x2], $0x10, s25, s22, $0xb8;
	[tilespmem:$0x1C540] =	vst v63  }
0xad: {  	_ = 	snop  }
0xae: {  	[spmem:s2] =	stream.indirect.scatter.add.f32 [tilespmem:s19], [sflag:$0x2], $0x10, s26, s22, $0xb8;
	[tilespmem:$0x1C540] =	vst v63  }
0xaf: {  	_ =	swait.ge [sflag:s28], $0x640  }
0xb0: {  	[sflag:s28] =	ssyncset.done $0x0  }
0xb1: {  	[sflag:s28] =	ssyncadd.s32 $0xFFFFF9C0  }
0xb2: {  	_ =	swait.ge [sflag:s28], $0x640  }
0xb3: {  	[sflag:s28] =	ssyncset.done $0x0  }
0xb4: {  	[sflag:s28] =	ssyncadd.s32 $0xFFFFF9C0  }
0xb5: {  	_ =	swait.ge [sflag:s28], $0x640  }
0xb6: {  	[sflag:s28] =	ssyncset.done $0x0  }
0xb7: {  	[sflag:s28] =	ssyncadd.s32 $0xFFFFF9C0  }
0xb8: {  	_ =	swait.ge [sflag:s28], $0x640  }
0xb9: {  	[sflag:s28] =	ssyncset.done $0x0  }
0xba: {  	[sflag:s28] =	ssyncadd.s32 $0xFFFFF9C0  }
0xbb: {  	_ =	swait.ge [sflag:s28], $0x640  }
0xbc: {  	[sflag:s28] =	ssyncset.done $0x0  }
0xbd: {  	[sflag:s28] =	ssyncadd.s32 $0xFFFFF9C0  }
0xbe: {  	_ =	swait.ge [sflag:s28], $0x640  }
0xbf: {  	[sflag:s28] =	ssyncset.done $0x0  }
0xc0: {  	p0 =	sne.s32 s30, $0x1;
	[sflag:s28] =	ssyncadd.s32 $0xFFFFF9C0  }
.Ltmp2:
0xc1: {  	_ =	swait.ge [sflag:s28], $0x640;
	(pc) =	sbr.rel @p0 .LBB2_4-.Ltmp2, $4  }
0xc2: {  	[sflag:s28] =	ssyncset.done $0x0  }
0xc3: {  	[sflag:s28] =	ssyncadd.s32 $0xFFFFF9C0  }
0xc4: {  	_ =	swait.ge [sflag:s28], $0x640  }
0xc5: {  	s30 =	sadd.s32 $0xFFFFFFFF, s30;
	[sflag:s28] =	ssyncset.done $0x0  }
.LBB2_5:
0xc6: {  	[sflag:s28] =	ssyncadd.s32 $0xFFFFF9C0;
	s0 =	stileid.u32;
	s29 =	sadd.s32 $0x1, s29  }
0xc7: {  	s8 =	sshrl.u32 s5, $0x3;
	s0 =	sshll.u32 s0, $0x6;
	p0 =	sne.s32 s29, s6  }
.Ltmp3:
0xc8: {  	[bflag:$0x0] =	sbarrier.arrive $0xFFFF;
	s0 =	sor.u32 $0x1C03, s0;
	(pc) =	sbr.rel @p0 .LBB2_1-.Ltmp3, $4  }
0xc9: {  	[hbm:s24], [sflag:s0] =	dma.local [spmem:s8], $0x1900  }
0xca: {  	_ =	swait.ge [sflag:s10], $0x1900  }
0xcb: {  	[sflag:s10] =	ssyncset.done $0x0  }
0xcc: {  	[sflag:s10] =	ssyncadd.s32 $0xFFFFE700  }
0xcd: {  	_ =	sfence.sel $0x180000  }
0xce: {  	[bflag:$0x0] =	sbarrier.arrive $0xFFFF  }
0xcf: {  	_ =	strace $0x90000047  }
0xd0: {  	s0 =	stileid.u32;
	[bflag:$0x2] =	sbarrier.arrive $0xFFFF  }
0xd1: {  	p0 =	sne.s32 s0, $0x0;
	s0 =	rddreg [dreg:$0x3]  }
0xd2: {  	s0 =	sadd.s32 @!p0 $0x100000, s0  }
0xd3: {  	[sflag:s0] =	ssyncadd.tile.s32 @!p0 $0x1;
	_ =	shalt  }
.Lfunc_end2:
_tile_overlayer_lowered:
.L_overlay_start_2:
0xd4: {  	(tag) =	ssettag $0x2  }
0xd5: {  	s0 =	rddreg [dreg:$0x0];
	s2 =	stileid.u32  }
0xd6: {  	s1 =	rddreg [dreg:$0x1];
	p0 =	sne.s32 s2, $0x0  }
0xd7: {  	s3 =	rddreg [dreg:$0x2];
	[bflag:$0x3] =	sbarrier.arrive $0xFFFF;
	s2 =	simm.s32 @!p0 $0x1C03  }
0xd8: {  	[timem:s3], [sflag:s2] =	dma.local @!p0 [hbm:s0], s1  }
0xd9: {  	s0 =	simm.s32 @!p0 $0x3  }
0xda: {  	_ =	swait.ge @!p0 [sflag:s0], s1  }
0xdb: {  	s1 =	ssub.s32 @!p0 $0x0, s1;
	[sflag:s0] =	ssyncset.done @!p0 $0x0  }
0xdc: {  	[sflag:s0] =	ssyncadd.s32 @!p0 s1  }
0xdd: {  	[bflag:$0x3] =	sbarrier.arrive $0xFFFF  }
0xde: {  	_ =	shalt  }

</sc_bundles>
